<compile_context>
chip_gen: v7x
topology: tpu7x:2x2x1
jax: 0.10.2.dev20260603
libtpu: 0.0.44.dev20260713+nightly
codegen_flags: <defaults>
</compile_context>

<pallas_src>
import functools
import jax
import jax.numpy as jnp
from jax.experimental import pallas as pl
from jax.experimental.pallas import tpu as pltpu
from jax.experimental.pallas import tpu_sc as plsc

T = 2048
D = 1024
NH = 16
NKV = 4
HD = 64
E = 8
TOPK = 2
NG = 4
TG = 2
DFF = 512
EPS = 1e-05

BT = 256
NBT = T // BT
BQ = 512
NBQ = T // BQ

BTM = 256
NRT = 24
NPAD = NRT * BTM
NWORK = 32
TPW = T // NWORK

_HIGH = jax.lax.Precision.HIGHEST


def _rms(x, w, eps=EPS):
    v = jnp.mean(x * x, axis=-1, keepdims=True)
    return x * jax.lax.rsqrt(v + eps) * w


def _dot_nt(a, b):
    return jax.lax.dot_general(
        a.astype(jnp.bfloat16), b.astype(jnp.bfloat16),
        (((1,), (1,)), ((), ())), preferred_element_type=jnp.float32)



def _k1_body(h_ref, ln1_ref, qkvw_ref, gatew_ref, qn_ref, kn_ref,
             q_out, k_out, v_out, gate_out):
    x = h_ref[...]
    xn = _rms(x, ln1_ref[...])
    y = _dot_nt(xn, qkvw_ref[...])
    gate_out[...] = _dot_nt(xn, gatew_ref[...]).astype(jnp.bfloat16)
    qn = qn_ref[...]
    kn = kn_ref[...]
    for h in range(NH):
        qh = _rms(y[:, h * HD:(h + 1) * HD], qn) * (HD ** -0.5)
        q_out[h] = qh.astype(jnp.bfloat16)
    for h in range(NKV):
        kb = NH * HD + h * HD
        k_out[h] = _rms(y[:, kb:kb + HD], kn).astype(jnp.bfloat16)
        vb = (NH + NKV) * HD + h * HD
        v_out[h] = y[:, vb:vb + HD].astype(jnp.bfloat16)


def _k1(h, ln1_w, qkv_w, attn_gate_w, q_norm_w, k_norm_w):
    return pl.pallas_call(
        _k1_body,
        grid=(NBT,),
        in_specs=[
            pl.BlockSpec((BT, D), lambda i: (i, 0)),
            pl.BlockSpec((1, D), lambda i: (0, 0)),
            pl.BlockSpec(((NH + 2 * NKV) * HD, D), lambda i: (0, 0)),
            pl.BlockSpec((NH * HD, D), lambda i: (0, 0)),
            pl.BlockSpec((1, HD), lambda i: (0, 0)),
            pl.BlockSpec((1, HD), lambda i: (0, 0)),
        ],
        out_specs=[
            pl.BlockSpec((NH, BT, HD), lambda i: (0, i, 0)),
            pl.BlockSpec((NKV, BT, HD), lambda i: (0, i, 0)),
            pl.BlockSpec((NKV, BT, HD), lambda i: (0, i, 0)),
            pl.BlockSpec((BT, NH * HD), lambda i: (i, 0)),
        ],
        out_shape=[
            jax.ShapeDtypeStruct((NH, T, HD), jnp.bfloat16),
            jax.ShapeDtypeStruct((NKV, T, HD), jnp.bfloat16),
            jax.ShapeDtypeStruct((NKV, T, HD), jnp.bfloat16),
            jax.ShapeDtypeStruct((T, NH * HD), jnp.bfloat16),
        ],
    )(h, ln1_w.reshape(1, D), qkv_w, attn_gate_w,
      q_norm_w.reshape(1, HD), k_norm_w.reshape(1, HD))



def _attn_body(q_ref, k_ref, v_ref, mask_ref, o_ref):
    i = pl.program_id(1)
    hpg = NH // NKV
    qs = [q_ref[j] for j in range(hpg)]

    def pexp(s):
        return jnp.exp(jnp.minimum(s, 30.0))

    def chunk(kb, vb, carry, maskf=None):
        ls, accs = carry
        ss = [jax.lax.dot_general(qj, kb, (((1,), (1,)), ((), ())),
                                  preferred_element_type=jnp.float32)
              for qj in qs]
        ps = [pexp(s) for s in ss]
        if maskf is not None:
            ps = [p * maskf for p in ps]
        ls = tuple(l + jnp.sum(p, axis=-1, keepdims=True)
                   for l, p in zip(ls, ps))
        accs = tuple(acc + jax.lax.dot_general(
            p.astype(jnp.bfloat16), vb, (((1,), (0,)), ((), ())),
            preferred_element_type=jnp.float32)
            for acc, p in zip(accs, ps))
        return ls, accs

    def body(j, carry):
        kb = k_ref[0, pl.ds(j * BQ, BQ), :]
        vb = v_ref[0, pl.ds(j * BQ, BQ), :]
        return chunk(kb, vb, carry)

    z1 = jnp.zeros((BQ, 1), jnp.float32)
    za = jnp.zeros((BQ, HD), jnp.float32)
    carry = ((z1,) * hpg, (za,) * hpg)
    carry = jax.lax.fori_loop(0, i, body, carry)

    kb = k_ref[0, pl.ds(i * BQ, BQ), :]
    vb = v_ref[0, pl.ds(i * BQ, BQ), :]
    ls, accs = chunk(kb, vb, carry, mask_ref[...])

    for j in range(hpg):
        o_ref[j] = (accs[j] / ls[j]).astype(jnp.bfloat16)


def _k2(q, k, v, mask):
    rep = NH // NKV
    return pl.pallas_call(
        _attn_body,
        grid=(NKV, NBQ),
        in_specs=[
            pl.BlockSpec((rep, BQ, HD), lambda h, i: (h, i, 0)),
            pl.BlockSpec((1, T, HD), lambda h, i: (h, 0, 0)),
            pl.BlockSpec((1, T, HD), lambda h, i: (h, 0, 0)),
            pl.BlockSpec((BQ, BQ), lambda h, i: (0, 0)),
        ],
        out_specs=pl.BlockSpec((rep, BQ, HD), lambda h, i: (h, i, 0)),
        out_shape=jax.ShapeDtypeStruct((NH, T, HD), jnp.bfloat16),
    )(q, k, v, mask)



def _rank_lt_t(m, kmax, n):
    rank = jnp.zeros_like(m)
    e_idx = jax.lax.broadcasted_iota(jnp.int32, m.shape, 0)
    for r in range(1, n):
        m_rot = jnp.concatenate([m[r:, :], m[:r, :]], axis=0)
        beat = (m_rot > m) | ((m_rot == m) & (e_idx >= n - r))
        rank = rank + beat.astype(jnp.float32)
    return (rank < kmax).astype(jnp.float32)


def _dot_high(a, b):
    return jax.lax.dot_general(a, b, (((1,), (0,)), ((), ())),
                               preferred_element_type=jnp.float32,
                               precision=_HIGH)


def _lt8():
    ea = jax.lax.broadcasted_iota(jnp.int32, (E, E), 0)
    eb = jax.lax.broadcasted_iota(jnp.int32, (E, E), 1)
    return (eb < ea).astype(jnp.float32)


def _k3_body(o_ref, gate_ref, res_ref, ow_ref, ln2_ref, rw_ref, bias_ref,
             h2_out, hn2_out, cmb_out, rank_out, off_out, cnt_ref):
    i = pl.program_id(0)

    @pl.when(i == 0)
    def _init():
        cnt_ref[...] = jnp.zeros((E, 1), jnp.float32)

    og = o_ref[...] * jax.nn.sigmoid(gate_ref[...])
    h2 = _dot_nt(og, ow_ref[...]) + res_ref[...]
    h2_out[...] = h2
    hn2 = _rms(h2, ln2_ref[...])
    hn2_out[...] = hn2

    logits = jax.lax.dot_general(
        rw_ref[...], hn2, (((1,), (1,)), ((), ())),
        preferred_element_type=jnp.float32, precision=_HIGH)
    scores = jax.nn.sigmoid(logits)
    sfc = scores + bias_ref[...]

    epg = E // NG
    pg = jax.lax.broadcasted_iota(jnp.int32, (NG, E), 0)
    pe = jax.lax.broadcasted_iota(jnp.int32, (NG, E), 1)
    pair = ((pe // epg) == pg).astype(jnp.float32)
    gs = _dot_high(pair, sfc)

    sel_g = _rank_lt_t(gs, TG, NG)
    ee = jax.lax.broadcasted_iota(jnp.int32, (E, NG), 0)
    gg = jax.lax.broadcasted_iota(jnp.int32, (E, NG), 1)
    expand = (gg == (ee // epg)).astype(jnp.float32)
    mask_e = _dot_high(expand, sel_g)

    masked = jnp.where(mask_e > 0.5, sfc, -1e30)
    sel_e = _rank_lt_t(masked, TOPK, E)
    w = scores * sel_e
    denom = jnp.sum(w, axis=0, keepdims=True) + 1e-20
    cmb_out[...] = w / denom

    lr = jax.lax.broadcasted_iota(jnp.int32, (BT, BT), 0)
    lc = jax.lax.broadcasted_iota(jnp.int32, (BT, BT), 1)
    ltl = (lr < lc).astype(jnp.float32)
    rank_blk = _dot_high(sel_e, ltl)
    rank_out[...] = rank_blk + cnt_ref[...]
    new_cnt = cnt_ref[...] + jnp.sum(sel_e, axis=1, keepdims=True)
    cnt_ref[...] = new_cnt
    padded = jnp.floor((new_cnt + (BTM - 1)) * (1.0 / BTM)) * BTM
    off_out[...] = _dot_high(_lt8(), padded)


def _k3(o2, gate, res, o_w, ln2_w, router_w, expert_bias):
    return pl.pallas_call(
        _k3_body,
        grid=(NBT,),
        in_specs=[
            pl.BlockSpec((BT, D), lambda i: (i, 0)),
            pl.BlockSpec((BT, D), lambda i: (i, 0)),
            pl.BlockSpec((BT, D), lambda i: (i, 0)),
            pl.BlockSpec((D, D), lambda i: (0, 0)),
            pl.BlockSpec((1, D), lambda i: (0, 0)),
            pl.BlockSpec((E, D), lambda i: (0, 0)),
            pl.BlockSpec((E, 1), lambda i: (0, 0)),
        ],
        out_specs=[
            pl.BlockSpec((BT, D), lambda i: (i, 0)),
            pl.BlockSpec((BT, D), lambda i: (i, 0)),
            pl.BlockSpec((E, BT), lambda i: (0, i)),
            pl.BlockSpec((E, BT), lambda i: (0, i)),
            pl.BlockSpec((E, 1), lambda i: (0, 0)),
        ],
        out_shape=[
            jax.ShapeDtypeStruct((T, D), jnp.float32),
            jax.ShapeDtypeStruct((T, D), jnp.float32),
            jax.ShapeDtypeStruct((E, T), jnp.float32),
            jax.ShapeDtypeStruct((E, T), jnp.float32),
            jax.ShapeDtypeStruct((E, 1), jnp.float32),
        ],
        scratch_shapes=[pltpu.VMEM((E, 1), jnp.float32)],
    )(o2, gate, res, o_w, ln2_w.reshape(1, D), router_w,
      expert_bias.reshape(E, 1))



def _k3b_body(rank_ref, cmb_ref, off_ref, p0_ref, p1_ref, w0_ref, w1_ref,
              te_ref):
    cmb = cmb_ref[...]
    sel = (cmb > 0).astype(jnp.float32)
    s_excl = _dot_high(_lt8(), sel)
    off = off_ref[...]
    pos = off + rank_ref[...]
    is0 = sel * (s_excl == 0).astype(jnp.float32)
    is1 = sel * (s_excl == 1).astype(jnp.float32)
    p0_ref[...] = jnp.sum(pos * is0, axis=0, keepdims=True).astype(jnp.int32)
    p1_ref[...] = jnp.sum(pos * is1, axis=0, keepdims=True).astype(jnp.int32)
    w0_ref[...] = jnp.sum(cmb * is0, axis=0, keepdims=True)
    w1_ref[...] = jnp.sum(cmb * is1, axis=0, keepdims=True)

    jt = jax.lax.broadcasted_iota(jnp.int32, (1, NRT), 1) * BTM
    te = jnp.zeros((1, NRT), jnp.int32)
    for e in range(1, E):
        te = te + (jt >= off[e:e + 1, :].astype(jnp.int32)).astype(jnp.int32)
    te_ref[...] = te


def _k3b(rank, cmb, off):
    return pl.pallas_call(
        _k3b_body,
        grid=(NBT,),
        in_specs=[
            pl.BlockSpec((E, BT), lambda i: (0, i)),
            pl.BlockSpec((E, BT), lambda i: (0, i)),
            pl.BlockSpec((E, 1), lambda i: (0, 0)),
        ],
        out_specs=[
            pl.BlockSpec((1, BT), lambda i: (0, i)),
            pl.BlockSpec((1, BT), lambda i: (0, i)),
            pl.BlockSpec((1, BT), lambda i: (0, i)),
            pl.BlockSpec((1, BT), lambda i: (0, i)),
            pl.BlockSpec((1, NRT), lambda i: (0, 0)),
        ],
        out_shape=[
            jax.ShapeDtypeStruct((1, T), jnp.int32),
            jax.ShapeDtypeStruct((1, T), jnp.int32),
            jax.ShapeDtypeStruct((1, T), jnp.float32),
            jax.ShapeDtypeStruct((1, T), jnp.float32),
            jax.ShapeDtypeStruct((1, NRT), jnp.int32),
        ],
    )(rank, cmb, off)



@functools.cache
def _sc_dispatch_kernel():
    mesh = plsc.VectorSubcoreMesh(core_axis_name="c", subcore_axis_name="s",
                                  num_cores=2)

    @functools.partial(
        pl.kernel, mesh=mesh,
        out_type=jax.ShapeDtypeStruct((NPAD, D), jnp.float32),
        scratch_types=[
            pltpu.VMEM((TPW, D), jnp.float32),
            pltpu.VMEM((TPW,), jnp.int32),
            pltpu.VMEM((TPW,), jnp.int32),
            pltpu.SemaphoreType.DMA,
            pltpu.SemaphoreType.DMA,
        ])
    def disp(hn2_hbm, p0_hbm, p1_hbm, x_hbm, rows_v, p0_v, p1_v, s0, s1):
        wid = jax.lax.axis_index("s") * 2 + jax.lax.axis_index("c")
        base = wid * TPW
        pltpu.sync_copy(hn2_hbm.at[pl.ds(base, TPW)], rows_v)
        pltpu.sync_copy(p0_hbm.at[pl.ds(base, TPW)], p0_v)
        pltpu.sync_copy(p1_hbm.at[pl.ds(base, TPW)], p1_v)
        c0 = pltpu.async_copy(rows_v, x_hbm.at[p0_v], s0)
        c1 = pltpu.async_copy(rows_v, x_hbm.at[p1_v], s1)
        c0.wait()
        c1.wait()

    return disp


def _sc_dispatch(hn2, p0f, p1f):
    return _sc_dispatch_kernel()(hn2, p0f, p1f)



@functools.cache
def _sc_combine_kernel():
    mesh = plsc.VectorSubcoreMesh(core_axis_name="c", subcore_axis_name="s",
                                  num_cores=2)

    @functools.partial(
        pl.kernel, mesh=mesh,
        out_type=(jax.ShapeDtypeStruct((T, D), jnp.float32),
                  jax.ShapeDtypeStruct((T, D), jnp.float32)),
        scratch_types=[
            pltpu.VMEM((TPW, D), jnp.float32),
            pltpu.VMEM((TPW,), jnp.int32),
            pltpu.VMEM((TPW,), jnp.int32),
            pltpu.SemaphoreType.DMA,
        ])
    def comb(y_hbm, p0_hbm, p1_hbm, yg0_hbm, yg1_hbm,
             rows_v, p0_v, p1_v, sem):
        wid = jax.lax.axis_index("s") * 2 + jax.lax.axis_index("c")
        base = wid * TPW
        pltpu.sync_copy(p0_hbm.at[pl.ds(base, TPW)], p0_v)
        pltpu.sync_copy(p1_hbm.at[pl.ds(base, TPW)], p1_v)
        pltpu.async_copy(y_hbm.at[p0_v], rows_v, sem).wait()
        pltpu.sync_copy(rows_v, yg0_hbm.at[pl.ds(base, TPW)])
        pltpu.async_copy(y_hbm.at[p1_v], rows_v, sem).wait()
        pltpu.sync_copy(rows_v, yg1_hbm.at[pl.ds(base, TPW)])

    return comb


def _sc_combine(y, p0f, p1f):
    return _sc_combine_kernel()(y, p0f, p1f)



def _k4_body(te_ref, x_ref, wg_ref, wu_ref, wd_ref, y_ref):
    x = x_ref[...].astype(jnp.bfloat16)
    wg = wg_ref[0].astype(jnp.bfloat16)
    wu = wu_ref[0].astype(jnp.bfloat16)
    wd = wd_ref[0].astype(jnp.bfloat16)
    g = jax.lax.dot_general(x, wg, (((1,), (1,)), ((), ())),
                            preferred_element_type=jnp.float32)
    u = jax.lax.dot_general(x, wu, (((1,), (1,)), ((), ())),
                            preferred_element_type=jnp.float32)
    a = (g * jax.nn.sigmoid(g) * u).astype(jnp.bfloat16)
    y_ref[...] = jax.lax.dot_general(a, wd, (((1,), (1,)), ((), ())),
                                     preferred_element_type=jnp.float32)


def _k4(te, x_sorted, w_gate, w_up, w_down):
    grid_spec = pltpu.PrefetchScalarGridSpec(
        num_scalar_prefetch=1,
        grid=(NRT,),
        in_specs=[
            pl.BlockSpec((BTM, D), lambda i, te_r: (i, 0)),
            pl.BlockSpec((1, DFF, D), lambda i, te_r: (te_r[i], 0, 0)),
            pl.BlockSpec((1, DFF, D), lambda i, te_r: (te_r[i], 0, 0)),
            pl.BlockSpec((1, D, DFF), lambda i, te_r: (te_r[i], 0, 0)),
        ],
        out_specs=pl.BlockSpec((BTM, D), lambda i, te_r: (i, 0)),
    )
    return pl.pallas_call(
        _k4_body,
        grid_spec=grid_spec,
        out_shape=jax.ShapeDtypeStruct((NPAD, D), jnp.float32),
    )(te, x_sorted, w_gate, w_up, w_down)



def _k5_body(h2_ref, hn2_ref, yg0_ref, yg1_ref, w0_ref, w1_ref,
             sg_ref, su_ref, sd_ref, out_ref):
    x = hn2_ref[...].astype(jnp.bfloat16)
    g = jax.lax.dot_general(x, sg_ref[...], (((1,), (1,)), ((), ())),
                            preferred_element_type=jnp.float32)
    u = jax.lax.dot_general(x, su_ref[...], (((1,), (1,)), ((), ())),
                            preferred_element_type=jnp.float32)
    a = (g * jax.nn.sigmoid(g) * u).astype(jnp.bfloat16)
    sh = jax.lax.dot_general(a, sd_ref[...], (((1,), (1,)), ((), ())),
                             preferred_element_type=jnp.float32)
    out_ref[...] = (h2_ref[...] + sh
                    + yg0_ref[...] * w0_ref[...]
                    + yg1_ref[...] * w1_ref[...])


def _k5(h2, hn2, yg0, yg1, w0, w1, sg, su, sd):
    return pl.pallas_call(
        _k5_body,
        grid=(NBT,),
        in_specs=[
            pl.BlockSpec((BT, D), lambda i: (i, 0)),
            pl.BlockSpec((BT, D), lambda i: (i, 0)),
            pl.BlockSpec((BT, D), lambda i: (i, 0)),
            pl.BlockSpec((BT, D), lambda i: (i, 0)),
            pl.BlockSpec((BT, 1), lambda i: (i, 0)),
            pl.BlockSpec((BT, 1), lambda i: (i, 0)),
            pl.BlockSpec((DFF, D), lambda i: (0, 0)),
            pl.BlockSpec((DFF, D), lambda i: (0, 0)),
            pl.BlockSpec((D, DFF), lambda i: (0, 0)),
        ],
        out_specs=pl.BlockSpec((BT, D), lambda i: (i, 0)),
        out_shape=jax.ShapeDtypeStruct((T, D), jnp.float32),
    )(h2, hn2, yg0, yg1, w0, w1, sg, su, sd)



@jax.jit
def _run(hidden_states, qkv_w, attn_gate_w, o_w, q_norm_w, k_norm_w,
         ln1_w, ln2_w, router_w, expert_bias, w_gate, w_up, w_down,
         sh_gate, sh_up, sh_down):
    h = hidden_states
    q, k, v, gate = _k1(h, ln1_w, qkv_w, attn_gate_w, q_norm_w, k_norm_w)

    mask = jnp.tril(jnp.ones((BQ, BQ), jnp.float32))
    o = _k2(q, k, v, mask)
    o2 = o.transpose(1, 0, 2).reshape(T, NH * HD)

    h2, hn2, cmb, rank, off = _k3(o2, gate, h, o_w, ln2_w, router_w,
                                  expert_bias)
    p0, p1, w0, w1, te = _k3b(rank, cmb, off)
    p0f = p0.reshape(T)
    p1f = p1.reshape(T)

    x_sorted = _sc_dispatch(hn2, p0f, p1f)
    y = _k4(te.reshape(NRT), x_sorted, w_gate, w_up, w_down)
    yg0, yg1 = _sc_combine(y, p0f, p1f)

    sg = sh_gate.astype(jnp.bfloat16)
    su = sh_up.astype(jnp.bfloat16)
    sd = sh_down.astype(jnp.bfloat16)
    return _k5(h2, hn2, yg0, yg1, w0.reshape(T, 1), w1.reshape(T, 1),
               sg, su, sd)


def kernel(positions, hidden_states, qkv_w, attn_gate_w, o_w, q_norm_w,
           k_norm_w, ln1_w, ln2_w, router_w, expert_bias, w_gate, w_up,
           w_down, sh_gate, sh_up, sh_down):
    return _run(hidden_states, qkv_w, attn_gate_w, o_w, q_norm_w, k_norm_w,
                ln1_w, ln2_w, router_w, expert_bias, w_gate, w_up, w_down,
                sh_gate, sh_up, sh_down)

# --- scband reference (transcript-rebuilt; emitter-appended) ---
"""Pipeline reference for scband-afmoe-decoder-layer-75737453297755 (READ-ONLY COPY).

The authoritative reference and input builder live on the scoring server;
editing this copy changes nothing except your own understanding.
"""

import jax, jax.numpy as jnp
import numpy as np

T = 2048
D = 1024
NH = 16
NKV = 4
HD = 64
E = 8
TOPK = 2
NG = 4
TG = 2
DFF = 512
EPS = 1e-05
ROUTE_SCALE = 1.0


def rmsnorm(x, w, eps=EPS):
    v = jnp.mean(x.astype(jnp.float32) ** 2, axis=-1, keepdims=True)
    return (x * jax.lax.rsqrt(v + eps) * w).astype(x.dtype)


def setup_inputs(seed: int = 0):
    key = jax.random.key(seed)
    ks = jax.random.split(key, 18)
    s = 0.02
    return {
        "positions": jnp.arange(T, dtype=jnp.int32),
        "hidden_states": jax.random.normal(ks[0], (T, D), jnp.float32),
        "qkv_w": jax.random.normal(ks[1], (NH * HD + 2 * NKV * HD, D), jnp.float32) * s,
        "attn_gate_w": jax.random.normal(ks[2], (NH * HD, D), jnp.float32) * s,
        "o_w": jax.random.normal(ks[3], (D, NH * HD), jnp.float32) * s,
        "q_norm_w": jnp.ones((HD,), jnp.float32),
        "k_norm_w": jnp.ones((HD,), jnp.float32),
        "ln1_w": jnp.ones((D,), jnp.float32),
        "ln2_w": jnp.ones((D,), jnp.float32),
        "router_w": jax.random.normal(ks[4], (E, D), jnp.float32) * s,
        "expert_bias": jax.random.normal(ks[5], (E,), jnp.float32) * 0.01,
        "w_gate": jax.random.normal(ks[6], (E, DFF, D), jnp.float32) * s,
        "w_up": jax.random.normal(ks[7], (E, DFF, D), jnp.float32) * s,
        "w_down": jax.random.normal(ks[8], (E, D, DFF), jnp.float32) * s,
        "sh_gate": jax.random.normal(ks[9], (DFF, D), jnp.float32) * s,
        "sh_up": jax.random.normal(ks[10], (DFF, D), jnp.float32) * s,
        "sh_down": jax.random.normal(ks[11], (D, DFF), jnp.float32) * s,
    }


def _attention(h, qkv_w, attn_gate_w, o_w, q_norm_w, k_norm_w):
    qkv = h @ qkv_w.T
    q = qkv[:, : NH * HD].reshape(T, NH, HD)
    k = qkv[:, NH * HD : NH * HD + NKV * HD].reshape(T, NKV, HD)
    v = qkv[:, NH * HD + NKV * HD :].reshape(T, NKV, HD)
    q = rmsnorm(q, q_norm_w)
    k = rmsnorm(k, k_norm_w)
    gate = h @ attn_gate_w.T
    rep = NH // NKV
    k = jnp.repeat(k, rep, axis=1)
    v = jnp.repeat(v, rep, axis=1)
    scores = jnp.einsum("thd,shd->hts", q, k) * (HD ** -0.5)
    causal = jnp.tril(jnp.ones((T, T), dtype=bool))
    scores = jnp.where(causal[None, :, :], scores, -1e30)
    p = jax.nn.softmax(scores, axis=-1)
    o = jnp.einsum("hts,shd->thd", p, v).reshape(T, NH * HD)
    o = o * jax.nn.sigmoid(gate)
    return o @ o_w.T


def _moe(h, router_w, expert_bias, w_gate, w_up, w_down, sh_gate, sh_up, sh_down):
    # router in fp32 with sigmoid scoring + e_score_correction_bias grouped top-k
    logits = h.astype(jnp.float32) @ router_w.T
    scores = jax.nn.sigmoid(logits)
    sfc = scores + expert_bias[None, :]
    epg = E // NG
    grp = sfc.reshape(T, NG, epg)
    grp_top = jax.lax.top_k(grp, min(2, epg))[0]
    group_scores = jnp.sum(grp_top, axis=-1)
    _, group_idx = jax.lax.top_k(group_scores, TG)
    group_mask = jnp.zeros((T, NG), jnp.float32).at[jnp.arange(T)[:, None], group_idx].set(1.0)
    score_mask = jnp.repeat(group_mask, epg, axis=1)
    masked = jnp.where(score_mask > 0, sfc, -1e30)
    _, topk_ids = jax.lax.top_k(masked, TOPK)
    topk_w = jnp.take_along_axis(scores, topk_ids, axis=1)
    # route_norm (renormalize for sigmoid scoring)
    topk_w = topk_w / (jnp.sum(topk_w, axis=-1, keepdims=True) + 1e-20)
    topk_w = topk_w * ROUTE_SCALE
    combine = jnp.zeros((T, E), jnp.float32).at[jnp.arange(T)[:, None], topk_ids].add(topk_w)
    # routed experts (dense dispatch, mathematically identical to fused MoE)
    g = jnp.einsum("td,efd->tef", h, w_gate)
    u = jnp.einsum("td,efd->tef", h, w_up)
    act = jax.nn.silu(g) * u
    eo = jnp.einsum("tef,edf->ted", act, w_down)
    routed = jnp.sum(eo * combine[:, :, None], axis=1)
    # shared expert
    shared = (jax.nn.silu(h @ sh_gate.T) * (h @ sh_up.T)) @ sh_down.T
    return routed + shared


def reference(positions, hidden_states, qkv_w, attn_gate_w, o_w, q_norm_w, k_norm_w, ln1_w, ln2_w, router_w, expert_bias, w_gate, w_up, w_down, sh_gate, sh_up, sh_down):
    # full_attention layer: rotary_emb is None, positions unused
    residual = hidden_states
    h = rmsnorm(hidden_states, ln1_w)
    h = _attention(h, qkv_w, attn_gate_w, o_w, q_norm_w, k_norm_w)
    h = residual + h
    residual = h
    h = rmsnorm(h, ln2_w)
    h = _moe(h, router_w, expert_bias, w_gate, w_up, w_down, sh_gate, sh_up, sh_down)
    return residual + h

if __name__ == "__main__":
    import jax
    _d = setup_inputs()
    print(jax.jit(kernel)(*tuple(_d.values())))

</pallas_src>

<mosaic_0001>
#map = affine_map<(d0, d1) -> (0, 0)>
#map1 = affine_map<(d0, d1) -> (0)>
module attributes {stable_mosaic.version = 14 : i64} {
  func.func @disp(%arg0: i32, %arg1: i32, %arg2: memref<2048x1024xf32, #tpu.memory_space<hbm>>, %arg3: memref<2048xi32, #tpu.memory_space<hbm>>, %arg4: memref<2048xi32, #tpu.memory_space<hbm>>, %arg5: memref<6144x1024xf32, #tpu.memory_space<hbm>>, %arg6: memref<64x1024xf32, #tpu.memory_space<vmem>>, %arg7: memref<64xi32, #tpu.memory_space<vmem>>, %arg8: memref<64xi32, #tpu.memory_space<vmem>>, %arg9: memref<!tpu.dma_semaphore, #tpu.memory_space<semaphore_mem>>, %arg10: memref<!tpu.dma_semaphore, #tpu.memory_space<semaphore_mem>>) attributes {dimension_semantics = [#tpu.dimension_semantics<core_parallel>, #tpu.dimension_semantics<subcore_parallel>], iteration_bounds = array<i64: 2, 16>, scalar_prefetch = 0 : i64, scratch_operands = 5 : i64, tpu.core_type = #tpu.core_type<sc_vector_subcore>, window_params = [{transform_indices = #map}, {transform_indices = #map1}, {transform_indices = #map1}, {transform_indices = #map}]} {
    %mul3A = arith.constant 2 : i32
    %mul3A_0 = arith.muli %arg1, %mul3A : i32
    %add3A = arith.addi %mul3A_0, %arg0 : i32
    %mul3A_1 = arith.constant 64 : i32
    %mul3A_2 = arith.muli %add3A, %mul3A_1 : i32
    "tpu.region"() ({
      %run_scoped3A = tpu.sem_alloc : memref<!tpu.dma_semaphore, #tpu.memory_space<semaphore_mem>>
      %dma_start3A_13 = arith.constant 0 : i32
      %dma_start3A_14 = tpu.memref_slice %arg2[%mul3A_2, %dma_start3A_13] : memref<2048x1024xf32, #tpu.memory_space<hbm>> -> memref<64x1024xf32, #tpu.memory_space<hbm>>
      %dma_start3A_15 = arith.constant 0 : i32
      %dma_start3A_16 = tpu.memref_slice %arg2[%mul3A_2, %dma_start3A_15] : memref<2048x1024xf32, #tpu.memory_space<hbm>> -> memref<64x1024xf32, #tpu.memory_space<hbm>>
      tpu.enqueue_dma source(%dma_start3A_16 : memref<64x1024xf32, #tpu.memory_space<hbm>>) target(%arg6 : memref<64x1024xf32, #tpu.memory_space<vmem>>) target_semaphore(%run_scoped3A : memref<!tpu.dma_semaphore, #tpu.memory_space<semaphore_mem>>)
      %dma_wait3A_17 = arith.constant 0 : i32
      %dma_wait3A_18 = tpu.memref_slice %arg2[%mul3A_2, %dma_wait3A_17] : memref<2048x1024xf32, #tpu.memory_space<hbm>> -> memref<64x1024xf32, #tpu.memory_space<hbm>>
      %dma_wait3A_19 = arith.constant 0 : i32
      %dma_wait3A_20 = tpu.memref_slice %arg2[%mul3A_2, %dma_wait3A_19] : memref<2048x1024xf32, #tpu.memory_space<hbm>> -> memref<64x1024xf32, #tpu.memory_space<hbm>>
      tpu.wait_dma2 semaphore(%run_scoped3A : memref<!tpu.dma_semaphore, #tpu.memory_space<semaphore_mem>>) src(%dma_wait3A_20 : memref<64x1024xf32, #tpu.memory_space<hbm>>) dst(%arg6 : memref<64x1024xf32, #tpu.memory_space<vmem>>)
      tpu.yield
    }) : () -> ()
    "tpu.region"() ({
      %run_scoped3A = tpu.sem_alloc : memref<!tpu.dma_semaphore, #tpu.memory_space<semaphore_mem>>
      %dma_start3A_13 = tpu.memref_slice %arg3[%mul3A_2] : memref<2048xi32, #tpu.memory_space<hbm>> -> memref<64xi32, #tpu.memory_space<hbm>>
      %dma_start3A_14 = tpu.memref_slice %arg3[%mul3A_2] : memref<2048xi32, #tpu.memory_space<hbm>> -> memref<64xi32, #tpu.memory_space<hbm>>
      tpu.enqueue_dma source(%dma_start3A_14 : memref<64xi32, #tpu.memory_space<hbm>>) target(%arg7 : memref<64xi32, #tpu.memory_space<vmem>>) target_semaphore(%run_scoped3A : memref<!tpu.dma_semaphore, #tpu.memory_space<semaphore_mem>>)
      %dma_wait3A_15 = tpu.memref_slice %arg3[%mul3A_2] : memref<2048xi32, #tpu.memory_space<hbm>> -> memref<64xi32, #tpu.memory_space<hbm>>
      %dma_wait3A_16 = tpu.memref_slice %arg3[%mul3A_2] : memref<2048xi32, #tpu.memory_space<hbm>> -> memref<64xi32, #tpu.memory_space<hbm>>
      tpu.wait_dma2 semaphore(%run_scoped3A : memref<!tpu.dma_semaphore, #tpu.memory_space<semaphore_mem>>) src(%dma_wait3A_16 : memref<64xi32, #tpu.memory_space<hbm>>) dst(%arg7 : memref<64xi32, #tpu.memory_space<vmem>>)
      tpu.yield
    }) : () -> ()
    "tpu.region"() ({
      %run_scoped3A = tpu.sem_alloc : memref<!tpu.dma_semaphore, #tpu.memory_space<semaphore_mem>>
      %dma_start3A_13 = tpu.memref_slice %arg4[%mul3A_2] : memref<2048xi32, #tpu.memory_space<hbm>> -> memref<64xi32, #tpu.memory_space<hbm>>
      %dma_start3A_14 = tpu.memref_slice %arg4[%mul3A_2] : memref<2048xi32, #tpu.memory_space<hbm>> -> memref<64xi32, #tpu.memory_space<hbm>>
      tpu.enqueue_dma source(%dma_start3A_14 : memref<64xi32, #tpu.memory_space<hbm>>) target(%arg8 : memref<64xi32, #tpu.memory_space<vmem>>) target_semaphore(%run_scoped3A : memref<!tpu.dma_semaphore, #tpu.memory_space<semaphore_mem>>)
      %dma_wait3A_15 = tpu.memref_slice %arg4[%mul3A_2] : memref<2048xi32, #tpu.memory_space<hbm>> -> memref<64xi32, #tpu.memory_space<hbm>>
      %dma_wait3A_16 = tpu.memref_slice %arg4[%mul3A_2] : memref<2048xi32, #tpu.memory_space<hbm>> -> memref<64xi32, #tpu.memory_space<hbm>>
      tpu.wait_dma2 semaphore(%run_scoped3A : memref<!tpu.dma_semaphore, #tpu.memory_space<semaphore_mem>>) src(%dma_wait3A_16 : memref<64xi32, #tpu.memory_space<hbm>>) dst(%arg8 : memref<64xi32, #tpu.memory_space<vmem>>)
      tpu.yield
    }) : () -> ()
    %dma_start3A = arith.constant 0 : i32
    %dma_start3A_3 = arith.constant 0 : i32
    %dma_start3A_4 = tpu.memref_slice %arg5[%dma_start3A, %dma_start3A_3] : memref<6144x1024xf32, #tpu.memory_space<hbm>> -> memref<6144x1024xf32, #tpu.memory_space<hbm>>
    tpu.enqueue_indirect_dma source(%arg6 : memref<64x1024xf32, #tpu.memory_space<vmem>>) target(%dma_start3A_4 : memref<6144x1024xf32, #tpu.memory_space<hbm>>) offsets(%arg7 : memref<64xi32, #tpu.memory_space<vmem>>) semaphore(%arg9 : memref<!tpu.dma_semaphore, #tpu.memory_space<semaphore_mem>>)
    %dma_start3A_5 = arith.constant 0 : i32
    %dma_start3A_6 = arith.constant 0 : i32
    %dma_start3A_7 = tpu.memref_slice %arg5[%dma_start3A_5, %dma_start3A_6] : memref<6144x1024xf32, #tpu.memory_space<hbm>> -> memref<6144x1024xf32, #tpu.memory_space<hbm>>
    tpu.enqueue_indirect_dma source(%arg6 : memref<64x1024xf32, #tpu.memory_space<vmem>>) target(%dma_start3A_7 : memref<6144x1024xf32, #tpu.memory_space<hbm>>) offsets(%arg8 : memref<64xi32, #tpu.memory_space<vmem>>) semaphore(%arg10 : memref<!tpu.dma_semaphore, #tpu.memory_space<semaphore_mem>>)
    %dma_wait3A = arith.constant 0 : i32
    %dma_wait3A_8 = arith.constant 0 : i32
    %dma_wait3A_9 = tpu.memref_slice %arg5[%dma_wait3A, %dma_wait3A_8] : memref<6144x1024xf32, #tpu.memory_space<hbm>> -> memref<6144x1024xf32, #tpu.memory_space<hbm>>
    tpu.wait_indirect_dma semaphore(%arg9 : memref<!tpu.dma_semaphore, #tpu.memory_space<semaphore_mem>>) src(%arg6 : memref<64x1024xf32, #tpu.memory_space<vmem>>) dst(%dma_wait3A_9 : memref<6144x1024xf32, #tpu.memory_space<hbm>>)
    %dma_wait3A_10 = arith.constant 0 : i32
    %dma_wait3A_11 = arith.constant 0 : i32
    %dma_wait3A_12 = tpu.memref_slice %arg5[%dma_wait3A_10, %dma_wait3A_11] : memref<6144x1024xf32, #tpu.memory_space<hbm>> -> memref<6144x1024xf32, #tpu.memory_space<hbm>>
    tpu.wait_indirect_dma semaphore(%arg10 : memref<!tpu.dma_semaphore, #tpu.memory_space<semaphore_mem>>) src(%arg6 : memref<64x1024xf32, #tpu.memory_space<vmem>>) dst(%dma_wait3A_12 : memref<6144x1024xf32, #tpu.memory_space<hbm>>)
    return
  }
}

#map = affine_map<(d0, d1) -> (0, 0)>
#map1 = affine_map<(d0, d1) -> (0)>
module attributes {stable_mosaic.version = 14 : i64} {
  func.func @comb(%arg0: i32, %arg1: i32, %arg2: memref<6144x1024xf32, #tpu.memory_space<hbm>>, %arg3: memref<2048xi32, #tpu.memory_space<hbm>>, %arg4: memref<2048xi32, #tpu.memory_space<hbm>>, %arg5: memref<2048x1024xf32, #tpu.memory_space<hbm>>, %arg6: memref<2048x1024xf32, #tpu.memory_space<hbm>>, %arg7: memref<64x1024xf32, #tpu.memory_space<vmem>>, %arg8: memref<64xi32, #tpu.memory_space<vmem>>, %arg9: memref<64xi32, #tpu.memory_space<vmem>>, %arg10: memref<!tpu.dma_semaphore, #tpu.memory_space<semaphore_mem>>) attributes {dimension_semantics = [#tpu.dimension_semantics<core_parallel>, #tpu.dimension_semantics<subcore_parallel>], iteration_bounds = array<i64: 2, 16>, scalar_prefetch = 0 : i64, scratch_operands = 4 : i64, tpu.core_type = #tpu.core_type<sc_vector_subcore>, window_params = [{transform_indices = #map}, {transform_indices = #map1}, {transform_indices = #map1}, {transform_indices = #map}, {transform_indices = #map}]} {
    %mul3A = arith.constant 2 : i32
    %mul3A_0 = arith.muli %arg1, %mul3A : i32
    %add3A = arith.addi %mul3A_0, %arg0 : i32
    %mul3A_1 = arith.constant 64 : i32
    %mul3A_2 = arith.muli %add3A, %mul3A_1 : i32
    "tpu.region"() ({
      %run_scoped3A = tpu.sem_alloc : memref<!tpu.dma_semaphore, #tpu.memory_space<semaphore_mem>>
      %dma_start3A_13 = tpu.memref_slice %arg3[%mul3A_2] : memref<2048xi32, #tpu.memory_space<hbm>> -> memref<64xi32, #tpu.memory_space<hbm>>
      %dma_start3A_14 = tpu.memref_slice %arg3[%mul3A_2] : memref<2048xi32, #tpu.memory_space<hbm>> -> memref<64xi32, #tpu.memory_space<hbm>>
      tpu.enqueue_dma source(%dma_start3A_14 : memref<64xi32, #tpu.memory_space<hbm>>) target(%arg8 : memref<64xi32, #tpu.memory_space<vmem>>) target_semaphore(%run_scoped3A : memref<!tpu.dma_semaphore, #tpu.memory_space<semaphore_mem>>)
      %dma_wait3A_15 = tpu.memref_slice %arg3[%mul3A_2] : memref<2048xi32, #tpu.memory_space<hbm>> -> memref<64xi32, #tpu.memory_space<hbm>>
      %dma_wait3A_16 = tpu.memref_slice %arg3[%mul3A_2] : memref<2048xi32, #tpu.memory_space<hbm>> -> memref<64xi32, #tpu.memory_space<hbm>>
      tpu.wait_dma2 semaphore(%run_scoped3A : memref<!tpu.dma_semaphore, #tpu.memory_space<semaphore_mem>>) src(%dma_wait3A_16 : memref<64xi32, #tpu.memory_space<hbm>>) dst(%arg8 : memref<64xi32, #tpu.memory_space<vmem>>)
      tpu.yield
    }) : () -> ()
    "tpu.region"() ({
      %run_scoped3A = tpu.sem_alloc : memref<!tpu.dma_semaphore, #tpu.memory_space<semaphore_mem>>
      %dma_start3A_13 = tpu.memref_slice %arg4[%mul3A_2] : memref<2048xi32, #tpu.memory_space<hbm>> -> memref<64xi32, #tpu.memory_space<hbm>>
      %dma_start3A_14 = tpu.memref_slice %arg4[%mul3A_2] : memref<2048xi32, #tpu.memory_space<hbm>> -> memref<64xi32, #tpu.memory_space<hbm>>
      tpu.enqueue_dma source(%dma_start3A_14 : memref<64xi32, #tpu.memory_space<hbm>>) target(%arg9 : memref<64xi32, #tpu.memory_space<vmem>>) target_semaphore(%run_scoped3A : memref<!tpu.dma_semaphore, #tpu.memory_space<semaphore_mem>>)
      %dma_wait3A_15 = tpu.memref_slice %arg4[%mul3A_2] : memref<2048xi32, #tpu.memory_space<hbm>> -> memref<64xi32, #tpu.memory_space<hbm>>
      %dma_wait3A_16 = tpu.memref_slice %arg4[%mul3A_2] : memref<2048xi32, #tpu.memory_space<hbm>> -> memref<64xi32, #tpu.memory_space<hbm>>
      tpu.wait_dma2 semaphore(%run_scoped3A : memref<!tpu.dma_semaphore, #tpu.memory_space<semaphore_mem>>) src(%dma_wait3A_16 : memref<64xi32, #tpu.memory_space<hbm>>) dst(%arg9 : memref<64xi32, #tpu.memory_space<vmem>>)
      tpu.yield
    }) : () -> ()
    %dma_start3A = arith.constant 0 : i32
    %dma_start3A_3 = arith.constant 0 : i32
    %dma_start3A_4 = tpu.memref_slice %arg2[%dma_start3A, %dma_start3A_3] : memref<6144x1024xf32, #tpu.memory_space<hbm>> -> memref<6144x1024xf32, #tpu.memory_space<hbm>>
    tpu.enqueue_indirect_dma source(%dma_start3A_4 : memref<6144x1024xf32, #tpu.memory_space<hbm>>) target(%arg7 : memref<64x1024xf32, #tpu.memory_space<vmem>>) offsets(%arg8 : memref<64xi32, #tpu.memory_space<vmem>>) semaphore(%arg10 : memref<!tpu.dma_semaphore, #tpu.memory_space<semaphore_mem>>)
    %dma_wait3A = arith.constant 0 : i32
    %dma_wait3A_5 = arith.constant 0 : i32
    %dma_wait3A_6 = tpu.memref_slice %arg2[%dma_wait3A, %dma_wait3A_5] : memref<6144x1024xf32, #tpu.memory_space<hbm>> -> memref<6144x1024xf32, #tpu.memory_space<hbm>>
    tpu.wait_indirect_dma semaphore(%arg10 : memref<!tpu.dma_semaphore, #tpu.memory_space<semaphore_mem>>) src(%dma_wait3A_6 : memref<6144x1024xf32, #tpu.memory_space<hbm>>) dst(%arg7 : memref<64x1024xf32, #tpu.memory_space<vmem>>)
    "tpu.region"() ({
      %run_scoped3A = tpu.sem_alloc : memref<!tpu.dma_semaphore, #tpu.memory_space<semaphore_mem>>
      %dma_start3A_13 = arith.constant 0 : i32
      %dma_start3A_14 = tpu.memref_slice %arg5[%mul3A_2, %dma_start3A_13] : memref<2048x1024xf32, #tpu.memory_space<hbm>> -> memref<64x1024xf32, #tpu.memory_space<hbm>>
      %dma_start3A_15 = arith.constant 0 : i32
      %dma_start3A_16 = tpu.memref_slice %arg5[%mul3A_2, %dma_start3A_15] : memref<2048x1024xf32, #tpu.memory_space<hbm>> -> memref<64x1024xf32, #tpu.memory_space<hbm>>
      tpu.enqueue_dma source(%arg7 : memref<64x1024xf32, #tpu.memory_space<vmem>>) target(%dma_start3A_16 : memref<64x1024xf32, #tpu.memory_space<hbm>>) target_semaphore(%run_scoped3A : memref<!tpu.dma_semaphore, #tpu.memory_space<semaphore_mem>>)
      %dma_wait3A_17 = arith.constant 0 : i32
      %dma_wait3A_18 = tpu.memref_slice %arg5[%mul3A_2, %dma_wait3A_17] : memref<2048x1024xf32, #tpu.memory_space<hbm>> -> memref<64x1024xf32, #tpu.memory_space<hbm>>
      %dma_wait3A_19 = arith.constant 0 : i32
      %dma_wait3A_20 = tpu.memref_slice %arg5[%mul3A_2, %dma_wait3A_19] : memref<2048x1024xf32, #tpu.memory_space<hbm>> -> memref<64x1024xf32, #tpu.memory_space<hbm>>
      tpu.wait_dma2 semaphore(%run_scoped3A : memref<!tpu.dma_semaphore, #tpu.memory_space<semaphore_mem>>) src(%arg7 : memref<64x1024xf32, #tpu.memory_space<vmem>>) dst(%dma_wait3A_20 : memref<64x1024xf32, #tpu.memory_space<hbm>>)
      tpu.yield
    }) : () -> ()
    %dma_start3A_7 = arith.constant 0 : i32
    %dma_start3A_8 = arith.constant 0 : i32
    %dma_start3A_9 = tpu.memref_slice %arg2[%dma_start3A_7, %dma_start3A_8] : memref<6144x1024xf32, #tpu.memory_space<hbm>> -> memref<6144x1024xf32, #tpu.memory_space<hbm>>
    tpu.enqueue_indirect_dma source(%dma_start3A_9 : memref<6144x1024xf32, #tpu.memory_space<hbm>>) target(%arg7 : memref<64x1024xf32, #tpu.memory_space<vmem>>) offsets(%arg9 : memref<64xi32, #tpu.memory_space<vmem>>) semaphore(%arg10 : memref<!tpu.dma_semaphore, #tpu.memory_space<semaphore_mem>>)
    %dma_wait3A_10 = arith.constant 0 : i32
    %dma_wait3A_11 = arith.constant 0 : i32
    %dma_wait3A_12 = tpu.memref_slice %arg2[%dma_wait3A_10, %dma_wait3A_11] : memref<6144x1024xf32, #tpu.memory_space<hbm>> -> memref<6144x1024xf32, #tpu.memory_space<hbm>>
    tpu.wait_indirect_dma semaphore(%arg10 : memref<!tpu.dma_semaphore, #tpu.memory_space<semaphore_mem>>) src(%dma_wait3A_12 : memref<6144x1024xf32, #tpu.memory_space<hbm>>) dst(%arg7 : memref<64x1024xf32, #tpu.memory_space<vmem>>)
    "tpu.region"() ({
      %run_scoped3A = tpu.sem_alloc : memref<!tpu.dma_semaphore, #tpu.memory_space<semaphore_mem>>
      %dma_start3A_13 = arith.constant 0 : i32
      %dma_start3A_14 = tpu.memref_slice %arg6[%mul3A_2, %dma_start3A_13] : memref<2048x1024xf32, #tpu.memory_space<hbm>> -> memref<64x1024xf32, #tpu.memory_space<hbm>>
      %dma_start3A_15 = arith.constant 0 : i32
      %dma_start3A_16 = tpu.memref_slice %arg6[%mul3A_2, %dma_start3A_15] : memref<2048x1024xf32, #tpu.memory_space<hbm>> -> memref<64x1024xf32, #tpu.memory_space<hbm>>
      tpu.enqueue_dma source(%arg7 : memref<64x1024xf32, #tpu.memory_space<vmem>>) target(%dma_start3A_16 : memref<64x1024xf32, #tpu.memory_space<hbm>>) target_semaphore(%run_scoped3A : memref<!tpu.dma_semaphore, #tpu.memory_space<semaphore_mem>>)
      %dma_wait3A_17 = arith.constant 0 : i32
      %dma_wait3A_18 = tpu.memref_slice %arg6[%mul3A_2, %dma_wait3A_17] : memref<2048x1024xf32, #tpu.memory_space<hbm>> -> memref<64x1024xf32, #tpu.memory_space<hbm>>
      %dma_wait3A_19 = arith.constant 0 : i32
      %dma_wait3A_20 = tpu.memref_slice %arg6[%mul3A_2, %dma_wait3A_19] : memref<2048x1024xf32, #tpu.memory_space<hbm>> -> memref<64x1024xf32, #tpu.memory_space<hbm>>
      tpu.wait_dma2 semaphore(%run_scoped3A : memref<!tpu.dma_semaphore, #tpu.memory_space<semaphore_mem>>) src(%arg7 : memref<64x1024xf32, #tpu.memory_space<vmem>>) dst(%dma_wait3A_20 : memref<64x1024xf32, #tpu.memory_space<hbm>>)
      tpu.yield
    }) : () -> ()
    return
  }
}

module attributes {stable_mosaic.version = 14 : i64} {
  func.func @_k1_body(%arg0: i32, %arg1: memref<256x1024xf32, #tpu.memory_space<vmem>>, %arg2: memref<1x1024xf32, #tpu.memory_space<vmem>>, %arg3: memref<1536x1024xf32, #tpu.memory_space<vmem>>, %arg4: memref<1024x1024xf32, #tpu.memory_space<vmem>>, %arg5: memref<1x64xf32, #tpu.memory_space<vmem>>, %arg6: memref<1x64xf32, #tpu.memory_space<vmem>>, %arg7: memref<16x256x64xbf16, #tpu.memory_space<vmem>>, %arg8: memref<4x256x64xbf16, #tpu.memory_space<vmem>>, %arg9: memref<4x256x64xbf16, #tpu.memory_space<vmem>>, %arg10: memref<256x1024xbf16, #tpu.memory_space<vmem>>) attributes {dimension_semantics = [#tpu.dimension_semantics<arbitrary>], iteration_bounds = array<i64: 8>, scalar_prefetch = 0 : i64, scratch_operands = 0 : i64, tpu.core_type = #tpu.core_type<tc>, window_params = [{transform_indices = @transform_0, window_bounds = array<i64: 256, 1024>}, {pipeline_mode = #tpu.pipeline_mode<synchronous>, transform_indices = @transform_1, window_bounds = array<i64: 1, 1024>}, {pipeline_mode = #tpu.pipeline_mode<synchronous>, transform_indices = @transform_2, window_bounds = array<i64: 1536, 1024>}, {pipeline_mode = #tpu.pipeline_mode<synchronous>, transform_indices = @transform_3, window_bounds = array<i64: 1024, 1024>}, {pipeline_mode = #tpu.pipeline_mode<synchronous>, transform_indices = @transform_4, window_bounds = array<i64: 1, 64>}, {pipeline_mode = #tpu.pipeline_mode<synchronous>, transform_indices = @transform_5, window_bounds = array<i64: 1, 64>}, {transform_indices = @transform_6, window_bounds = array<i64: 16, 256, 64>}, {transform_indices = @transform_7, window_bounds = array<i64: 4, 256, 64>}, {transform_indices = @transform_8, window_bounds = array<i64: 4, 256, 64>}, {transform_indices = @transform_9, window_bounds = array<i64: 256, 1024>}]} {
    %get3A = arith.constant 0 : index
    %get3A_0 = arith.constant 0 : index
    %get3A_1 = vector.load %arg1[%get3A, %get3A_0] : memref<256x1024xf32, #tpu.memory_space<vmem>>, vector<256x1024xf32>
    %get3A_2 = arith.constant 0 : index
    %get3A_3 = arith.constant 0 : index
    %get3A_4 = vector.load %arg2[%get3A_2, %get3A_3] : memref<1x1024xf32, #tpu.memory_space<vmem>>, vector<1x1024xf32>
    %mul3A = arith.mulf %get3A_1, %get3A_1 : vector<256x1024xf32>
    %reduce_sum3A = arith.constant dense<0.000000e+00> : vector<256xf32>
    %reduce_sum3A_5 = vector.multi_reduction <add>, %mul3A, %reduce_sum3A [1] : vector<256x1024xf32> to vector<256xf32>
    %broadcast_in_dim3A = vector.shape_cast %reduce_sum3A_5 : vector<256xf32> to vector<256x1xf32>
    %div3A = arith.constant 1.024000e+03 : f32
    %div3A_6 = vector.broadcast %div3A : f32 to vector<256x1xf32>
    %div3A_7 = arith.divf %broadcast_in_dim3A, %div3A_6 : vector<256x1xf32>
    %add3A = arith.constant 9.99999974E-6 : f32
    %add3A_8 = vector.broadcast %add3A : f32 to vector<256x1xf32>
    %add3A_9 = arith.addf %div3A_7, %add3A_8 : vector<256x1xf32>
    %rsqrt3A = math.rsqrt %add3A_9 : vector<256x1xf32>
    %mul3A_10 = vector.broadcast %rsqrt3A : vector<256x1xf32> to vector<256x1024xf32>
    %mul3A_11 = arith.mulf %get3A_1, %mul3A_10 : vector<256x1024xf32>
    %mul3A_12 = vector.broadcast %get3A_4 : vector<1x1024xf32> to vector<256x1024xf32>
    %mul3A_13 = arith.mulf %mul3A_11, %mul3A_12 : vector<256x1024xf32>
    %get3A_14 = arith.constant 0 : index
    %get3A_15 = arith.constant 0 : index
    %get3A_16 = vector.load %arg3[%get3A_14, %get3A_15] : memref<1536x1024xf32, #tpu.memory_space<vmem>>, vector<1536x1024xf32>
    %convert_element_type3A = arith.truncf %mul3A_13 : vector<256x1024xf32> to vector<256x1024xbf16>
    %convert_element_type3A_17 = arith.truncf %get3A_16 : vector<1536x1024xf32> to vector<1536x1024xbf16>
    %dot_general3A = arith.constant dense<0.000000e+00> : vector<256x1536xf32>
    %dot_general3A_18 = tpu.matmul %convert_element_type3A, %convert_element_type3A_17, %dot_general3A {dimension_numbers = #tpu.dot_dimension_numbers<[1], [1], [0], [0], [0, 0, 1, 0], [], []>, transpose_lhs_hint = false} : vector<256x1024xbf16>, vector<1536x1024xbf16>, vector<256x1536xf32> -> vector<256x1536xf32>
    %get3A_19 = arith.constant 0 : index
    %get3A_20 = arith.constant 0 : index
    %get3A_21 = vector.load %arg4[%get3A_19, %get3A_20] : memref<1024x1024xf32, #tpu.memory_space<vmem>>, vector<1024x1024xf32>
    %convert_element_type3A_22 = arith.truncf %mul3A_13 : vector<256x1024xf32> to vector<256x1024xbf16>
    %convert_element_type3A_23 = arith.truncf %get3A_21 : vector<1024x1024xf32> to vector<1024x1024xbf16>
    %dot_general3A_24 = arith.constant dense<0.000000e+00> : vector<256x1024xf32>
    %dot_general3A_25 = tpu.matmul %convert_element_type3A_22, %convert_element_type3A_23, %dot_general3A_24 {dimension_numbers = #tpu.dot_dimension_numbers<[1], [1], [0], [0], [0, 0, 1, 0], [], []>, transpose_lhs_hint = false} : vector<256x1024xbf16>, vector<1024x1024xbf16>, vector<256x1024xf32> -> vector<256x1024xf32>
    %convert_element_type3A_26 = arith.truncf %dot_general3A_25 : vector<256x1024xf32> to vector<256x1024xbf16>
    %swap3A = arith.constant 0 : index
    %swap3A_27 = arith.constant 0 : index
    %swap3A_28 = vector.load %arg10[%swap3A, %swap3A_27] : memref<256x1024xbf16, #tpu.memory_space<vmem>>, vector<256x1024xbf16>
    tpu.vector_store %arg10[%swap3A, %swap3A_27], %convert_element_type3A_26 {strides = array<i32>} : memref<256x1024xbf16, #tpu.memory_space<vmem>>, vector<256x1024xbf16>,
    %get3A_29 = arith.constant 0 : index
    %get3A_30 = arith.constant 0 : index
    %get3A_31 = vector.load %arg5[%get3A_29, %get3A_30] : memref<1x64xf32, #tpu.memory_space<vmem>>, vector<1x64xf32>
    %get3A_32 = arith.constant 0 : index
    %get3A_33 = arith.constant 0 : index
    %get3A_34 = vector.load %arg6[%get3A_32, %get3A_33] : memref<1x64xf32, #tpu.memory_space<vmem>>, vector<1x64xf32>
    %slice3A = vector.extract_strided_slice %dot_general3A_18 {offsets = [0, 0], sizes = [256, 64], strides = [1, 1]} : vector<256x1536xf32> to vector<256x64xf32>
    %mul3A_35 = arith.mulf %slice3A, %slice3A : vector<256x64xf32>
    %reduce_sum3A_36 = arith.constant dense<0.000000e+00> : vector<256xf32>
    %reduce_sum3A_37 = vector.multi_reduction <add>, %mul3A_35, %reduce_sum3A_36 [1] : vector<256x64xf32> to vector<256xf32>
    %broadcast_in_dim3A_38 = vector.shape_cast %reduce_sum3A_37 : vector<256xf32> to vector<256x1xf32>
    %div3A_39 = arith.constant 6.400000e+01 : f32
    %div3A_40 = vector.broadcast %div3A_39 : f32 to vector<256x1xf32>
    %div3A_41 = arith.divf %broadcast_in_dim3A_38, %div3A_40 : vector<256x1xf32>
    %add3A_42 = arith.constant 9.99999974E-6 : f32
    %add3A_43 = vector.broadcast %add3A_42 : f32 to vector<256x1xf32>
    %add3A_44 = arith.addf %div3A_41, %add3A_43 : vector<256x1xf32>
    %rsqrt3A_45 = math.rsqrt %add3A_44 : vector<256x1xf32>
    %mul3A_46 = vector.broadcast %rsqrt3A_45 : vector<256x1xf32> to vector<256x64xf32>
    %mul3A_47 = arith.mulf %slice3A, %mul3A_46 : vector<256x64xf32>
    %mul3A_48 = vector.broadcast %get3A_31 : vector<1x64xf32> to vector<256x64xf32>
    %mul3A_49 = arith.mulf %mul3A_47, %mul3A_48 : vector<256x64xf32>
    %mul3A_50 = arith.constant 1.250000e-01 : f32
    %mul3A_51 = vector.broadcast %mul3A_50 : f32 to vector<256x64xf32>
    %mul3A_52 = arith.mulf %mul3A_49, %mul3A_51 : vector<256x64xf32>
    %convert_element_type3A_53 = arith.truncf %mul3A_52 : vector<256x64xf32> to vector<256x64xbf16>
    %swap3A_54 = arith.constant 0 : index
    %swap3A_55 = arith.constant 0 : index
    %swap3A_56 = arith.constant 0 : index
    %swap3A_57 = vector.load %arg7[%swap3A_54, %swap3A_55, %swap3A_56] : memref<16x256x64xbf16, #tpu.memory_space<vmem>>, vector<1x256x64xbf16>
    %swap3A_58 = vector.shape_cast %swap3A_57 : vector<1x256x64xbf16> to vector<256x64xbf16>
    %swap3A_59 = vector.shape_cast %convert_element_type3A_53 : vector<256x64xbf16> to vector<1x256x64xbf16>
    tpu.vector_store %arg7[%swap3A_54, %swap3A_55, %swap3A_56], %swap3A_59 {strides = array<i32>} : memref<16x256x64xbf16, #tpu.memory_space<vmem>>, vector<1x256x64xbf16>,
    %slice3A_60 = vector.extract_strided_slice %dot_general3A_18 {offsets = [0, 64], sizes = [256, 64], strides = [1, 1]} : vector<256x1536xf32> to vector<256x64xf32>
    %mul3A_61 = arith.mulf %slice3A_60, %slice3A_60 : vector<256x64xf32>
    %reduce_sum3A_62 = arith.constant dense<0.000000e+00> : vector<256xf32>
    %reduce_sum3A_63 = vector.multi_reduction <add>, %mul3A_61, %reduce_sum3A_62 [1] : vector<256x64xf32> to vector<256xf32>
    %broadcast_in_dim3A_64 = vector.shape_cast %reduce_sum3A_63 : vector<256xf32> to vector<256x1xf32>
    %div3A_65 = arith.constant 6.400000e+01 : f32
    %div3A_66 = vector.broadcast %div3A_65 : f32 to vector<256x1xf32>
    %div3A_67 = arith.divf %broadcast_in_dim3A_64, %div3A_66 : vector<256x1xf32>
    %add3A_68 = arith.constant 9.99999974E-6 : f32
    %add3A_69 = vector.broadcast %add3A_68 : f32 to vector<256x1xf32>
    %add3A_70 = arith.addf %div3A_67, %add3A_69 : vector<256x1xf32>
    %rsqrt3A_71 = math.rsqrt %add3A_70 : vector<256x1xf32>
    %mul3A_72 = vector.broadcast %rsqrt3A_71 : vector<256x1xf32> to vector<256x64xf32>
    %mul3A_73 = arith.mulf %slice3A_60, %mul3A_72 : vector<256x64xf32>
    %mul3A_74 = vector.broadcast %get3A_31 : vector<1x64xf32> to vector<256x64xf32>
    %mul3A_75 = arith.mulf %mul3A_73, %mul3A_74 : vector<256x64xf32>
    %mul3A_76 = arith.constant 1.250000e-01 : f32
    %mul3A_77 = vector.broadcast %mul3A_76 : f32 to vector<256x64xf32>
    %mul3A_78 = arith.mulf %mul3A_75, %mul3A_77 : vector<256x64xf32>
    %convert_element_type3A_79 = arith.truncf %mul3A_78 : vector<256x64xf32> to vector<256x64xbf16>
    %swap3A_80 = arith.constant 1 : index
    %swap3A_81 = arith.constant 0 : index
    %swap3A_82 = arith.constant 0 : index
    %swap3A_83 = vector.load %arg7[%swap3A_80, %swap3A_81, %swap3A_82] : memref<16x256x64xbf16, #tpu.memory_space<vmem>>, vector<1x256x64xbf16>
    %swap3A_84 = vector.shape_cast %swap3A_83 : vector<1x256x64xbf16> to vector<256x64xbf16>
    %swap3A_85 = vector.shape_cast %convert_element_type3A_79 : vector<256x64xbf16> to vector<1x256x64xbf16>
    tpu.vector_store %arg7[%swap3A_80, %swap3A_81, %swap3A_82], %swap3A_85 {strides = array<i32>} : memref<16x256x64xbf16, #tpu.memory_space<vmem>>, vector<1x256x64xbf16>,
    %slice3A_86 = vector.extract_strided_slice %dot_general3A_18 {offsets = [0, 128], sizes = [256, 64], strides = [1, 1]} : vector<256x1536xf32> to vector<256x64xf32>
    %mul3A_87 = arith.mulf %slice3A_86, %slice3A_86 : vector<256x64xf32>
    %reduce_sum3A_88 = arith.constant dense<0.000000e+00> : vector<256xf32>
    %reduce_sum3A_89 = vector.multi_reduction <add>, %mul3A_87, %reduce_sum3A_88 [1] : vector<256x64xf32> to vector<256xf32>
    %broadcast_in_dim3A_90 = vector.shape_cast %reduce_sum3A_89 : vector<256xf32> to vector<256x1xf32>
    %div3A_91 = arith.constant 6.400000e+01 : f32
    %div3A_92 = vector.broadcast %div3A_91 : f32 to vector<256x1xf32>
    %div3A_93 = arith.divf %broadcast_in_dim3A_90, %div3A_92 : vector<256x1xf32>
    %add3A_94 = arith.constant 9.99999974E-6 : f32
    %add3A_95 = vector.broadcast %add3A_94 : f32 to vector<256x1xf32>
    %add3A_96 = arith.addf %div3A_93, %add3A_95 : vector<256x1xf32>
    %rsqrt3A_97 = math.rsqrt %add3A_96 : vector<256x1xf32>
    %mul3A_98 = vector.broadcast %rsqrt3A_97 : vector<256x1xf32> to vector<256x64xf32>
    %mul3A_99 = arith.mulf %slice3A_86, %mul3A_98 : vector<256x64xf32>
    %mul3A_100 = vector.broadcast %get3A_31 : vector<1x64xf32> to vector<256x64xf32>
    %mul3A_101 = arith.mulf %mul3A_99, %mul3A_100 : vector<256x64xf32>
    %mul3A_102 = arith.constant 1.250000e-01 : f32
    %mul3A_103 = vector.broadcast %mul3A_102 : f32 to vector<256x64xf32>
    %mul3A_104 = arith.mulf %mul3A_101, %mul3A_103 : vector<256x64xf32>
    %convert_element_type3A_105 = arith.truncf %mul3A_104 : vector<256x64xf32> to vector<256x64xbf16>
    %swap3A_106 = arith.constant 2 : index
    %swap3A_107 = arith.constant 0 : index
    %swap3A_108 = arith.constant 0 : index
    %swap3A_109 = vector.load %arg7[%swap3A_106, %swap3A_107, %swap3A_108] : memref<16x256x64xbf16, #tpu.memory_space<vmem>>, vector<1x256x64xbf16>
    %swap3A_110 = vector.shape_cast %swap3A_109 : vector<1x256x64xbf16> to vector<256x64xbf16>
    %swap3A_111 = vector.shape_cast %convert_element_type3A_105 : vector<256x64xbf16> to vector<1x256x64xbf16>
    tpu.vector_store %arg7[%swap3A_106, %swap3A_107, %swap3A_108], %swap3A_111 {strides = array<i32>} : memref<16x256x64xbf16, #tpu.memory_space<vmem>>, vector<1x256x64xbf16>,
    %slice3A_112 = vector.extract_strided_slice %dot_general3A_18 {offsets = [0, 192], sizes = [256, 64], strides = [1, 1]} : vector<256x1536xf32> to vector<256x64xf32>
    %mul3A_113 = arith.mulf %slice3A_112, %slice3A_112 : vector<256x64xf32>
    %reduce_sum3A_114 = arith.constant dense<0.000000e+00> : vector<256xf32>
    %reduce_sum3A_115 = vector.multi_reduction <add>, %mul3A_113, %reduce_sum3A_114 [1] : vector<256x64xf32> to vector<256xf32>
    %broadcast_in_dim3A_116 = vector.shape_cast %reduce_sum3A_115 : vector<256xf32> to vector<256x1xf32>
    %div3A_117 = arith.constant 6.400000e+01 : f32
    %div3A_118 = vector.broadcast %div3A_117 : f32 to vector<256x1xf32>
    %div3A_119 = arith.divf %broadcast_in_dim3A_116, %div3A_118 : vector<256x1xf32>
    %add3A_120 = arith.constant 9.99999974E-6 : f32
    %add3A_121 = vector.broadcast %add3A_120 : f32 to vector<256x1xf32>
    %add3A_122 = arith.addf %div3A_119, %add3A_121 : vector<256x1xf32>
    %rsqrt3A_123 = math.rsqrt %add3A_122 : vector<256x1xf32>
    %mul3A_124 = vector.broadcast %rsqrt3A_123 : vector<256x1xf32> to vector<256x64xf32>
    %mul3A_125 = arith.mulf %slice3A_112, %mul3A_124 : vector<256x64xf32>
    %mul3A_126 = vector.broadcast %get3A_31 : vector<1x64xf32> to vector<256x64xf32>
    %mul3A_127 = arith.mulf %mul3A_125, %mul3A_126 : vector<256x64xf32>
    %mul3A_128 = arith.constant 1.250000e-01 : f32
    %mul3A_129 = vector.broadcast %mul3A_128 : f32 to vector<256x64xf32>
    %mul3A_130 = arith.mulf %mul3A_127, %mul3A_129 : vector<256x64xf32>
    %convert_element_type3A_131 = arith.truncf %mul3A_130 : vector<256x64xf32> to vector<256x64xbf16>
    %swap3A_132 = arith.constant 3 : index
    %swap3A_133 = arith.constant 0 : index
    %swap3A_134 = arith.constant 0 : index
    %swap3A_135 = vector.load %arg7[%swap3A_132, %swap3A_133, %swap3A_134] : memref<16x256x64xbf16, #tpu.memory_space<vmem>>, vector<1x256x64xbf16>
    %swap3A_136 = vector.shape_cast %swap3A_135 : vector<1x256x64xbf16> to vector<256x64xbf16>
    %swap3A_137 = vector.shape_cast %convert_element_type3A_131 : vector<256x64xbf16> to vector<1x256x64xbf16>
    tpu.vector_store %arg7[%swap3A_132, %swap3A_133, %swap3A_134], %swap3A_137 {strides = array<i32>} : memref<16x256x64xbf16, #tpu.memory_space<vmem>>, vector<1x256x64xbf16>,
    %slice3A_138 = vector.extract_strided_slice %dot_general3A_18 {offsets = [0, 256], sizes = [256, 64], strides = [1, 1]} : vector<256x1536xf32> to vector<256x64xf32>
    %mul3A_139 = arith.mulf %slice3A_138, %slice3A_138 : vector<256x64xf32>
    %reduce_sum3A_140 = arith.constant dense<0.000000e+00> : vector<256xf32>
    %reduce_sum3A_141 = vector.multi_reduction <add>, %mul3A_139, %reduce_sum3A_140 [1] : vector<256x64xf32> to vector<256xf32>
    %broadcast_in_dim3A_142 = vector.shape_cast %reduce_sum3A_141 : vector<256xf32> to vector<256x1xf32>
    %div3A_143 = arith.constant 6.400000e+01 : f32
    %div3A_144 = vector.broadcast %div3A_143 : f32 to vector<256x1xf32>
    %div3A_145 = arith.divf %broadcast_in_dim3A_142, %div3A_144 : vector<256x1xf32>
    %add3A_146 = arith.constant 9.99999974E-6 : f32
    %add3A_147 = vector.broadcast %add3A_146 : f32 to vector<256x1xf32>
    %add3A_148 = arith.addf %div3A_145, %add3A_147 : vector<256x1xf32>
    %rsqrt3A_149 = math.rsqrt %add3A_148 : vector<256x1xf32>
    %mul3A_150 = vector.broadcast %rsqrt3A_149 : vector<256x1xf32> to vector<256x64xf32>
    %mul3A_151 = arith.mulf %slice3A_138, %mul3A_150 : vector<256x64xf32>
    %mul3A_152 = vector.broadcast %get3A_31 : vector<1x64xf32> to vector<256x64xf32>
    %mul3A_153 = arith.mulf %mul3A_151, %mul3A_152 : vector<256x64xf32>
    %mul3A_154 = arith.constant 1.250000e-01 : f32
    %mul3A_155 = vector.broadcast %mul3A_154 : f32 to vector<256x64xf32>
    %mul3A_156 = arith.mulf %mul3A_153, %mul3A_155 : vector<256x64xf32>
    %convert_element_type3A_157 = arith.truncf %mul3A_156 : vector<256x64xf32> to vector<256x64xbf16>
    %swap3A_158 = arith.constant 4 : index
    %swap3A_159 = arith.constant 0 : index
    %swap3A_160 = arith.constant 0 : index
    %swap3A_161 = vector.load %arg7[%swap3A_158, %swap3A_159, %swap3A_160] : memref<16x256x64xbf16, #tpu.memory_space<vmem>>, vector<1x256x64xbf16>
    %swap3A_162 = vector.shape_cast %swap3A_161 : vector<1x256x64xbf16> to vector<256x64xbf16>
    %swap3A_163 = vector.shape_cast %convert_element_type3A_157 : vector<256x64xbf16> to vector<1x256x64xbf16>
    tpu.vector_store %arg7[%swap3A_158, %swap3A_159, %swap3A_160], %swap3A_163 {strides = array<i32>} : memref<16x256x64xbf16, #tpu.memory_space<vmem>>, vector<1x256x64xbf16>,
    %slice3A_164 = vector.extract_strided_slice %dot_general3A_18 {offsets = [0, 320], sizes = [256, 64], strides = [1, 1]} : vector<256x1536xf32> to vector<256x64xf32>
    %mul3A_165 = arith.mulf %slice3A_164, %slice3A_164 : vector<256x64xf32>
    %reduce_sum3A_166 = arith.constant dense<0.000000e+00> : vector<256xf32>
    %reduce_sum3A_167 = vector.multi_reduction <add>, %mul3A_165, %reduce_sum3A_166 [1] : vector<256x64xf32> to vector<256xf32>
    %broadcast_in_dim3A_168 = vector.shape_cast %reduce_sum3A_167 : vector<256xf32> to vector<256x1xf32>
    %div3A_169 = arith.constant 6.400000e+01 : f32
    %div3A_170 = vector.broadcast %div3A_169 : f32 to vector<256x1xf32>
    %div3A_171 = arith.divf %broadcast_in_dim3A_168, %div3A_170 : vector<256x1xf32>
    %add3A_172 = arith.constant 9.99999974E-6 : f32
    %add3A_173 = vector.broadcast %add3A_172 : f32 to vector<256x1xf32>
    %add3A_174 = arith.addf %div3A_171, %add3A_173 : vector<256x1xf32>
    %rsqrt3A_175 = math.rsqrt %add3A_174 : vector<256x1xf32>
    %mul3A_176 = vector.broadcast %rsqrt3A_175 : vector<256x1xf32> to vector<256x64xf32>
    %mul3A_177 = arith.mulf %slice3A_164, %mul3A_176 : vector<256x64xf32>
    %mul3A_178 = vector.broadcast %get3A_31 : vector<1x64xf32> to vector<256x64xf32>
    %mul3A_179 = arith.mulf %mul3A_177, %mul3A_178 : vector<256x64xf32>
    %mul3A_180 = arith.constant 1.250000e-01 : f32
    %mul3A_181 = vector.broadcast %mul3A_180 : f32 to vector<256x64xf32>
    %mul3A_182 = arith.mulf %mul3A_179, %mul3A_181 : vector<256x64xf32>
    %convert_element_type3A_183 = arith.truncf %mul3A_182 : vector<256x64xf32> to vector<256x64xbf16>
    %swap3A_184 = arith.constant 5 : index
    %swap3A_185 = arith.constant 0 : index
    %swap3A_186 = arith.constant 0 : index
    %swap3A_187 = vector.load %arg7[%swap3A_184, %swap3A_185, %swap3A_186] : memref<16x256x64xbf16, #tpu.memory_space<vmem>>, vector<1x256x64xbf16>
    %swap3A_188 = vector.shape_cast %swap3A_187 : vector<1x256x64xbf16> to vector<256x64xbf16>
    %swap3A_189 = vector.shape_cast %convert_element_type3A_183 : vector<256x64xbf16> to vector<1x256x64xbf16>
    tpu.vector_store %arg7[%swap3A_184, %swap3A_185, %swap3A_186], %swap3A_189 {strides = array<i32>} : memref<16x256x64xbf16, #tpu.memory_space<vmem>>, vector<1x256x64xbf16>,
    %slice3A_190 = vector.extract_strided_slice %dot_general3A_18 {offsets = [0, 384], sizes = [256, 64], strides = [1, 1]} : vector<256x1536xf32> to vector<256x64xf32>
    %mul3A_191 = arith.mulf %slice3A_190, %slice3A_190 : vector<256x64xf32>
    %reduce_sum3A_192 = arith.constant dense<0.000000e+00> : vector<256xf32>
    %reduce_sum3A_193 = vector.multi_reduction <add>, %mul3A_191, %reduce_sum3A_192 [1] : vector<256x64xf32> to vector<256xf32>
    %broadcast_in_dim3A_194 = vector.shape_cast %reduce_sum3A_193 : vector<256xf32> to vector<256x1xf32>
    %div3A_195 = arith.constant 6.400000e+01 : f32
    %div3A_196 = vector.broadcast %div3A_195 : f32 to vector<256x1xf32>
    %div3A_197 = arith.divf %broadcast_in_dim3A_194, %div3A_196 : vector<256x1xf32>
    %add3A_198 = arith.constant 9.99999974E-6 : f32
    %add3A_199 = vector.broadcast %add3A_198 : f32 to vector<256x1xf32>
    %add3A_200 = arith.addf %div3A_197, %add3A_199 : vector<256x1xf32>
    %rsqrt3A_201 = math.rsqrt %add3A_200 : vector<256x1xf32>
    %mul3A_202 = vector.broadcast %rsqrt3A_201 : vector<256x1xf32> to vector<256x64xf32>
    %mul3A_203 = arith.mulf %slice3A_190, %mul3A_202 : vector<256x64xf32>
    %mul3A_204 = vector.broadcast %get3A_31 : vector<1x64xf32> to vector<256x64xf32>
    %mul3A_205 = arith.mulf %mul3A_203, %mul3A_204 : vector<256x64xf32>
    %mul3A_206 = arith.constant 1.250000e-01 : f32
    %mul3A_207 = vector.broadcast %mul3A_206 : f32 to vector<256x64xf32>
    %mul3A_208 = arith.mulf %mul3A_205, %mul3A_207 : vector<256x64xf32>
    %convert_element_type3A_209 = arith.truncf %mul3A_208 : vector<256x64xf32> to vector<256x64xbf16>
    %swap3A_210 = arith.constant 6 : index
    %swap3A_211 = arith.constant 0 : index
    %swap3A_212 = arith.constant 0 : index
    %swap3A_213 = vector.load %arg7[%swap3A_210, %swap3A_211, %swap3A_212] : memref<16x256x64xbf16, #tpu.memory_space<vmem>>, vector<1x256x64xbf16>
    %swap3A_214 = vector.shape_cast %swap3A_213 : vector<1x256x64xbf16> to vector<256x64xbf16>
    %swap3A_215 = vector.shape_cast %convert_element_type3A_209 : vector<256x64xbf16> to vector<1x256x64xbf16>
    tpu.vector_store %arg7[%swap3A_210, %swap3A_211, %swap3A_212], %swap3A_215 {strides = array<i32>} : memref<16x256x64xbf16, #tpu.memory_space<vmem>>, vector<1x256x64xbf16>,
    %slice3A_216 = vector.extract_strided_slice %dot_general3A_18 {offsets = [0, 448], sizes = [256, 64], strides = [1, 1]} : vector<256x1536xf32> to vector<256x64xf32>
    %mul3A_217 = arith.mulf %slice3A_216, %slice3A_216 : vector<256x64xf32>
    %reduce_sum3A_218 = arith.constant dense<0.000000e+00> : vector<256xf32>
    %reduce_sum3A_219 = vector.multi_reduction <add>, %mul3A_217, %reduce_sum3A_218 [1] : vector<256x64xf32> to vector<256xf32>
    %broadcast_in_dim3A_220 = vector.shape_cast %reduce_sum3A_219 : vector<256xf32> to vector<256x1xf32>
    %div3A_221 = arith.constant 6.400000e+01 : f32
    %div3A_222 = vector.broadcast %div3A_221 : f32 to vector<256x1xf32>
    %div3A_223 = arith.divf %broadcast_in_dim3A_220, %div3A_222 : vector<256x1xf32>
    %add3A_224 = arith.constant 9.99999974E-6 : f32
    %add3A_225 = vector.broadcast %add3A_224 : f32 to vector<256x1xf32>
    %add3A_226 = arith.addf %div3A_223, %add3A_225 : vector<256x1xf32>
    %rsqrt3A_227 = math.rsqrt %add3A_226 : vector<256x1xf32>
    %mul3A_228 = vector.broadcast %rsqrt3A_227 : vector<256x1xf32> to vector<256x64xf32>
    %mul3A_229 = arith.mulf %slice3A_216, %mul3A_228 : vector<256x64xf32>
    %mul3A_230 = vector.broadcast %get3A_31 : vector<1x64xf32> to vector<256x64xf32>
    %mul3A_231 = arith.mulf %mul3A_229, %mul3A_230 : vector<256x64xf32>
    %mul3A_232 = arith.constant 1.250000e-01 : f32
    %mul3A_233 = vector.broadcast %mul3A_232 : f32 to vector<256x64xf32>
    %mul3A_234 = arith.mulf %mul3A_231, %mul3A_233 : vector<256x64xf32>
    %convert_element_type3A_235 = arith.truncf %mul3A_234 : vector<256x64xf32> to vector<256x64xbf16>
    %swap3A_236 = arith.constant 7 : index
    %swap3A_237 = arith.constant 0 : index
    %swap3A_238 = arith.constant 0 : index
    %swap3A_239 = vector.load %arg7[%swap3A_236, %swap3A_237, %swap3A_238] : memref<16x256x64xbf16, #tpu.memory_space<vmem>>, vector<1x256x64xbf16>
    %swap3A_240 = vector.shape_cast %swap3A_239 : vector<1x256x64xbf16> to vector<256x64xbf16>
    %swap3A_241 = vector.shape_cast %convert_element_type3A_235 : vector<256x64xbf16> to vector<1x256x64xbf16>
    tpu.vector_store %arg7[%swap3A_236, %swap3A_237, %swap3A_238], %swap3A_241 {strides = array<i32>} : memref<16x256x64xbf16, #tpu.memory_space<vmem>>, vector<1x256x64xbf16>,
    %slice3A_242 = vector.extract_strided_slice %dot_general3A_18 {offsets = [0, 512], sizes = [256, 64], strides = [1, 1]} : vector<256x1536xf32> to vector<256x64xf32>
    %mul3A_243 = arith.mulf %slice3A_242, %slice3A_242 : vector<256x64xf32>
    %reduce_sum3A_244 = arith.constant dense<0.000000e+00> : vector<256xf32>
    %reduce_sum3A_245 = vector.multi_reduction <add>, %mul3A_243, %reduce_sum3A_244 [1] : vector<256x64xf32> to vector<256xf32>
    %broadcast_in_dim3A_246 = vector.shape_cast %reduce_sum3A_245 : vector<256xf32> to vector<256x1xf32>
    %div3A_247 = arith.constant 6.400000e+01 : f32
    %div3A_248 = vector.broadcast %div3A_247 : f32 to vector<256x1xf32>
    %div3A_249 = arith.divf %broadcast_in_dim3A_246, %div3A_248 : vector<256x1xf32>
    %add3A_250 = arith.constant 9.99999974E-6 : f32
    %add3A_251 = vector.broadcast %add3A_250 : f32 to vector<256x1xf32>
    %add3A_252 = arith.addf %div3A_249, %add3A_251 : vector<256x1xf32>
    %rsqrt3A_253 = math.rsqrt %add3A_252 : vector<256x1xf32>
    %mul3A_254 = vector.broadcast %rsqrt3A_253 : vector<256x1xf32> to vector<256x64xf32>
    %mul3A_255 = arith.mulf %slice3A_242, %mul3A_254 : vector<256x64xf32>
    %mul3A_256 = vector.broadcast %get3A_31 : vector<1x64xf32> to vector<256x64xf32>
    %mul3A_257 = arith.mulf %mul3A_255, %mul3A_256 : vector<256x64xf32>
    %mul3A_258 = arith.constant 1.250000e-01 : f32
    %mul3A_259 = vector.broadcast %mul3A_258 : f32 to vector<256x64xf32>
    %mul3A_260 = arith.mulf %mul3A_257, %mul3A_259 : vector<256x64xf32>
    %convert_element_type3A_261 = arith.truncf %mul3A_260 : vector<256x64xf32> to vector<256x64xbf16>
    %swap3A_262 = arith.constant 8 : index
    %swap3A_263 = arith.constant 0 : index
    %swap3A_264 = arith.constant 0 : index
    %swap3A_265 = vector.load %arg7[%swap3A_262, %swap3A_263, %swap3A_264] : memref<16x256x64xbf16, #tpu.memory_space<vmem>>, vector<1x256x64xbf16>
    %swap3A_266 = vector.shape_cast %swap3A_265 : vector<1x256x64xbf16> to vector<256x64xbf16>
    %swap3A_267 = vector.shape_cast %convert_element_type3A_261 : vector<256x64xbf16> to vector<1x256x64xbf16>
    tpu.vector_store %arg7[%swap3A_262, %swap3A_263, %swap3A_264], %swap3A_267 {strides = array<i32>} : memref<16x256x64xbf16, #tpu.memory_space<vmem>>, vector<1x256x64xbf16>,
    %slice3A_268 = vector.extract_strided_slice %dot_general3A_18 {offsets = [0, 576], sizes = [256, 64], strides = [1, 1]} : vector<256x1536xf32> to vector<256x64xf32>
    %mul3A_269 = arith.mulf %slice3A_268, %slice3A_268 : vector<256x64xf32>
    %reduce_sum3A_270 = arith.constant dense<0.000000e+00> : vector<256xf32>
    %reduce_sum3A_271 = vector.multi_reduction <add>, %mul3A_269, %reduce_sum3A_270 [1] : vector<256x64xf32> to vector<256xf32>
    %broadcast_in_dim3A_272 = vector.shape_cast %reduce_sum3A_271 : vector<256xf32> to vector<256x1xf32>
    %div3A_273 = arith.constant 6.400000e+01 : f32
    %div3A_274 = vector.broadcast %div3A_273 : f32 to vector<256x1xf32>
    %div3A_275 = arith.divf %broadcast_in_dim3A_272, %div3A_274 : vector<256x1xf32>
    %add3A_276 = arith.constant 9.99999974E-6 : f32
    %add3A_277 = vector.broadcast %add3A_276 : f32 to vector<256x1xf32>
    %add3A_278 = arith.addf %div3A_275, %add3A_277 : vector<256x1xf32>
    %rsqrt3A_279 = math.rsqrt %add3A_278 : vector<256x1xf32>
    %mul3A_280 = vector.broadcast %rsqrt3A_279 : vector<256x1xf32> to vector<256x64xf32>
    %mul3A_281 = arith.mulf %slice3A_268, %mul3A_280 : vector<256x64xf32>
    %mul3A_282 = vector.broadcast %get3A_31 : vector<1x64xf32> to vector<256x64xf32>
    %mul3A_283 = arith.mulf %mul3A_281, %mul3A_282 : vector<256x64xf32>
    %mul3A_284 = arith.constant 1.250000e-01 : f32
    %mul3A_285 = vector.broadcast %mul3A_284 : f32 to vector<256x64xf32>
    %mul3A_286 = arith.mulf %mul3A_283, %mul3A_285 : vector<256x64xf32>
    %convert_element_type3A_287 = arith.truncf %mul3A_286 : vector<256x64xf32> to vector<256x64xbf16>
    %swap3A_288 = arith.constant 9 : index
    %swap3A_289 = arith.constant 0 : index
    %swap3A_290 = arith.constant 0 : index
    %swap3A_291 = vector.load %arg7[%swap3A_288, %swap3A_289, %swap3A_290] : memref<16x256x64xbf16, #tpu.memory_space<vmem>>, vector<1x256x64xbf16>
    %swap3A_292 = vector.shape_cast %swap3A_291 : vector<1x256x64xbf16> to vector<256x64xbf16>
    %swap3A_293 = vector.shape_cast %convert_element_type3A_287 : vector<256x64xbf16> to vector<1x256x64xbf16>
    tpu.vector_store %arg7[%swap3A_288, %swap3A_289, %swap3A_290], %swap3A_293 {strides = array<i32>} : memref<16x256x64xbf16, #tpu.memory_space<vmem>>, vector<1x256x64xbf16>,
    %slice3A_294 = vector.extract_strided_slice %dot_general3A_18 {offsets = [0, 640], sizes = [256, 64], strides = [1, 1]} : vector<256x1536xf32> to vector<256x64xf32>
    %mul3A_295 = arith.mulf %slice3A_294, %slice3A_294 : vector<256x64xf32>
    %reduce_sum3A_296 = arith.constant dense<0.000000e+00> : vector<256xf32>
    %reduce_sum3A_297 = vector.multi_reduction <add>, %mul3A_295, %reduce_sum3A_296 [1] : vector<256x64xf32> to vector<256xf32>
    %broadcast_in_dim3A_298 = vector.shape_cast %reduce_sum3A_297 : vector<256xf32> to vector<256x1xf32>
    %div3A_299 = arith.constant 6.400000e+01 : f32
    %div3A_300 = vector.broadcast %div3A_299 : f32 to vector<256x1xf32>
    %div3A_301 = arith.divf %broadcast_in_dim3A_298, %div3A_300 : vector<256x1xf32>
    %add3A_302 = arith.constant 9.99999974E-6 : f32
    %add3A_303 = vector.broadcast %add3A_302 : f32 to vector<256x1xf32>
    %add3A_304 = arith.addf %div3A_301, %add3A_303 : vector<256x1xf32>
    %rsqrt3A_305 = math.rsqrt %add3A_304 : vector<256x1xf32>
    %mul3A_306 = vector.broadcast %rsqrt3A_305 : vector<256x1xf32> to vector<256x64xf32>
    %mul3A_307 = arith.mulf %slice3A_294, %mul3A_306 : vector<256x64xf32>
    %mul3A_308 = vector.broadcast %get3A_31 : vector<1x64xf32> to vector<256x64xf32>
    %mul3A_309 = arith.mulf %mul3A_307, %mul3A_308 : vector<256x64xf32>
    %mul3A_310 = arith.constant 1.250000e-01 : f32
    %mul3A_311 = vector.broadcast %mul3A_310 : f32 to vector<256x64xf32>
    %mul3A_312 = arith.mulf %mul3A_309, %mul3A_311 : vector<256x64xf32>
    %convert_element_type3A_313 = arith.truncf %mul3A_312 : vector<256x64xf32> to vector<256x64xbf16>
    %swap3A_314 = arith.constant 10 : index
    %swap3A_315 = arith.constant 0 : index
    %swap3A_316 = arith.constant 0 : index
    %swap3A_317 = vector.load %arg7[%swap3A_314, %swap3A_315, %swap3A_316] : memref<16x256x64xbf16, #tpu.memory_space<vmem>>, vector<1x256x64xbf16>
    %swap3A_318 = vector.shape_cast %swap3A_317 : vector<1x256x64xbf16> to vector<256x64xbf16>
    %swap3A_319 = vector.shape_cast %convert_element_type3A_313 : vector<256x64xbf16> to vector<1x256x64xbf16>
    tpu.vector_store %arg7[%swap3A_314, %swap3A_315, %swap3A_316], %swap3A_319 {strides = array<i32>} : memref<16x256x64xbf16, #tpu.memory_space<vmem>>, vector<1x256x64xbf16>,
    %slice3A_320 = vector.extract_strided_slice %dot_general3A_18 {offsets = [0, 704], sizes = [256, 64], strides = [1, 1]} : vector<256x1536xf32> to vector<256x64xf32>
    %mul3A_321 = arith.mulf %slice3A_320, %slice3A_320 : vector<256x64xf32>
    %reduce_sum3A_322 = arith.constant dense<0.000000e+00> : vector<256xf32>
    %reduce_sum3A_323 = vector.multi_reduction <add>, %mul3A_321, %reduce_sum3A_322 [1] : vector<256x64xf32> to vector<256xf32>
    %broadcast_in_dim3A_324 = vector.shape_cast %reduce_sum3A_323 : vector<256xf32> to vector<256x1xf32>
    %div3A_325 = arith.constant 6.400000e+01 : f32
    %div3A_326 = vector.broadcast %div3A_325 : f32 to vector<256x1xf32>
    %div3A_327 = arith.divf %broadcast_in_dim3A_324, %div3A_326 : vector<256x1xf32>
    %add3A_328 = arith.constant 9.99999974E-6 : f32
    %add3A_329 = vector.broadcast %add3A_328 : f32 to vector<256x1xf32>
    %add3A_330 = arith.addf %div3A_327, %add3A_329 : vector<256x1xf32>
    %rsqrt3A_331 = math.rsqrt %add3A_330 : vector<256x1xf32>
    %mul3A_332 = vector.broadcast %rsqrt3A_331 : vector<256x1xf32> to vector<256x64xf32>
    %mul3A_333 = arith.mulf %slice3A_320, %mul3A_332 : vector<256x64xf32>
    %mul3A_334 = vector.broadcast %get3A_31 : vector<1x64xf32> to vector<256x64xf32>
    %mul3A_335 = arith.mulf %mul3A_333, %mul3A_334 : vector<256x64xf32>
    %mul3A_336 = arith.constant 1.250000e-01 : f32
    %mul3A_337 = vector.broadcast %mul3A_336 : f32 to vector<256x64xf32>
    %mul3A_338 = arith.mulf %mul3A_335, %mul3A_337 : vector<256x64xf32>
    %convert_element_type3A_339 = arith.truncf %mul3A_338 : vector<256x64xf32> to vector<256x64xbf16>
    %swap3A_340 = arith.constant 11 : index
    %swap3A_341 = arith.constant 0 : index
    %swap3A_342 = arith.constant 0 : index
    %swap3A_343 = vector.load %arg7[%swap3A_340, %swap3A_341, %swap3A_342] : memref<16x256x64xbf16, #tpu.memory_space<vmem>>, vector<1x256x64xbf16>
    %swap3A_344 = vector.shape_cast %swap3A_343 : vector<1x256x64xbf16> to vector<256x64xbf16>
    %swap3A_345 = vector.shape_cast %convert_element_type3A_339 : vector<256x64xbf16> to vector<1x256x64xbf16>
    tpu.vector_store %arg7[%swap3A_340, %swap3A_341, %swap3A_342], %swap3A_345 {strides = array<i32>} : memref<16x256x64xbf16, #tpu.memory_space<vmem>>, vector<1x256x64xbf16>,
    %slice3A_346 = vector.extract_strided_slice %dot_general3A_18 {offsets = [0, 768], sizes = [256, 64], strides = [1, 1]} : vector<256x1536xf32> to vector<256x64xf32>
    %mul3A_347 = arith.mulf %slice3A_346, %slice3A_346 : vector<256x64xf32>
    %reduce_sum3A_348 = arith.constant dense<0.000000e+00> : vector<256xf32>
    %reduce_sum3A_349 = vector.multi_reduction <add>, %mul3A_347, %reduce_sum3A_348 [1] : vector<256x64xf32> to vector<256xf32>
    %broadcast_in_dim3A_350 = vector.shape_cast %reduce_sum3A_349 : vector<256xf32> to vector<256x1xf32>
    %div3A_351 = arith.constant 6.400000e+01 : f32
    %div3A_352 = vector.broadcast %div3A_351 : f32 to vector<256x1xf32>
    %div3A_353 = arith.divf %broadcast_in_dim3A_350, %div3A_352 : vector<256x1xf32>
    %add3A_354 = arith.constant 9.99999974E-6 : f32
    %add3A_355 = vector.broadcast %add3A_354 : f32 to vector<256x1xf32>
    %add3A_356 = arith.addf %div3A_353, %add3A_355 : vector<256x1xf32>
    %rsqrt3A_357 = math.rsqrt %add3A_356 : vector<256x1xf32>
    %mul3A_358 = vector.broadcast %rsqrt3A_357 : vector<256x1xf32> to vector<256x64xf32>
    %mul3A_359 = arith.mulf %slice3A_346, %mul3A_358 : vector<256x64xf32>
    %mul3A_360 = vector.broadcast %get3A_31 : vector<1x64xf32> to vector<256x64xf32>
    %mul3A_361 = arith.mulf %mul3A_359, %mul3A_360 : vector<256x64xf32>
    %mul3A_362 = arith.constant 1.250000e-01 : f32
    %mul3A_363 = vector.broadcast %mul3A_362 : f32 to vector<256x64xf32>
    %mul3A_364 = arith.mulf %mul3A_361, %mul3A_363 : vector<256x64xf32>
    %convert_element_type3A_365 = arith.truncf %mul3A_364 : vector<256x64xf32> to vector<256x64xbf16>
    %swap3A_366 = arith.constant 12 : index
    %swap3A_367 = arith.constant 0 : index
    %swap3A_368 = arith.constant 0 : index
    %swap3A_369 = vector.load %arg7[%swap3A_366, %swap3A_367, %swap3A_368] : memref<16x256x64xbf16, #tpu.memory_space<vmem>>, vector<1x256x64xbf16>
    %swap3A_370 = vector.shape_cast %swap3A_369 : vector<1x256x64xbf16> to vector<256x64xbf16>
    %swap3A_371 = vector.shape_cast %convert_element_type3A_365 : vector<256x64xbf16> to vector<1x256x64xbf16>
    tpu.vector_store %arg7[%swap3A_366, %swap3A_367, %swap3A_368], %swap3A_371 {strides = array<i32>} : memref<16x256x64xbf16, #tpu.memory_space<vmem>>, vector<1x256x64xbf16>,
    %slice3A_372 = vector.extract_strided_slice %dot_general3A_18 {offsets = [0, 832], sizes = [256, 64], strides = [1, 1]} : vector<256x1536xf32> to vector<256x64xf32>
    %mul3A_373 = arith.mulf %slice3A_372, %slice3A_372 : vector<256x64xf32>
    %reduce_sum3A_374 = arith.constant dense<0.000000e+00> : vector<256xf32>
    %reduce_sum3A_375 = vector.multi_reduction <add>, %mul3A_373, %reduce_sum3A_374 [1] : vector<256x64xf32> to vector<256xf32>
    %broadcast_in_dim3A_376 = vector.shape_cast %reduce_sum3A_375 : vector<256xf32> to vector<256x1xf32>
    %div3A_377 = arith.constant 6.400000e+01 : f32
    %div3A_378 = vector.broadcast %div3A_377 : f32 to vector<256x1xf32>
    %div3A_379 = arith.divf %broadcast_in_dim3A_376, %div3A_378 : vector<256x1xf32>
    %add3A_380 = arith.constant 9.99999974E-6 : f32
    %add3A_381 = vector.broadcast %add3A_380 : f32 to vector<256x1xf32>
    %add3A_382 = arith.addf %div3A_379, %add3A_381 : vector<256x1xf32>
    %rsqrt3A_383 = math.rsqrt %add3A_382 : vector<256x1xf32>
    %mul3A_384 = vector.broadcast %rsqrt3A_383 : vector<256x1xf32> to vector<256x64xf32>
    %mul3A_385 = arith.mulf %slice3A_372, %mul3A_384 : vector<256x64xf32>
    %mul3A_386 = vector.broadcast %get3A_31 : vector<1x64xf32> to vector<256x64xf32>
    %mul3A_387 = arith.mulf %mul3A_385, %mul3A_386 : vector<256x64xf32>
    %mul3A_388 = arith.constant 1.250000e-01 : f32
    %mul3A_389 = vector.broadcast %mul3A_388 : f32 to vector<256x64xf32>
    %mul3A_390 = arith.mulf %mul3A_387, %mul3A_389 : vector<256x64xf32>
    %convert_element_type3A_391 = arith.truncf %mul3A_390 : vector<256x64xf32> to vector<256x64xbf16>
    %swap3A_392 = arith.constant 13 : index
    %swap3A_393 = arith.constant 0 : index
    %swap3A_394 = arith.constant 0 : index
    %swap3A_395 = vector.load %arg7[%swap3A_392, %swap3A_393, %swap3A_394] : memref<16x256x64xbf16, #tpu.memory_space<vmem>>, vector<1x256x64xbf16>
    %swap3A_396 = vector.shape_cast %swap3A_395 : vector<1x256x64xbf16> to vector<256x64xbf16>
    %swap3A_397 = vector.shape_cast %convert_element_type3A_391 : vector<256x64xbf16> to vector<1x256x64xbf16>
    tpu.vector_store %arg7[%swap3A_392, %swap3A_393, %swap3A_394], %swap3A_397 {strides = array<i32>} : memref<16x256x64xbf16, #tpu.memory_space<vmem>>, vector<1x256x64xbf16>,
    %slice3A_398 = vector.extract_strided_slice %dot_general3A_18 {offsets = [0, 896], sizes = [256, 64], strides = [1, 1]} : vector<256x1536xf32> to vector<256x64xf32>
    %mul3A_399 = arith.mulf %slice3A_398, %slice3A_398 : vector<256x64xf32>
    %reduce_sum3A_400 = arith.constant dense<0.000000e+00> : vector<256xf32>
    %reduce_sum3A_401 = vector.multi_reduction <add>, %mul3A_399, %reduce_sum3A_400 [1] : vector<256x64xf32> to vector<256xf32>
    %broadcast_in_dim3A_402 = vector.shape_cast %reduce_sum3A_401 : vector<256xf32> to vector<256x1xf32>
    %div3A_403 = arith.constant 6.400000e+01 : f32
    %div3A_404 = vector.broadcast %div3A_403 : f32 to vector<256x1xf32>
    %div3A_405 = arith.divf %broadcast_in_dim3A_402, %div3A_404 : vector<256x1xf32>
    %add3A_406 = arith.constant 9.99999974E-6 : f32
    %add3A_407 = vector.broadcast %add3A_406 : f32 to vector<256x1xf32>
    %add3A_408 = arith.addf %div3A_405, %add3A_407 : vector<256x1xf32>
    %rsqrt3A_409 = math.rsqrt %add3A_408 : vector<256x1xf32>
    %mul3A_410 = vector.broadcast %rsqrt3A_409 : vector<256x1xf32> to vector<256x64xf32>
    %mul3A_411 = arith.mulf %slice3A_398, %mul3A_410 : vector<256x64xf32>
    %mul3A_412 = vector.broadcast %get3A_31 : vector<1x64xf32> to vector<256x64xf32>
    %mul3A_413 = arith.mulf %mul3A_411, %mul3A_412 : vector<256x64xf32>
    %mul3A_414 = arith.constant 1.250000e-01 : f32
    %mul3A_415 = vector.broadcast %mul3A_414 : f32 to vector<256x64xf32>
    %mul3A_416 = arith.mulf %mul3A_413, %mul3A_415 : vector<256x64xf32>
    %convert_element_type3A_417 = arith.truncf %mul3A_416 : vector<256x64xf32> to vector<256x64xbf16>
    %swap3A_418 = arith.constant 14 : index
    %swap3A_419 = arith.constant 0 : index
    %swap3A_420 = arith.constant 0 : index
    %swap3A_421 = vector.load %arg7[%swap3A_418, %swap3A_419, %swap3A_420] : memref<16x256x64xbf16, #tpu.memory_space<vmem>>, vector<1x256x64xbf16>
    %swap3A_422 = vector.shape_cast %swap3A_421 : vector<1x256x64xbf16> to vector<256x64xbf16>
    %swap3A_423 = vector.shape_cast %convert_element_type3A_417 : vector<256x64xbf16> to vector<1x256x64xbf16>
    tpu.vector_store %arg7[%swap3A_418, %swap3A_419, %swap3A_420], %swap3A_423 {strides = array<i32>} : memref<16x256x64xbf16, #tpu.memory_space<vmem>>, vector<1x256x64xbf16>,
    %slice3A_424 = vector.extract_strided_slice %dot_general3A_18 {offsets = [0, 960], sizes = [256, 64], strides = [1, 1]} : vector<256x1536xf32> to vector<256x64xf32>
    %mul3A_425 = arith.mulf %slice3A_424, %slice3A_424 : vector<256x64xf32>
    %reduce_sum3A_426 = arith.constant dense<0.000000e+00> : vector<256xf32>
    %reduce_sum3A_427 = vector.multi_reduction <add>, %mul3A_425, %reduce_sum3A_426 [1] : vector<256x64xf32> to vector<256xf32>
    %broadcast_in_dim3A_428 = vector.shape_cast %reduce_sum3A_427 : vector<256xf32> to vector<256x1xf32>
    %div3A_429 = arith.constant 6.400000e+01 : f32
    %div3A_430 = vector.broadcast %div3A_429 : f32 to vector<256x1xf32>
    %div3A_431 = arith.divf %broadcast_in_dim3A_428, %div3A_430 : vector<256x1xf32>
    %add3A_432 = arith.constant 9.99999974E-6 : f32
    %add3A_433 = vector.broadcast %add3A_432 : f32 to vector<256x1xf32>
    %add3A_434 = arith.addf %div3A_431, %add3A_433 : vector<256x1xf32>
    %rsqrt3A_435 = math.rsqrt %add3A_434 : vector<256x1xf32>
    %mul3A_436 = vector.broadcast %rsqrt3A_435 : vector<256x1xf32> to vector<256x64xf32>
    %mul3A_437 = arith.mulf %slice3A_424, %mul3A_436 : vector<256x64xf32>
    %mul3A_438 = vector.broadcast %get3A_31 : vector<1x64xf32> to vector<256x64xf32>
    %mul3A_439 = arith.mulf %mul3A_437, %mul3A_438 : vector<256x64xf32>
    %mul3A_440 = arith.constant 1.250000e-01 : f32
    %mul3A_441 = vector.broadcast %mul3A_440 : f32 to vector<256x64xf32>
    %mul3A_442 = arith.mulf %mul3A_439, %mul3A_441 : vector<256x64xf32>
    %convert_element_type3A_443 = arith.truncf %mul3A_442 : vector<256x64xf32> to vector<256x64xbf16>
    %swap3A_444 = arith.constant 15 : index
    %swap3A_445 = arith.constant 0 : index
    %swap3A_446 = arith.constant 0 : index
    %swap3A_447 = vector.load %arg7[%swap3A_444, %swap3A_445, %swap3A_446] : memref<16x256x64xbf16, #tpu.memory_space<vmem>>, vector<1x256x64xbf16>
    %swap3A_448 = vector.shape_cast %swap3A_447 : vector<1x256x64xbf16> to vector<256x64xbf16>
    %swap3A_449 = vector.shape_cast %convert_element_type3A_443 : vector<256x64xbf16> to vector<1x256x64xbf16>
    tpu.vector_store %arg7[%swap3A_444, %swap3A_445, %swap3A_446], %swap3A_449 {strides = array<i32>} : memref<16x256x64xbf16, #tpu.memory_space<vmem>>, vector<1x256x64xbf16>,
    %slice3A_450 = vector.extract_strided_slice %dot_general3A_18 {offsets = [0, 1024], sizes = [256, 64], strides = [1, 1]} : vector<256x1536xf32> to vector<256x64xf32>
    %mul3A_451 = arith.mulf %slice3A_450, %slice3A_450 : vector<256x64xf32>
    %reduce_sum3A_452 = arith.constant dense<0.000000e+00> : vector<256xf32>
    %reduce_sum3A_453 = vector.multi_reduction <add>, %mul3A_451, %reduce_sum3A_452 [1] : vector<256x64xf32> to vector<256xf32>
    %broadcast_in_dim3A_454 = vector.shape_cast %reduce_sum3A_453 : vector<256xf32> to vector<256x1xf32>
    %div3A_455 = arith.constant 6.400000e+01 : f32
    %div3A_456 = vector.broadcast %div3A_455 : f32 to vector<256x1xf32>
    %div3A_457 = arith.divf %broadcast_in_dim3A_454, %div3A_456 : vector<256x1xf32>
    %add3A_458 = arith.constant 9.99999974E-6 : f32
    %add3A_459 = vector.broadcast %add3A_458 : f32 to vector<256x1xf32>
    %add3A_460 = arith.addf %div3A_457, %add3A_459 : vector<256x1xf32>
    %rsqrt3A_461 = math.rsqrt %add3A_460 : vector<256x1xf32>
    %mul3A_462 = vector.broadcast %rsqrt3A_461 : vector<256x1xf32> to vector<256x64xf32>
    %mul3A_463 = arith.mulf %slice3A_450, %mul3A_462 : vector<256x64xf32>
    %mul3A_464 = vector.broadcast %get3A_34 : vector<1x64xf32> to vector<256x64xf32>
    %mul3A_465 = arith.mulf %mul3A_463, %mul3A_464 : vector<256x64xf32>
    %convert_element_type3A_466 = arith.truncf %mul3A_465 : vector<256x64xf32> to vector<256x64xbf16>
    %swap3A_467 = arith.constant 0 : index
    %swap3A_468 = arith.constant 0 : index
    %swap3A_469 = arith.constant 0 : index
    %swap3A_470 = vector.load %arg8[%swap3A_467, %swap3A_468, %swap3A_469] : memref<4x256x64xbf16, #tpu.memory_space<vmem>>, vector<1x256x64xbf16>
    %swap3A_471 = vector.shape_cast %swap3A_470 : vector<1x256x64xbf16> to vector<256x64xbf16>
    %swap3A_472 = vector.shape_cast %convert_element_type3A_466 : vector<256x64xbf16> to vector<1x256x64xbf16>
    tpu.vector_store %arg8[%swap3A_467, %swap3A_468, %swap3A_469], %swap3A_472 {strides = array<i32>} : memref<4x256x64xbf16, #tpu.memory_space<vmem>>, vector<1x256x64xbf16>,
    %slice3A_473 = vector.extract_strided_slice %dot_general3A_18 {offsets = [0, 1280], sizes = [256, 64], strides = [1, 1]} : vector<256x1536xf32> to vector<256x64xf32>
    %convert_element_type3A_474 = arith.truncf %slice3A_473 : vector<256x64xf32> to vector<256x64xbf16>
    %swap3A_475 = arith.constant 0 : index
    %swap3A_476 = arith.constant 0 : index
    %swap3A_477 = arith.constant 0 : index
    %swap3A_478 = vector.load %arg9[%swap3A_475, %swap3A_476, %swap3A_477] : memref<4x256x64xbf16, #tpu.memory_space<vmem>>, vector<1x256x64xbf16>
    %swap3A_479 = vector.shape_cast %swap3A_478 : vector<1x256x64xbf16> to vector<256x64xbf16>
    %swap3A_480 = vector.shape_cast %convert_element_type3A_474 : vector<256x64xbf16> to vector<1x256x64xbf16>
    tpu.vector_store %arg9[%swap3A_475, %swap3A_476, %swap3A_477], %swap3A_480 {strides = array<i32>} : memref<4x256x64xbf16, #tpu.memory_space<vmem>>, vector<1x256x64xbf16>,
    %slice3A_481 = vector.extract_strided_slice %dot_general3A_18 {offsets = [0, 1088], sizes = [256, 64], strides = [1, 1]} : vector<256x1536xf32> to vector<256x64xf32>
    %mul3A_482 = arith.mulf %slice3A_481, %slice3A_481 : vector<256x64xf32>
    %reduce_sum3A_483 = arith.constant dense<0.000000e+00> : vector<256xf32>
    %reduce_sum3A_484 = vector.multi_reduction <add>, %mul3A_482, %reduce_sum3A_483 [1] : vector<256x64xf32> to vector<256xf32>
    %broadcast_in_dim3A_485 = vector.shape_cast %reduce_sum3A_484 : vector<256xf32> to vector<256x1xf32>
    %div3A_486 = arith.constant 6.400000e+01 : f32
    %div3A_487 = vector.broadcast %div3A_486 : f32 to vector<256x1xf32>
    %div3A_488 = arith.divf %broadcast_in_dim3A_485, %div3A_487 : vector<256x1xf32>
    %add3A_489 = arith.constant 9.99999974E-6 : f32
    %add3A_490 = vector.broadcast %add3A_489 : f32 to vector<256x1xf32>
    %add3A_491 = arith.addf %div3A_488, %add3A_490 : vector<256x1xf32>
    %rsqrt3A_492 = math.rsqrt %add3A_491 : vector<256x1xf32>
    %mul3A_493 = vector.broadcast %rsqrt3A_492 : vector<256x1xf32> to vector<256x64xf32>
    %mul3A_494 = arith.mulf %slice3A_481, %mul3A_493 : vector<256x64xf32>
    %mul3A_495 = vector.broadcast %get3A_34 : vector<1x64xf32> to vector<256x64xf32>
    %mul3A_496 = arith.mulf %mul3A_494, %mul3A_495 : vector<256x64xf32>
    %convert_element_type3A_497 = arith.truncf %mul3A_496 : vector<256x64xf32> to vector<256x64xbf16>
    %swap3A_498 = arith.constant 1 : index
    %swap3A_499 = arith.constant 0 : index
    %swap3A_500 = arith.constant 0 : index
    %swap3A_501 = vector.load %arg8[%swap3A_498, %swap3A_499, %swap3A_500] : memref<4x256x64xbf16, #tpu.memory_space<vmem>>, vector<1x256x64xbf16>
    %swap3A_502 = vector.shape_cast %swap3A_501 : vector<1x256x64xbf16> to vector<256x64xbf16>
    %swap3A_503 = vector.shape_cast %convert_element_type3A_497 : vector<256x64xbf16> to vector<1x256x64xbf16>
    tpu.vector_store %arg8[%swap3A_498, %swap3A_499, %swap3A_500], %swap3A_503 {strides = array<i32>} : memref<4x256x64xbf16, #tpu.memory_space<vmem>>, vector<1x256x64xbf16>,
    %slice3A_504 = vector.extract_strided_slice %dot_general3A_18 {offsets = [0, 1344], sizes = [256, 64], strides = [1, 1]} : vector<256x1536xf32> to vector<256x64xf32>
    %convert_element_type3A_505 = arith.truncf %slice3A_504 : vector<256x64xf32> to vector<256x64xbf16>
    %swap3A_506 = arith.constant 1 : index
    %swap3A_507 = arith.constant 0 : index
    %swap3A_508 = arith.constant 0 : index
    %swap3A_509 = vector.load %arg9[%swap3A_506, %swap3A_507, %swap3A_508] : memref<4x256x64xbf16, #tpu.memory_space<vmem>>, vector<1x256x64xbf16>
    %swap3A_510 = vector.shape_cast %swap3A_509 : vector<1x256x64xbf16> to vector<256x64xbf16>
    %swap3A_511 = vector.shape_cast %convert_element_type3A_505 : vector<256x64xbf16> to vector<1x256x64xbf16>
    tpu.vector_store %arg9[%swap3A_506, %swap3A_507, %swap3A_508], %swap3A_511 {strides = array<i32>} : memref<4x256x64xbf16, #tpu.memory_space<vmem>>, vector<1x256x64xbf16>,
    %slice3A_512 = vector.extract_strided_slice %dot_general3A_18 {offsets = [0, 1152], sizes = [256, 64], strides = [1, 1]} : vector<256x1536xf32> to vector<256x64xf32>
    %mul3A_513 = arith.mulf %slice3A_512, %slice3A_512 : vector<256x64xf32>
    %reduce_sum3A_514 = arith.constant dense<0.000000e+00> : vector<256xf32>
    %reduce_sum3A_515 = vector.multi_reduction <add>, %mul3A_513, %reduce_sum3A_514 [1] : vector<256x64xf32> to vector<256xf32>
    %broadcast_in_dim3A_516 = vector.shape_cast %reduce_sum3A_515 : vector<256xf32> to vector<256x1xf32>
    %div3A_517 = arith.constant 6.400000e+01 : f32
    %div3A_518 = vector.broadcast %div3A_517 : f32 to vector<256x1xf32>
    %div3A_519 = arith.divf %broadcast_in_dim3A_516, %div3A_518 : vector<256x1xf32>
    %add3A_520 = arith.constant 9.99999974E-6 : f32
    %add3A_521 = vector.broadcast %add3A_520 : f32 to vector<256x1xf32>
    %add3A_522 = arith.addf %div3A_519, %add3A_521 : vector<256x1xf32>
    %rsqrt3A_523 = math.rsqrt %add3A_522 : vector<256x1xf32>
    %mul3A_524 = vector.broadcast %rsqrt3A_523 : vector<256x1xf32> to vector<256x64xf32>
    %mul3A_525 = arith.mulf %slice3A_512, %mul3A_524 : vector<256x64xf32>
    %mul3A_526 = vector.broadcast %get3A_34 : vector<1x64xf32> to vector<256x64xf32>
    %mul3A_527 = arith.mulf %mul3A_525, %mul3A_526 : vector<256x64xf32>
    %convert_element_type3A_528 = arith.truncf %mul3A_527 : vector<256x64xf32> to vector<256x64xbf16>
    %swap3A_529 = arith.constant 2 : index
    %swap3A_530 = arith.constant 0 : index
    %swap3A_531 = arith.constant 0 : index
    %swap3A_532 = vector.load %arg8[%swap3A_529, %swap3A_530, %swap3A_531] : memref<4x256x64xbf16, #tpu.memory_space<vmem>>, vector<1x256x64xbf16>
    %swap3A_533 = vector.shape_cast %swap3A_532 : vector<1x256x64xbf16> to vector<256x64xbf16>
    %swap3A_534 = vector.shape_cast %convert_element_type3A_528 : vector<256x64xbf16> to vector<1x256x64xbf16>
    tpu.vector_store %arg8[%swap3A_529, %swap3A_530, %swap3A_531], %swap3A_534 {strides = array<i32>} : memref<4x256x64xbf16, #tpu.memory_space<vmem>>, vector<1x256x64xbf16>,
    %slice3A_535 = vector.extract_strided_slice %dot_general3A_18 {offsets = [0, 1408], sizes = [256, 64], strides = [1, 1]} : vector<256x1536xf32> to vector<256x64xf32>
    %convert_element_type3A_536 = arith.truncf %slice3A_535 : vector<256x64xf32> to vector<256x64xbf16>
    %swap3A_537 = arith.constant 2 : index
    %swap3A_538 = arith.constant 0 : index
    %swap3A_539 = arith.constant 0 : index
    %swap3A_540 = vector.load %arg9[%swap3A_537, %swap3A_538, %swap3A_539] : memref<4x256x64xbf16, #tpu.memory_space<vmem>>, vector<1x256x64xbf16>
    %swap3A_541 = vector.shape_cast %swap3A_540 : vector<1x256x64xbf16> to vector<256x64xbf16>
    %swap3A_542 = vector.shape_cast %convert_element_type3A_536 : vector<256x64xbf16> to vector<1x256x64xbf16>
    tpu.vector_store %arg9[%swap3A_537, %swap3A_538, %swap3A_539], %swap3A_542 {strides = array<i32>} : memref<4x256x64xbf16, #tpu.memory_space<vmem>>, vector<1x256x64xbf16>,
    %slice3A_543 = vector.extract_strided_slice %dot_general3A_18 {offsets = [0, 1216], sizes = [256, 64], strides = [1, 1]} : vector<256x1536xf32> to vector<256x64xf32>
    %mul3A_544 = arith.mulf %slice3A_543, %slice3A_543 : vector<256x64xf32>
    %reduce_sum3A_545 = arith.constant dense<0.000000e+00> : vector<256xf32>
    %reduce_sum3A_546 = vector.multi_reduction <add>, %mul3A_544, %reduce_sum3A_545 [1] : vector<256x64xf32> to vector<256xf32>
    %broadcast_in_dim3A_547 = vector.shape_cast %reduce_sum3A_546 : vector<256xf32> to vector<256x1xf32>
    %div3A_548 = arith.constant 6.400000e+01 : f32
    %div3A_549 = vector.broadcast %div3A_548 : f32 to vector<256x1xf32>
    %div3A_550 = arith.divf %broadcast_in_dim3A_547, %div3A_549 : vector<256x1xf32>
    %add3A_551 = arith.constant 9.99999974E-6 : f32
    %add3A_552 = vector.broadcast %add3A_551 : f32 to vector<256x1xf32>
    %add3A_553 = arith.addf %div3A_550, %add3A_552 : vector<256x1xf32>
    %rsqrt3A_554 = math.rsqrt %add3A_553 : vector<256x1xf32>
    %mul3A_555 = vector.broadcast %rsqrt3A_554 : vector<256x1xf32> to vector<256x64xf32>
    %mul3A_556 = arith.mulf %slice3A_543, %mul3A_555 : vector<256x64xf32>
    %mul3A_557 = vector.broadcast %get3A_34 : vector<1x64xf32> to vector<256x64xf32>
    %mul3A_558 = arith.mulf %mul3A_556, %mul3A_557 : vector<256x64xf32>
    %convert_element_type3A_559 = arith.truncf %mul3A_558 : vector<256x64xf32> to vector<256x64xbf16>
    %swap3A_560 = arith.constant 3 : index
    %swap3A_561 = arith.constant 0 : index
    %swap3A_562 = arith.constant 0 : index
    %swap3A_563 = vector.load %arg8[%swap3A_560, %swap3A_561, %swap3A_562] : memref<4x256x64xbf16, #tpu.memory_space<vmem>>, vector<1x256x64xbf16>
    %swap3A_564 = vector.shape_cast %swap3A_563 : vector<1x256x64xbf16> to vector<256x64xbf16>
    %swap3A_565 = vector.shape_cast %convert_element_type3A_559 : vector<256x64xbf16> to vector<1x256x64xbf16>
    tpu.vector_store %arg8[%swap3A_560, %swap3A_561, %swap3A_562], %swap3A_565 {strides = array<i32>} : memref<4x256x64xbf16, #tpu.memory_space<vmem>>, vector<1x256x64xbf16>,
    %slice3A_566 = vector.extract_strided_slice %dot_general3A_18 {offsets = [0, 1472], sizes = [256, 64], strides = [1, 1]} : vector<256x1536xf32> to vector<256x64xf32>
    %convert_element_type3A_567 = arith.truncf %slice3A_566 : vector<256x64xf32> to vector<256x64xbf16>
    %swap3A_568 = arith.constant 3 : index
    %swap3A_569 = arith.constant 0 : index
    %swap3A_570 = arith.constant 0 : index
    %swap3A_571 = vector.load %arg9[%swap3A_568, %swap3A_569, %swap3A_570] : memref<4x256x64xbf16, #tpu.memory_space<vmem>>, vector<1x256x64xbf16>
    %swap3A_572 = vector.shape_cast %swap3A_571 : vector<1x256x64xbf16> to vector<256x64xbf16>
    %swap3A_573 = vector.shape_cast %convert_element_type3A_567 : vector<256x64xbf16> to vector<1x256x64xbf16>
    tpu.vector_store %arg9[%swap3A_568, %swap3A_569, %swap3A_570], %swap3A_573 {strides = array<i32>} : memref<4x256x64xbf16, #tpu.memory_space<vmem>>, vector<1x256x64xbf16>,
    return
  }
  func.func @transform_0(%arg0: i32) -> (i32, i32) {
    %c0_i32 = arith.constant 0 : i32
    %c0_i32_0 = arith.constant 0 : i32
    return %arg0, %c0_i32 : i32, i32
  }
  func.func @transform_1(%arg0: i32) -> (i32, i32) {
    %c0_i32 = arith.constant 0 : i32
    %c0_i32_0 = arith.constant 0 : i32
    %c0_i32_1 = arith.constant 0 : i32
    return %c0_i32, %c0_i32_0 : i32, i32
  }
  func.func @transform_2(%arg0: i32) -> (i32, i32) {
    %c0_i32 = arith.constant 0 : i32
    %c0_i32_0 = arith.constant 0 : i32
    %c0_i32_1 = arith.constant 0 : i32
    return %c0_i32, %c0_i32_0 : i32, i32
  }
  func.func @transform_3(%arg0: i32) -> (i32, i32) {
    %c0_i32 = arith.constant 0 : i32
    %c0_i32_0 = arith.constant 0 : i32
    %c0_i32_1 = arith.constant 0 : i32
    return %c0_i32, %c0_i32_0 : i32, i32
  }
  func.func @transform_4(%arg0: i32) -> (i32, i32) {
    %c0_i32 = arith.constant 0 : i32
    %c0_i32_0 = arith.constant 0 : i32
    %c0_i32_1 = arith.constant 0 : i32
    return %c0_i32, %c0_i32_0 : i32, i32
  }
  func.func @transform_5(%arg0: i32) -> (i32, i32) {
    %c0_i32 = arith.constant 0 : i32
    %c0_i32_0 = arith.constant 0 : i32
    %c0_i32_1 = arith.constant 0 : i32
    return %c0_i32, %c0_i32_0 : i32, i32
  }
  func.func @transform_6(%arg0: i32) -> (i32, i32, i32) {
    %c0_i32 = arith.constant 0 : i32
    %c0_i32_0 = arith.constant 0 : i32
    %c0_i32_1 = arith.constant 0 : i32
    return %c0_i32, %arg0, %c0_i32_0 : i32, i32, i32
  }
  func.func @transform_7(%arg0: i32) -> (i32, i32, i32) {
    %c0_i32 = arith.constant 0 : i32
    %c0_i32_0 = arith.constant 0 : i32
    %c0_i32_1 = arith.constant 0 : i32
    return %c0_i32, %arg0, %c0_i32_0 : i32, i32, i32
  }
  func.func @transform_8(%arg0: i32) -> (i32, i32, i32) {
    %c0_i32 = arith.constant 0 : i32
    %c0_i32_0 = arith.constant 0 : i32
    %c0_i32_1 = arith.constant 0 : i32
    return %c0_i32, %arg0, %c0_i32_0 : i32, i32, i32
  }
  func.func @transform_9(%arg0: i32) -> (i32, i32) {
    %c0_i32 = arith.constant 0 : i32
    %c0_i32_0 = arith.constant 0 : i32
    return %arg0, %c0_i32 : i32, i32
  }
}

module attributes {stable_mosaic.version = 14 : i64} {
  func.func @_attn_body(%arg0: i32, %arg1: i32, %arg2: memref<4x512x64xbf16, #tpu.memory_space<vmem>>, %arg3: memref<1x2048x64xbf16, #tpu.memory_space<vmem>>, %arg4: memref<1x2048x64xbf16, #tpu.memory_space<vmem>>, %arg5: memref<512x512xf32, #tpu.memory_space<vmem>>, %arg6: memref<4x512x64xbf16, #tpu.memory_space<vmem>>) attributes {dimension_semantics = [#tpu.dimension_semantics<arbitrary>, #tpu.dimension_semantics<arbitrary>], iteration_bounds = array<i64: 4, 4>, scalar_prefetch = 0 : i64, scratch_operands = 0 : i64, tpu.core_type = #tpu.core_type<tc>, window_params = [{transform_indices = @transform_0, window_bounds = array<i64: 4, 512, 64>}, {transform_indices = @transform_1, window_bounds = array<i64: 1, 2048, 64>}, {transform_indices = @transform_2, window_bounds = array<i64: 1, 2048, 64>}, {pipeline_mode = #tpu.pipeline_mode<synchronous>, transform_indices = @transform_3, window_bounds = array<i64: 512, 512>}, {transform_indices = @transform_4, window_bounds = array<i64: 4, 512, 64>}]} {
    %get3A = arith.constant 0 : index
    %get3A_0 = arith.constant 0 : index
    %get3A_1 = arith.constant 0 : index
    %get3A_2 = vector.load %arg2[%get3A, %get3A_0, %get3A_1] : memref<4x512x64xbf16, #tpu.memory_space<vmem>>, vector<1x512x64xbf16>
    %get3A_3 = vector.shape_cast %get3A_2 : vector<1x512x64xbf16> to vector<512x64xbf16>
    %get3A_4 = arith.constant 1 : index
    %get3A_5 = arith.constant 0 : index
    %get3A_6 = arith.constant 0 : index
    %get3A_7 = vector.load %arg2[%get3A_4, %get3A_5, %get3A_6] : memref<4x512x64xbf16, #tpu.memory_space<vmem>>, vector<1x512x64xbf16>
    %get3A_8 = vector.shape_cast %get3A_7 : vector<1x512x64xbf16> to vector<512x64xbf16>
    %get3A_9 = arith.constant 2 : index
    %get3A_10 = arith.constant 0 : index
    %get3A_11 = arith.constant 0 : index
    %get3A_12 = vector.load %arg2[%get3A_9, %get3A_10, %get3A_11] : memref<4x512x64xbf16, #tpu.memory_space<vmem>>, vector<1x512x64xbf16>
    %get3A_13 = vector.shape_cast %get3A_12 : vector<1x512x64xbf16> to vector<512x64xbf16>
    %get3A_14 = arith.constant 3 : index
    %get3A_15 = arith.constant 0 : index
    %get3A_16 = arith.constant 0 : index
    %get3A_17 = vector.load %arg2[%get3A_14, %get3A_15, %get3A_16] : memref<4x512x64xbf16, #tpu.memory_space<vmem>>, vector<1x512x64xbf16>
    %get3A_18 = vector.shape_cast %get3A_17 : vector<1x512x64xbf16> to vector<512x64xbf16>
    %broadcast_in_dim3A = arith.constant 0.000000e+00 : f32
    %broadcast_in_dim3A_19 = vector.broadcast %broadcast_in_dim3A : f32 to vector<512x1xf32>
    %broadcast_in_dim3A_20 = arith.constant 0.000000e+00 : f32
    %broadcast_in_dim3A_21 = vector.broadcast %broadcast_in_dim3A_20 : f32 to vector<512x64xf32>
    %while3A = arith.constant 0 : i32
    %while3A_22 = arith.subi %arg1, %while3A : i32
    %while3A_23 = arith.addi %while3A, %while3A_22 : i32
    %while3A_24 = arith.constant 1 : i32
    %while3A_25 = arith.divsi %while3A_22, %while3A_24 : i32
    %while3A_26 = arith.muli %while3A_25, %while3A_24 : i32
    %while3A_27 = arith.addi %while3A, %while3A_26 : i32
    %while3A_28 = arith.constant 1 : i32
    %while3A_29:8 = scf.for %while3A_136 = %while3A to %while3A_27 step %while3A_28 iter_args(%while3A_137 = %broadcast_in_dim3A_19, %while3A_138 = %broadcast_in_dim3A_19, %while3A_139 = %broadcast_in_dim3A_19, %while3A_140 = %broadcast_in_dim3A_19, %while3A_141 = %broadcast_in_dim3A_21, %while3A_142 = %broadcast_in_dim3A_21, %while3A_143 = %broadcast_in_dim3A_21, %while3A_144 = %broadcast_in_dim3A_21) -> (vector<512x1xf32>, vector<512x1xf32>, vector<512x1xf32>, vector<512x1xf32>, vector<512x64xf32>, vector<512x64xf32>, vector<512x64xf32>, vector<512x64xf32>)  : i32 {
      %mul3A_145 = arith.constant 512 : i32
      %mul3A_146 = arith.muli %while3A_136, %mul3A_145 : i32
      %get3A_147 = arith.constant 0 : index
      %get3A_148 = arith.index_cast %mul3A_146 : i32 to index
      %get3A_149 = arith.constant 0 : index
      %get3A_150 = vector.load %arg3[%get3A_147, %get3A_148, %get3A_149] : memref<1x2048x64xbf16, #tpu.memory_space<vmem>>, vector<1x512x64xbf16>
      %get3A_151 = vector.shape_cast %get3A_150 : vector<1x512x64xbf16> to vector<512x64xbf16>
      %mul3A_152 = arith.constant 512 : i32
      %mul3A_153 = arith.muli %while3A_136, %mul3A_152 : i32
      %get3A_154 = arith.constant 0 : index
      %get3A_155 = arith.index_cast %mul3A_153 : i32 to index
      %get3A_156 = arith.constant 0 : index
      %get3A_157 = vector.load %arg4[%get3A_154, %get3A_155, %get3A_156] : memref<1x2048x64xbf16, #tpu.memory_space<vmem>>, vector<1x512x64xbf16>
      %get3A_158 = vector.shape_cast %get3A_157 : vector<1x512x64xbf16> to vector<512x64xbf16>
      %dot_general3A_159 = arith.constant dense<0.000000e+00> : vector<512x512xf32>
      %dot_general3A_160 = tpu.matmul %get3A_3, %get3A_151, %dot_general3A_159 {dimension_numbers = #tpu.dot_dimension_numbers<[1], [1], [0], [0], [0, 0, 1, 0], [], []>, transpose_lhs_hint = false} : vector<512x64xbf16>, vector<512x64xbf16>, vector<512x512xf32> -> vector<512x512xf32>
      %dot_general3A_161 = arith.constant dense<0.000000e+00> : vector<512x512xf32>
      %dot_general3A_162 = tpu.matmul %get3A_8, %get3A_151, %dot_general3A_161 {dimension_numbers = #tpu.dot_dimension_numbers<[1], [1], [0], [0], [0, 0, 1, 0], [], []>, transpose_lhs_hint = false} : vector<512x64xbf16>, vector<512x64xbf16>, vector<512x512xf32> -> vector<512x512xf32>
      %dot_general3A_163 = arith.constant dense<0.000000e+00> : vector<512x512xf32>
      %dot_general3A_164 = tpu.matmul %get3A_13, %get3A_151, %dot_general3A_163 {dimension_numbers = #tpu.dot_dimension_numbers<[1], [1], [0], [0], [0, 0, 1, 0], [], []>, transpose_lhs_hint = false} : vector<512x64xbf16>, vector<512x64xbf16>, vector<512x512xf32> -> vector<512x512xf32>
      %dot_general3A_165 = arith.constant dense<0.000000e+00> : vector<512x512xf32>
      %dot_general3A_166 = tpu.matmul %get3A_18, %get3A_151, %dot_general3A_165 {dimension_numbers = #tpu.dot_dimension_numbers<[1], [1], [0], [0], [0, 0, 1, 0], [], []>, transpose_lhs_hint = false} : vector<512x64xbf16>, vector<512x64xbf16>, vector<512x512xf32> -> vector<512x512xf32>
      %min3A_167 = arith.constant 3.000000e+01 : f32
      %min3A_168 = vector.broadcast %min3A_167 : f32 to vector<512x512xf32>
      %min3A_169 = arith.minimumf %dot_general3A_160, %min3A_168 : vector<512x512xf32>
      %exp3A_170 = math.exp %min3A_169 : vector<512x512xf32>
      %min3A_171 = arith.constant 3.000000e+01 : f32
      %min3A_172 = vector.broadcast %min3A_171 : f32 to vector<512x512xf32>
      %min3A_173 = arith.minimumf %dot_general3A_162, %min3A_172 : vector<512x512xf32>
      %exp3A_174 = math.exp %min3A_173 : vector<512x512xf32>
      %min3A_175 = arith.constant 3.000000e+01 : f32
      %min3A_176 = vector.broadcast %min3A_175 : f32 to vector<512x512xf32>
      %min3A_177 = arith.minimumf %dot_general3A_164, %min3A_176 : vector<512x512xf32>
      %exp3A_178 = math.exp %min3A_177 : vector<512x512xf32>
      %min3A_179 = arith.constant 3.000000e+01 : f32
      %min3A_180 = vector.broadcast %min3A_179 : f32 to vector<512x512xf32>
      %min3A_181 = arith.minimumf %dot_general3A_166, %min3A_180 : vector<512x512xf32>
      %exp3A_182 = math.exp %min3A_181 : vector<512x512xf32>
      %reduce_sum3A_183 = arith.constant dense<0.000000e+00> : vector<512xf32>
      %reduce_sum3A_184 = vector.multi_reduction <add>, %exp3A_170, %reduce_sum3A_183 [1] : vector<512x512xf32> to vector<512xf32>
      %broadcast_in_dim3A_185 = vector.shape_cast %reduce_sum3A_184 : vector<512xf32> to vector<512x1xf32>
      %add3A_186 = arith.addf %while3A_137, %broadcast_in_dim3A_185 : vector<512x1xf32>
      %reduce_sum3A_187 = arith.constant dense<0.000000e+00> : vector<512xf32>
      %reduce_sum3A_188 = vector.multi_reduction <add>, %exp3A_174, %reduce_sum3A_187 [1] : vector<512x512xf32> to vector<512xf32>
      %broadcast_in_dim3A_189 = vector.shape_cast %reduce_sum3A_188 : vector<512xf32> to vector<512x1xf32>
      %add3A_190 = arith.addf %while3A_138, %broadcast_in_dim3A_189 : vector<512x1xf32>
      %reduce_sum3A_191 = arith.constant dense<0.000000e+00> : vector<512xf32>
      %reduce_sum3A_192 = vector.multi_reduction <add>, %exp3A_178, %reduce_sum3A_191 [1] : vector<512x512xf32> to vector<512xf32>
      %broadcast_in_dim3A_193 = vector.shape_cast %reduce_sum3A_192 : vector<512xf32> to vector<512x1xf32>
      %add3A_194 = arith.addf %while3A_139, %broadcast_in_dim3A_193 : vector<512x1xf32>
      %reduce_sum3A_195 = arith.constant dense<0.000000e+00> : vector<512xf32>
      %reduce_sum3A_196 = vector.multi_reduction <add>, %exp3A_182, %reduce_sum3A_195 [1] : vector<512x512xf32> to vector<512xf32>
      %broadcast_in_dim3A_197 = vector.shape_cast %reduce_sum3A_196 : vector<512xf32> to vector<512x1xf32>
      %add3A_198 = arith.addf %while3A_140, %broadcast_in_dim3A_197 : vector<512x1xf32>
      %convert_element_type3A_199 = arith.truncf %exp3A_170 : vector<512x512xf32> to vector<512x512xbf16>
      %dot_general3A_200 = arith.constant dense<0.000000e+00> : vector<512x64xf32>
      %dot_general3A_201 = tpu.matmul %convert_element_type3A_199, %get3A_158, %dot_general3A_200 {dimension_numbers = #tpu.dot_dimension_numbers<[1], [0], [0], [1], [0, 0, 1, 1], [], []>, transpose_lhs_hint = false} : vector<512x512xbf16>, vector<512x64xbf16>, vector<512x64xf32> -> vector<512x64xf32>
      %add3A_202 = arith.addf %while3A_141, %dot_general3A_201 : vector<512x64xf32>
      %convert_element_type3A_203 = arith.truncf %exp3A_174 : vector<512x512xf32> to vector<512x512xbf16>
      %dot_general3A_204 = arith.constant dense<0.000000e+00> : vector<512x64xf32>
      %dot_general3A_205 = tpu.matmul %convert_element_type3A_203, %get3A_158, %dot_general3A_204 {dimension_numbers = #tpu.dot_dimension_numbers<[1], [0], [0], [1], [0, 0, 1, 1], [], []>, transpose_lhs_hint = false} : vector<512x512xbf16>, vector<512x64xbf16>, vector<512x64xf32> -> vector<512x64xf32>
      %add3A_206 = arith.addf %while3A_142, %dot_general3A_205 : vector<512x64xf32>
      %convert_element_type3A_207 = arith.truncf %exp3A_178 : vector<512x512xf32> to vector<512x512xbf16>
      %dot_general3A_208 = arith.constant dense<0.000000e+00> : vector<512x64xf32>
      %dot_general3A_209 = tpu.matmul %convert_element_type3A_207, %get3A_158, %dot_general3A_208 {dimension_numbers = #tpu.dot_dimension_numbers<[1], [0], [0], [1], [0, 0, 1, 1], [], []>, transpose_lhs_hint = false} : vector<512x512xbf16>, vector<512x64xbf16>, vector<512x64xf32> -> vector<512x64xf32>
      %add3A_210 = arith.addf %while3A_143, %dot_general3A_209 : vector<512x64xf32>
      %convert_element_type3A_211 = arith.truncf %exp3A_182 : vector<512x512xf32> to vector<512x512xbf16>
      %dot_general3A_212 = arith.constant dense<0.000000e+00> : vector<512x64xf32>
      %dot_general3A_213 = tpu.matmul %convert_element_type3A_211, %get3A_158, %dot_general3A_212 {dimension_numbers = #tpu.dot_dimension_numbers<[1], [0], [0], [1], [0, 0, 1, 1], [], []>, transpose_lhs_hint = false} : vector<512x512xbf16>, vector<512x64xbf16>, vector<512x64xf32> -> vector<512x64xf32>
      %add3A_214 = arith.addf %while3A_144, %dot_general3A_213 : vector<512x64xf32>
      scf.yield %add3A_186, %add3A_190, %add3A_194, %add3A_198, %add3A_202, %add3A_206, %add3A_210, %add3A_214 : vector<512x1xf32>, vector<512x1xf32>, vector<512x1xf32>, vector<512x1xf32>, vector<512x64xf32>, vector<512x64xf32>, vector<512x64xf32>, vector<512x64xf32>
    }
    %while3A_30 = arith.constant 1 : i32
    %while3A_31:8 = scf.for %while3A_136 = %while3A_27 to %while3A_23 step %while3A_30 iter_args(%while3A_137 = %while3A_29#0, %while3A_138 = %while3A_29#1, %while3A_139 = %while3A_29#2, %while3A_140 = %while3A_29#3, %while3A_141 = %while3A_29#4, %while3A_142 = %while3A_29#5, %while3A_143 = %while3A_29#6, %while3A_144 = %while3A_29#7) -> (vector<512x1xf32>, vector<512x1xf32>, vector<512x1xf32>, vector<512x1xf32>, vector<512x64xf32>, vector<512x64xf32>, vector<512x64xf32>, vector<512x64xf32>)  : i32 {
      %mul3A_145 = arith.constant 512 : i32
      %mul3A_146 = arith.muli %while3A_136, %mul3A_145 : i32
      %get3A_147 = arith.constant 0 : index
      %get3A_148 = arith.index_cast %mul3A_146 : i32 to index
      %get3A_149 = arith.constant 0 : index
      %get3A_150 = vector.load %arg3[%get3A_147, %get3A_148, %get3A_149] : memref<1x2048x64xbf16, #tpu.memory_space<vmem>>, vector<1x512x64xbf16>
      %get3A_151 = vector.shape_cast %get3A_150 : vector<1x512x64xbf16> to vector<512x64xbf16>
      %mul3A_152 = arith.constant 512 : i32
      %mul3A_153 = arith.muli %while3A_136, %mul3A_152 : i32
      %get3A_154 = arith.constant 0 : index
      %get3A_155 = arith.index_cast %mul3A_153 : i32 to index
      %get3A_156 = arith.constant 0 : index
      %get3A_157 = vector.load %arg4[%get3A_154, %get3A_155, %get3A_156] : memref<1x2048x64xbf16, #tpu.memory_space<vmem>>, vector<1x512x64xbf16>
      %get3A_158 = vector.shape_cast %get3A_157 : vector<1x512x64xbf16> to vector<512x64xbf16>
      %dot_general3A_159 = arith.constant dense<0.000000e+00> : vector<512x512xf32>
      %dot_general3A_160 = tpu.matmul %get3A_3, %get3A_151, %dot_general3A_159 {dimension_numbers = #tpu.dot_dimension_numbers<[1], [1], [0], [0], [0, 0, 1, 0], [], []>, transpose_lhs_hint = false} : vector<512x64xbf16>, vector<512x64xbf16>, vector<512x512xf32> -> vector<512x512xf32>
      %dot_general3A_161 = arith.constant dense<0.000000e+00> : vector<512x512xf32>
      %dot_general3A_162 = tpu.matmul %get3A_8, %get3A_151, %dot_general3A_161 {dimension_numbers = #tpu.dot_dimension_numbers<[1], [1], [0], [0], [0, 0, 1, 0], [], []>, transpose_lhs_hint = false} : vector<512x64xbf16>, vector<512x64xbf16>, vector<512x512xf32> -> vector<512x512xf32>
      %dot_general3A_163 = arith.constant dense<0.000000e+00> : vector<512x512xf32>
      %dot_general3A_164 = tpu.matmul %get3A_13, %get3A_151, %dot_general3A_163 {dimension_numbers = #tpu.dot_dimension_numbers<[1], [1], [0], [0], [0, 0, 1, 0], [], []>, transpose_lhs_hint = false} : vector<512x64xbf16>, vector<512x64xbf16>, vector<512x512xf32> -> vector<512x512xf32>
      %dot_general3A_165 = arith.constant dense<0.000000e+00> : vector<512x512xf32>
      %dot_general3A_166 = tpu.matmul %get3A_18, %get3A_151, %dot_general3A_165 {dimension_numbers = #tpu.dot_dimension_numbers<[1], [1], [0], [0], [0, 0, 1, 0], [], []>, transpose_lhs_hint = false} : vector<512x64xbf16>, vector<512x64xbf16>, vector<512x512xf32> -> vector<512x512xf32>
      %min3A_167 = arith.constant 3.000000e+01 : f32
      %min3A_168 = vector.broadcast %min3A_167 : f32 to vector<512x512xf32>
      %min3A_169 = arith.minimumf %dot_general3A_160, %min3A_168 : vector<512x512xf32>
      %exp3A_170 = math.exp %min3A_169 : vector<512x512xf32>
      %min3A_171 = arith.constant 3.000000e+01 : f32
      %min3A_172 = vector.broadcast %min3A_171 : f32 to vector<512x512xf32>
      %min3A_173 = arith.minimumf %dot_general3A_162, %min3A_172 : vector<512x512xf32>
      %exp3A_174 = math.exp %min3A_173 : vector<512x512xf32>
      %min3A_175 = arith.constant 3.000000e+01 : f32
      %min3A_176 = vector.broadcast %min3A_175 : f32 to vector<512x512xf32>
      %min3A_177 = arith.minimumf %dot_general3A_164, %min3A_176 : vector<512x512xf32>
      %exp3A_178 = math.exp %min3A_177 : vector<512x512xf32>
      %min3A_179 = arith.constant 3.000000e+01 : f32
      %min3A_180 = vector.broadcast %min3A_179 : f32 to vector<512x512xf32>
      %min3A_181 = arith.minimumf %dot_general3A_166, %min3A_180 : vector<512x512xf32>
      %exp3A_182 = math.exp %min3A_181 : vector<512x512xf32>
      %reduce_sum3A_183 = arith.constant dense<0.000000e+00> : vector<512xf32>
      %reduce_sum3A_184 = vector.multi_reduction <add>, %exp3A_170, %reduce_sum3A_183 [1] : vector<512x512xf32> to vector<512xf32>
      %broadcast_in_dim3A_185 = vector.shape_cast %reduce_sum3A_184 : vector<512xf32> to vector<512x1xf32>
      %add3A_186 = arith.addf %while3A_137, %broadcast_in_dim3A_185 : vector<512x1xf32>
      %reduce_sum3A_187 = arith.constant dense<0.000000e+00> : vector<512xf32>
      %reduce_sum3A_188 = vector.multi_reduction <add>, %exp3A_174, %reduce_sum3A_187 [1] : vector<512x512xf32> to vector<512xf32>
      %broadcast_in_dim3A_189 = vector.shape_cast %reduce_sum3A_188 : vector<512xf32> to vector<512x1xf32>
      %add3A_190 = arith.addf %while3A_138, %broadcast_in_dim3A_189 : vector<512x1xf32>
      %reduce_sum3A_191 = arith.constant dense<0.000000e+00> : vector<512xf32>
      %reduce_sum3A_192 = vector.multi_reduction <add>, %exp3A_178, %reduce_sum3A_191 [1] : vector<512x512xf32> to vector<512xf32>
      %broadcast_in_dim3A_193 = vector.shape_cast %reduce_sum3A_192 : vector<512xf32> to vector<512x1xf32>
      %add3A_194 = arith.addf %while3A_139, %broadcast_in_dim3A_193 : vector<512x1xf32>
      %reduce_sum3A_195 = arith.constant dense<0.000000e+00> : vector<512xf32>
      %reduce_sum3A_196 = vector.multi_reduction <add>, %exp3A_182, %reduce_sum3A_195 [1] : vector<512x512xf32> to vector<512xf32>
      %broadcast_in_dim3A_197 = vector.shape_cast %reduce_sum3A_196 : vector<512xf32> to vector<512x1xf32>
      %add3A_198 = arith.addf %while3A_140, %broadcast_in_dim3A_197 : vector<512x1xf32>
      %convert_element_type3A_199 = arith.truncf %exp3A_170 : vector<512x512xf32> to vector<512x512xbf16>
      %dot_general3A_200 = arith.constant dense<0.000000e+00> : vector<512x64xf32>
      %dot_general3A_201 = tpu.matmul %convert_element_type3A_199, %get3A_158, %dot_general3A_200 {dimension_numbers = #tpu.dot_dimension_numbers<[1], [0], [0], [1], [0, 0, 1, 1], [], []>, transpose_lhs_hint = false} : vector<512x512xbf16>, vector<512x64xbf16>, vector<512x64xf32> -> vector<512x64xf32>
      %add3A_202 = arith.addf %while3A_141, %dot_general3A_201 : vector<512x64xf32>
      %convert_element_type3A_203 = arith.truncf %exp3A_174 : vector<512x512xf32> to vector<512x512xbf16>
      %dot_general3A_204 = arith.constant dense<0.000000e+00> : vector<512x64xf32>
      %dot_general3A_205 = tpu.matmul %convert_element_type3A_203, %get3A_158, %dot_general3A_204 {dimension_numbers = #tpu.dot_dimension_numbers<[1], [0], [0], [1], [0, 0, 1, 1], [], []>, transpose_lhs_hint = false} : vector<512x512xbf16>, vector<512x64xbf16>, vector<512x64xf32> -> vector<512x64xf32>
      %add3A_206 = arith.addf %while3A_142, %dot_general3A_205 : vector<512x64xf32>
      %convert_element_type3A_207 = arith.truncf %exp3A_178 : vector<512x512xf32> to vector<512x512xbf16>
      %dot_general3A_208 = arith.constant dense<0.000000e+00> : vector<512x64xf32>
      %dot_general3A_209 = tpu.matmul %convert_element_type3A_207, %get3A_158, %dot_general3A_208 {dimension_numbers = #tpu.dot_dimension_numbers<[1], [0], [0], [1], [0, 0, 1, 1], [], []>, transpose_lhs_hint = false} : vector<512x512xbf16>, vector<512x64xbf16>, vector<512x64xf32> -> vector<512x64xf32>
      %add3A_210 = arith.addf %while3A_143, %dot_general3A_209 : vector<512x64xf32>
      %convert_element_type3A_211 = arith.truncf %exp3A_182 : vector<512x512xf32> to vector<512x512xbf16>
      %dot_general3A_212 = arith.constant dense<0.000000e+00> : vector<512x64xf32>
      %dot_general3A_213 = tpu.matmul %convert_element_type3A_211, %get3A_158, %dot_general3A_212 {dimension_numbers = #tpu.dot_dimension_numbers<[1], [0], [0], [1], [0, 0, 1, 1], [], []>, transpose_lhs_hint = false} : vector<512x512xbf16>, vector<512x64xbf16>, vector<512x64xf32> -> vector<512x64xf32>
      %add3A_214 = arith.addf %while3A_144, %dot_general3A_213 : vector<512x64xf32>
      scf.yield %add3A_186, %add3A_190, %add3A_194, %add3A_198, %add3A_202, %add3A_206, %add3A_210, %add3A_214 : vector<512x1xf32>, vector<512x1xf32>, vector<512x1xf32>, vector<512x1xf32>, vector<512x64xf32>, vector<512x64xf32>, vector<512x64xf32>, vector<512x64xf32>
    }
    %mul3A = arith.constant 512 : i32
    %mul3A_32 = arith.muli %arg1, %mul3A : i32
    %get3A_33 = arith.constant 0 : index
    %get3A_34 = arith.index_cast %mul3A_32 : i32 to index
    %get3A_35 = arith.constant 0 : index
    %get3A_36 = vector.load %arg3[%get3A_33, %get3A_34, %get3A_35] : memref<1x2048x64xbf16, #tpu.memory_space<vmem>>, vector<1x512x64xbf16>
    %get3A_37 = vector.shape_cast %get3A_36 : vector<1x512x64xbf16> to vector<512x64xbf16>
    %mul3A_38 = arith.constant 512 : i32
    %mul3A_39 = arith.muli %arg1, %mul3A_38 : i32
    %get3A_40 = arith.constant 0 : index
    %get3A_41 = arith.index_cast %mul3A_39 : i32 to index
    %get3A_42 = arith.constant 0 : index
    %get3A_43 = vector.load %arg4[%get3A_40, %get3A_41, %get3A_42] : memref<1x2048x64xbf16, #tpu.memory_space<vmem>>, vector<1x512x64xbf16>
    %get3A_44 = vector.shape_cast %get3A_43 : vector<1x512x64xbf16> to vector<512x64xbf16>
    %get3A_45 = arith.constant 0 : index
    %get3A_46 = arith.constant 0 : index
    %get3A_47 = vector.load %arg5[%get3A_45, %get3A_46] : memref<512x512xf32, #tpu.memory_space<vmem>>, vector<512x512xf32>
    %dot_general3A = arith.constant dense<0.000000e+00> : vector<512x512xf32>
    %dot_general3A_48 = tpu.matmul %get3A_3, %get3A_37, %dot_general3A {dimension_numbers = #tpu.dot_dimension_numbers<[1], [1], [0], [0], [0, 0, 1, 0], [], []>, transpose_lhs_hint = false} : vector<512x64xbf16>, vector<512x64xbf16>, vector<512x512xf32> -> vector<512x512xf32>
    %dot_general3A_49 = arith.constant dense<0.000000e+00> : vector<512x512xf32>
    %dot_general3A_50 = tpu.matmul %get3A_8, %get3A_37, %dot_general3A_49 {dimension_numbers = #tpu.dot_dimension_numbers<[1], [1], [0], [0], [0, 0, 1, 0], [], []>, transpose_lhs_hint = false} : vector<512x64xbf16>, vector<512x64xbf16>, vector<512x512xf32> -> vector<512x512xf32>
    %dot_general3A_51 = arith.constant dense<0.000000e+00> : vector<512x512xf32>
    %dot_general3A_52 = tpu.matmul %get3A_13, %get3A_37, %dot_general3A_51 {dimension_numbers = #tpu.dot_dimension_numbers<[1], [1], [0], [0], [0, 0, 1, 0], [], []>, transpose_lhs_hint = false} : vector<512x64xbf16>, vector<512x64xbf16>, vector<512x512xf32> -> vector<512x512xf32>
    %dot_general3A_53 = arith.constant dense<0.000000e+00> : vector<512x512xf32>
    %dot_general3A_54 = tpu.matmul %get3A_18, %get3A_37, %dot_general3A_53 {dimension_numbers = #tpu.dot_dimension_numbers<[1], [1], [0], [0], [0, 0, 1, 0], [], []>, transpose_lhs_hint = false} : vector<512x64xbf16>, vector<512x64xbf16>, vector<512x512xf32> -> vector<512x512xf32>
    %min3A = arith.constant 3.000000e+01 : f32
    %min3A_55 = vector.broadcast %min3A : f32 to vector<512x512xf32>
    %min3A_56 = arith.minimumf %dot_general3A_48, %min3A_55 : vector<512x512xf32>
    %exp3A = math.exp %min3A_56 : vector<512x512xf32>
    %min3A_57 = arith.constant 3.000000e+01 : f32
    %min3A_58 = vector.broadcast %min3A_57 : f32 to vector<512x512xf32>
    %min3A_59 = arith.minimumf %dot_general3A_50, %min3A_58 : vector<512x512xf32>
    %exp3A_60 = math.exp %min3A_59 : vector<512x512xf32>
    %min3A_61 = arith.constant 3.000000e+01 : f32
    %min3A_62 = vector.broadcast %min3A_61 : f32 to vector<512x512xf32>
    %min3A_63 = arith.minimumf %dot_general3A_52, %min3A_62 : vector<512x512xf32>
    %exp3A_64 = math.exp %min3A_63 : vector<512x512xf32>
    %min3A_65 = arith.constant 3.000000e+01 : f32
    %min3A_66 = vector.broadcast %min3A_65 : f32 to vector<512x512xf32>
    %min3A_67 = arith.minimumf %dot_general3A_54, %min3A_66 : vector<512x512xf32>
    %exp3A_68 = math.exp %min3A_67 : vector<512x512xf32>
    %mul3A_69 = arith.mulf %exp3A, %get3A_47 : vector<512x512xf32>
    %mul3A_70 = arith.mulf %exp3A_60, %get3A_47 : vector<512x512xf32>
    %mul3A_71 = arith.mulf %exp3A_64, %get3A_47 : vector<512x512xf32>
    %mul3A_72 = arith.mulf %exp3A_68, %get3A_47 : vector<512x512xf32>
    %reduce_sum3A = arith.constant dense<0.000000e+00> : vector<512xf32>
    %reduce_sum3A_73 = vector.multi_reduction <add>, %mul3A_69, %reduce_sum3A [1] : vector<512x512xf32> to vector<512xf32>
    %broadcast_in_dim3A_74 = vector.shape_cast %reduce_sum3A_73 : vector<512xf32> to vector<512x1xf32>
    %add3A = arith.addf %while3A_31#0, %broadcast_in_dim3A_74 : vector<512x1xf32>
    %reduce_sum3A_75 = arith.constant dense<0.000000e+00> : vector<512xf32>
    %reduce_sum3A_76 = vector.multi_reduction <add>, %mul3A_70, %reduce_sum3A_75 [1] : vector<512x512xf32> to vector<512xf32>
    %broadcast_in_dim3A_77 = vector.shape_cast %reduce_sum3A_76 : vector<512xf32> to vector<512x1xf32>
    %add3A_78 = arith.addf %while3A_31#1, %broadcast_in_dim3A_77 : vector<512x1xf32>
    %reduce_sum3A_79 = arith.constant dense<0.000000e+00> : vector<512xf32>
    %reduce_sum3A_80 = vector.multi_reduction <add>, %mul3A_71, %reduce_sum3A_79 [1] : vector<512x512xf32> to vector<512xf32>
    %broadcast_in_dim3A_81 = vector.shape_cast %reduce_sum3A_80 : vector<512xf32> to vector<512x1xf32>
    %add3A_82 = arith.addf %while3A_31#2, %broadcast_in_dim3A_81 : vector<512x1xf32>
    %reduce_sum3A_83 = arith.constant dense<0.000000e+00> : vector<512xf32>
    %reduce_sum3A_84 = vector.multi_reduction <add>, %mul3A_72, %reduce_sum3A_83 [1] : vector<512x512xf32> to vector<512xf32>
    %broadcast_in_dim3A_85 = vector.shape_cast %reduce_sum3A_84 : vector<512xf32> to vector<512x1xf32>
    %add3A_86 = arith.addf %while3A_31#3, %broadcast_in_dim3A_85 : vector<512x1xf32>
    %convert_element_type3A = arith.truncf %mul3A_69 : vector<512x512xf32> to vector<512x512xbf16>
    %dot_general3A_87 = arith.constant dense<0.000000e+00> : vector<512x64xf32>
    %dot_general3A_88 = tpu.matmul %convert_element_type3A, %get3A_44, %dot_general3A_87 {dimension_numbers = #tpu.dot_dimension_numbers<[1], [0], [0], [1], [0, 0, 1, 1], [], []>, transpose_lhs_hint = false} : vector<512x512xbf16>, vector<512x64xbf16>, vector<512x64xf32> -> vector<512x64xf32>
    %add3A_89 = arith.addf %while3A_31#4, %dot_general3A_88 : vector<512x64xf32>
    %convert_element_type3A_90 = arith.truncf %mul3A_70 : vector<512x512xf32> to vector<512x512xbf16>
    %dot_general3A_91 = arith.constant dense<0.000000e+00> : vector<512x64xf32>
    %dot_general3A_92 = tpu.matmul %convert_element_type3A_90, %get3A_44, %dot_general3A_91 {dimension_numbers = #tpu.dot_dimension_numbers<[1], [0], [0], [1], [0, 0, 1, 1], [], []>, transpose_lhs_hint = false} : vector<512x512xbf16>, vector<512x64xbf16>, vector<512x64xf32> -> vector<512x64xf32>
    %add3A_93 = arith.addf %while3A_31#5, %dot_general3A_92 : vector<512x64xf32>
    %convert_element_type3A_94 = arith.truncf %mul3A_71 : vector<512x512xf32> to vector<512x512xbf16>
    %dot_general3A_95 = arith.constant dense<0.000000e+00> : vector<512x64xf32>
    %dot_general3A_96 = tpu.matmul %convert_element_type3A_94, %get3A_44, %dot_general3A_95 {dimension_numbers = #tpu.dot_dimension_numbers<[1], [0], [0], [1], [0, 0, 1, 1], [], []>, transpose_lhs_hint = false} : vector<512x512xbf16>, vector<512x64xbf16>, vector<512x64xf32> -> vector<512x64xf32>
    %add3A_97 = arith.addf %while3A_31#6, %dot_general3A_96 : vector<512x64xf32>
    %convert_element_type3A_98 = arith.truncf %mul3A_72 : vector<512x512xf32> to vector<512x512xbf16>
    %dot_general3A_99 = arith.constant dense<0.000000e+00> : vector<512x64xf32>
    %dot_general3A_100 = tpu.matmul %convert_element_type3A_98, %get3A_44, %dot_general3A_99 {dimension_numbers = #tpu.dot_dimension_numbers<[1], [0], [0], [1], [0, 0, 1, 1], [], []>, transpose_lhs_hint = false} : vector<512x512xbf16>, vector<512x64xbf16>, vector<512x64xf32> -> vector<512x64xf32>
    %add3A_101 = arith.addf %while3A_31#7, %dot_general3A_100 : vector<512x64xf32>
    %div3A = vector.broadcast %add3A : vector<512x1xf32> to vector<512x64xf32>
    %div3A_102 = arith.divf %add3A_89, %div3A : vector<512x64xf32>
    %convert_element_type3A_103 = arith.truncf %div3A_102 : vector<512x64xf32> to vector<512x64xbf16>
    %swap3A = arith.constant 0 : index
    %swap3A_104 = arith.constant 0 : index
    %swap3A_105 = arith.constant 0 : index
    %swap3A_106 = vector.load %arg6[%swap3A, %swap3A_104, %swap3A_105] : memref<4x512x64xbf16, #tpu.memory_space<vmem>>, vector<1x512x64xbf16>
    %swap3A_107 = vector.shape_cast %swap3A_106 : vector<1x512x64xbf16> to vector<512x64xbf16>
    %swap3A_108 = vector.shape_cast %convert_element_type3A_103 : vector<512x64xbf16> to vector<1x512x64xbf16>
    tpu.vector_store %arg6[%swap3A, %swap3A_104, %swap3A_105], %swap3A_108 {strides = array<i32>} : memref<4x512x64xbf16, #tpu.memory_space<vmem>>, vector<1x512x64xbf16>,
    %div3A_109 = vector.broadcast %add3A_78 : vector<512x1xf32> to vector<512x64xf32>
    %div3A_110 = arith.divf %add3A_93, %div3A_109 : vector<512x64xf32>
    %convert_element_type3A_111 = arith.truncf %div3A_110 : vector<512x64xf32> to vector<512x64xbf16>
    %swap3A_112 = arith.constant 1 : index
    %swap3A_113 = arith.constant 0 : index
    %swap3A_114 = arith.constant 0 : index
    %swap3A_115 = vector.load %arg6[%swap3A_112, %swap3A_113, %swap3A_114] : memref<4x512x64xbf16, #tpu.memory_space<vmem>>, vector<1x512x64xbf16>
    %swap3A_116 = vector.shape_cast %swap3A_115 : vector<1x512x64xbf16> to vector<512x64xbf16>
    %swap3A_117 = vector.shape_cast %convert_element_type3A_111 : vector<512x64xbf16> to vector<1x512x64xbf16>
    tpu.vector_store %arg6[%swap3A_112, %swap3A_113, %swap3A_114], %swap3A_117 {strides = array<i32>} : memref<4x512x64xbf16, #tpu.memory_space<vmem>>, vector<1x512x64xbf16>,
    %div3A_118 = vector.broadcast %add3A_82 : vector<512x1xf32> to vector<512x64xf32>
    %div3A_119 = arith.divf %add3A_97, %div3A_118 : vector<512x64xf32>
    %convert_element_type3A_120 = arith.truncf %div3A_119 : vector<512x64xf32> to vector<512x64xbf16>
    %swap3A_121 = arith.constant 2 : index
    %swap3A_122 = arith.constant 0 : index
    %swap3A_123 = arith.constant 0 : index
    %swap3A_124 = vector.load %arg6[%swap3A_121, %swap3A_122, %swap3A_123] : memref<4x512x64xbf16, #tpu.memory_space<vmem>>, vector<1x512x64xbf16>
    %swap3A_125 = vector.shape_cast %swap3A_124 : vector<1x512x64xbf16> to vector<512x64xbf16>
    %swap3A_126 = vector.shape_cast %convert_element_type3A_120 : vector<512x64xbf16> to vector<1x512x64xbf16>
    tpu.vector_store %arg6[%swap3A_121, %swap3A_122, %swap3A_123], %swap3A_126 {strides = array<i32>} : memref<4x512x64xbf16, #tpu.memory_space<vmem>>, vector<1x512x64xbf16>,
    %div3A_127 = vector.broadcast %add3A_86 : vector<512x1xf32> to vector<512x64xf32>
    %div3A_128 = arith.divf %add3A_101, %div3A_127 : vector<512x64xf32>
    %convert_element_type3A_129 = arith.truncf %div3A_128 : vector<512x64xf32> to vector<512x64xbf16>
    %swap3A_130 = arith.constant 3 : index
    %swap3A_131 = arith.constant 0 : index
    %swap3A_132 = arith.constant 0 : index
    %swap3A_133 = vector.load %arg6[%swap3A_130, %swap3A_131, %swap3A_132] : memref<4x512x64xbf16, #tpu.memory_space<vmem>>, vector<1x512x64xbf16>
    %swap3A_134 = vector.shape_cast %swap3A_133 : vector<1x512x64xbf16> to vector<512x64xbf16>
    %swap3A_135 = vector.shape_cast %convert_element_type3A_129 : vector<512x64xbf16> to vector<1x512x64xbf16>
    tpu.vector_store %arg6[%swap3A_130, %swap3A_131, %swap3A_132], %swap3A_135 {strides = array<i32>} : memref<4x512x64xbf16, #tpu.memory_space<vmem>>, vector<1x512x64xbf16>,
    return
  }
  func.func @transform_0(%arg0: i32, %arg1: i32) -> (i32, i32, i32) {
    %c0_i32 = arith.constant 0 : i32
    %c0_i32_0 = arith.constant 0 : i32
    return %arg0, %arg1, %c0_i32 : i32, i32, i32
  }
  func.func @transform_1(%arg0: i32, %arg1: i32) -> (i32, i32, i32) {
    %c0_i32 = arith.constant 0 : i32
    %c0_i32_0 = arith.constant 0 : i32
    %c0_i32_1 = arith.constant 0 : i32
    return %arg0, %c0_i32, %c0_i32_0 : i32, i32, i32
  }
  func.func @transform_2(%arg0: i32, %arg1: i32) -> (i32, i32, i32) {
    %c0_i32 = arith.constant 0 : i32
    %c0_i32_0 = arith.constant 0 : i32
    %c0_i32_1 = arith.constant 0 : i32
    return %arg0, %c0_i32, %c0_i32_0 : i32, i32, i32
  }
  func.func @transform_3(%arg0: i32, %arg1: i32) -> (i32, i32) {
    %c0_i32 = arith.constant 0 : i32
    %c0_i32_0 = arith.constant 0 : i32
    %c0_i32_1 = arith.constant 0 : i32
    return %c0_i32, %c0_i32_0 : i32, i32
  }
  func.func @transform_4(%arg0: i32, %arg1: i32) -> (i32, i32, i32) {
    %c0_i32 = arith.constant 0 : i32
    %c0_i32_0 = arith.constant 0 : i32
    return %arg0, %arg1, %c0_i32 : i32, i32, i32
  }
}

module attributes {stable_mosaic.version = 14 : i64} {
  func.func @_k3_body(%arg0: i32, %arg1: memref<256x1024xbf16, #tpu.memory_space<vmem>>, %arg2: memref<256x1024xbf16, #tpu.memory_space<vmem>>, %arg3: memref<256x1024xf32, #tpu.memory_space<vmem>>, %arg4: memref<1024x1024xf32, #tpu.memory_space<vmem>>, %arg5: memref<1x1024xf32, #tpu.memory_space<vmem>>, %arg6: memref<8x1024xf32, #tpu.memory_space<vmem>>, %arg7: memref<8x1xf32, #tpu.memory_space<vmem>>, %arg8: memref<256x1024xf32, #tpu.memory_space<vmem>>, %arg9: memref<256x1024xf32, #tpu.memory_space<vmem>>, %arg10: memref<8x256xf32, #tpu.memory_space<vmem>>, %arg11: memref<8x256xf32, #tpu.memory_space<vmem>>, %arg12: memref<8x1xf32, #tpu.memory_space<vmem>>, %arg13: memref<8x1xf32, #tpu.memory_space<vmem>>) attributes {dimension_semantics = [#tpu.dimension_semantics<arbitrary>], iteration_bounds = array<i64: 8>, scalar_prefetch = 0 : i64, scratch_operands = 1 : i64, tpu.core_type = #tpu.core_type<tc>, window_params = [{transform_indices = @transform_0, window_bounds = array<i64: 256, 1024>}, {transform_indices = @transform_1, window_bounds = array<i64: 256, 1024>}, {transform_indices = @transform_2, window_bounds = array<i64: 256, 1024>}, {pipeline_mode = #tpu.pipeline_mode<synchronous>, transform_indices = @transform_3, window_bounds = array<i64: 1024, 1024>}, {pipeline_mode = #tpu.pipeline_mode<synchronous>, transform_indices = @transform_4, window_bounds = array<i64: 1, 1024>}, {pipeline_mode = #tpu.pipeline_mode<synchronous>, transform_indices = @transform_5, window_bounds = array<i64: 8, 1024>}, {pipeline_mode = #tpu.pipeline_mode<synchronous>, transform_indices = @transform_6, window_bounds = array<i64: 8, 1>}, {transform_indices = @transform_7, window_bounds = array<i64: 256, 1024>}, {transform_indices = @transform_8, window_bounds = array<i64: 256, 1024>}, {transform_indices = @transform_9, window_bounds = array<i64: 8, 256>}, {transform_indices = @transform_10, window_bounds = array<i64: 8, 256>}, {pipeline_mode = #tpu.pipeline_mode<synchronous>, transform_indices = @transform_11, window_bounds = array<i64: 8, 1>}]} {
    %eq3A = arith.constant 0 : i32
    %eq3A_0 = arith.cmpi eq, %arg0, %eq3A : i32
    %convert_element_type3A = arith.extui %eq3A_0 : i1 to i32
    %cond3A = arith.constant 0 : i32
    %cond3A_1 = arith.cmpi ne, %convert_element_type3A, %cond3A : i32
    scf.if %cond3A_1 {
      %broadcast_in_dim3A_325 = arith.constant 0.000000e+00 : f32
      %broadcast_in_dim3A_326 = vector.broadcast %broadcast_in_dim3A_325 : f32 to vector<8x1xf32>
      %swap3A_327 = arith.constant 0 : index
      %swap3A_328 = arith.constant 0 : index
      %swap3A_329 = vector.load %arg13[%swap3A_327, %swap3A_328] : memref<8x1xf32, #tpu.memory_space<vmem>>, vector<8x1xf32>
      tpu.vector_store %arg13[%swap3A_327, %swap3A_328], %broadcast_in_dim3A_326 {strides = array<i32>} : memref<8x1xf32, #tpu.memory_space<vmem>>, vector<8x1xf32>,
    } else {
    }
    %get3A = arith.constant 0 : index
    %get3A_2 = arith.constant 0 : index
    %get3A_3 = vector.load %arg1[%get3A, %get3A_2] : memref<256x1024xbf16, #tpu.memory_space<vmem>>, vector<256x1024xbf16>
    %get3A_4 = arith.constant 0 : index
    %get3A_5 = arith.constant 0 : index
    %get3A_6 = vector.load %arg2[%get3A_4, %get3A_5] : memref<256x1024xbf16, #tpu.memory_space<vmem>>, vector<256x1024xbf16>
    %logistic3A = arith.negf %get3A_6 : vector<256x1024xbf16>
    %logistic3A_7 = math.exp %logistic3A : vector<256x1024xbf16>
    %logistic3A_8 = arith.constant 1.000000e+00 : bf16
    %logistic3A_9 = vector.broadcast %logistic3A_8 : bf16 to vector<256x1024xbf16>
    %logistic3A_10 = arith.addf %logistic3A_9, %logistic3A_7 : vector<256x1024xbf16>
    %logistic3A_11 = arith.divf %logistic3A_9, %logistic3A_10 : vector<256x1024xbf16>
    %mul3A = arith.mulf %get3A_3, %logistic3A_11 : vector<256x1024xbf16>
    %get3A_12 = arith.constant 0 : index
    %get3A_13 = arith.constant 0 : index
    %get3A_14 = vector.load %arg4[%get3A_12, %get3A_13] : memref<1024x1024xf32, #tpu.memory_space<vmem>>, vector<1024x1024xf32>
    %convert_element_type3A_15 = arith.truncf %get3A_14 : vector<1024x1024xf32> to vector<1024x1024xbf16>
    %dot_general3A = arith.constant dense<0.000000e+00> : vector<256x1024xf32>
    %dot_general3A_16 = tpu.matmul %mul3A, %convert_element_type3A_15, %dot_general3A {dimension_numbers = #tpu.dot_dimension_numbers<[1], [1], [0], [0], [0, 0, 1, 0], [], []>, transpose_lhs_hint = false} : vector<256x1024xbf16>, vector<1024x1024xbf16>, vector<256x1024xf32> -> vector<256x1024xf32>
    %get3A_17 = arith.constant 0 : index
    %get3A_18 = arith.constant 0 : index
    %get3A_19 = vector.load %arg3[%get3A_17, %get3A_18] : memref<256x1024xf32, #tpu.memory_space<vmem>>, vector<256x1024xf32>
    %add3A = arith.addf %dot_general3A_16, %get3A_19 : vector<256x1024xf32>
    %swap3A = arith.constant 0 : index
    %swap3A_20 = arith.constant 0 : index
    %swap3A_21 = vector.load %arg8[%swap3A, %swap3A_20] : memref<256x1024xf32, #tpu.memory_space<vmem>>, vector<256x1024xf32>
    tpu.vector_store %arg8[%swap3A, %swap3A_20], %add3A {strides = array<i32>} : memref<256x1024xf32, #tpu.memory_space<vmem>>, vector<256x1024xf32>,
    %get3A_22 = arith.constant 0 : index
    %get3A_23 = arith.constant 0 : index
    %get3A_24 = vector.load %arg5[%get3A_22, %get3A_23] : memref<1x1024xf32, #tpu.memory_space<vmem>>, vector<1x1024xf32>
    %mul3A_25 = arith.mulf %add3A, %add3A : vector<256x1024xf32>
    %reduce_sum3A = arith.constant dense<0.000000e+00> : vector<256xf32>
    %reduce_sum3A_26 = vector.multi_reduction <add>, %mul3A_25, %reduce_sum3A [1] : vector<256x1024xf32> to vector<256xf32>
    %broadcast_in_dim3A = vector.shape_cast %reduce_sum3A_26 : vector<256xf32> to vector<256x1xf32>
    %div3A = arith.constant 1.024000e+03 : f32
    %div3A_27 = vector.broadcast %div3A : f32 to vector<256x1xf32>
    %div3A_28 = arith.divf %broadcast_in_dim3A, %div3A_27 : vector<256x1xf32>
    %add3A_29 = arith.constant 9.99999974E-6 : f32
    %add3A_30 = vector.broadcast %add3A_29 : f32 to vector<256x1xf32>
    %add3A_31 = arith.addf %div3A_28, %add3A_30 : vector<256x1xf32>
    %rsqrt3A = math.rsqrt %add3A_31 : vector<256x1xf32>
    %mul3A_32 = vector.broadcast %rsqrt3A : vector<256x1xf32> to vector<256x1024xf32>
    %mul3A_33 = arith.mulf %add3A, %mul3A_32 : vector<256x1024xf32>
    %mul3A_34 = vector.broadcast %get3A_24 : vector<1x1024xf32> to vector<256x1024xf32>
    %mul3A_35 = arith.mulf %mul3A_33, %mul3A_34 : vector<256x1024xf32>
    %swap3A_36 = arith.constant 0 : index
    %swap3A_37 = arith.constant 0 : index
    %swap3A_38 = vector.load %arg9[%swap3A_36, %swap3A_37] : memref<256x1024xf32, #tpu.memory_space<vmem>>, vector<256x1024xf32>
    tpu.vector_store %arg9[%swap3A_36, %swap3A_37], %mul3A_35 {strides = array<i32>} : memref<256x1024xf32, #tpu.memory_space<vmem>>, vector<256x1024xf32>,
    %get3A_39 = arith.constant 0 : index
    %get3A_40 = arith.constant 0 : index
    %get3A_41 = vector.load %arg6[%get3A_39, %get3A_40] : memref<8x1024xf32, #tpu.memory_space<vmem>>, vector<8x1024xf32>
    %dot_general3A_42 = arith.constant dense<0.000000e+00> : vector<8x256xf32>
    %dot_general3A_43 = tpu.matmul %get3A_41, %mul3A_35, %dot_general3A_42 {dimension_numbers = #tpu.dot_dimension_numbers<[1], [1], [0], [0], [0, 0, 1, 0], [], []>, precision = #tpu.contract_precision<fp32>, transpose_lhs_hint = false} : vector<8x1024xf32>, vector<256x1024xf32>, vector<8x256xf32> -> vector<8x256xf32>
    %logistic3A_44 = arith.negf %dot_general3A_43 : vector<8x256xf32>
    %logistic3A_45 = math.exp %logistic3A_44 : vector<8x256xf32>
    %logistic3A_46 = arith.constant 1.000000e+00 : f32
    %logistic3A_47 = vector.broadcast %logistic3A_46 : f32 to vector<8x256xf32>
    %logistic3A_48 = arith.addf %logistic3A_47, %logistic3A_45 : vector<8x256xf32>
    %logistic3A_49 = arith.divf %logistic3A_47, %logistic3A_48 : vector<8x256xf32>
    %get3A_50 = arith.constant 0 : index
    %get3A_51 = arith.constant 0 : index
    %get3A_52 = vector.load %arg7[%get3A_50, %get3A_51] : memref<8x1xf32, #tpu.memory_space<vmem>>, vector<8x1xf32>
    %add3A_53 = vector.broadcast %get3A_52 : vector<8x1xf32> to vector<8x256xf32>
    %add3A_54 = arith.addf %logistic3A_49, %add3A_53 : vector<8x256xf32>
    %iota3A = tpu.iota {dimensions = array<i32: 0>} : vector<4x8xi32>
    %iota3A_55 = tpu.iota {dimensions = array<i32: 1>} : vector<4x8xi32>
    %jit3A = arith.constant 2 : i32
    %div3A_56 = vector.broadcast %jit3A : i32 to vector<4x8xi32>
    %div3A_57 = arith.divsi %iota3A_55, %div3A_56 : vector<4x8xi32>
    %sign3A = arith.constant 0 : i32
    %sign3A_58 = vector.broadcast %sign3A : i32 to vector<4x8xi32>
    %sign3A_59 = arith.cmpi sgt, %iota3A_55, %sign3A_58 : vector<4x8xi32>
    %sign3A_60 = arith.extui %sign3A_59 : vector<4x8xi1> to vector<4x8xi32>
    %sign3A_61 = arith.constant 0 : i32
    %sign3A_62 = vector.broadcast %sign3A_61 : i32 to vector<4x8xi32>
    %sign3A_63 = arith.cmpi slt, %iota3A_55, %sign3A_62 : vector<4x8xi32>
    %sign3A_64 = arith.extui %sign3A_63 : vector<4x8xi1> to vector<4x8xi32>
    %sign3A_65 = arith.subi %sign3A_60, %sign3A_64 : vector<4x8xi32>
    %sign3A_66 = arith.constant 0 : i32
    %sign3A_67 = arith.cmpi sgt, %jit3A, %sign3A_66 : i32
    %sign3A_68 = arith.extui %sign3A_67 : i1 to i32
    %sign3A_69 = arith.constant 0 : i32
    %sign3A_70 = arith.cmpi slt, %jit3A, %sign3A_69 : i32
    %sign3A_71 = arith.extui %sign3A_70 : i1 to i32
    %sign3A_72 = arith.subi %sign3A_68, %sign3A_71 : i32
    %ne3A = vector.broadcast %sign3A_72 : i32 to vector<4x8xi32>
    %ne3A_73 = arith.cmpi ne, %sign3A_65, %ne3A : vector<4x8xi32>
    %rem3A = vector.broadcast %jit3A : i32 to vector<4x8xi32>
    %rem3A_74 = arith.remsi %iota3A_55, %rem3A : vector<4x8xi32>
    %ne3A_75 = arith.constant 0 : i32
    %ne3A_76 = vector.broadcast %ne3A_75 : i32 to vector<4x8xi32>
    %ne3A_77 = arith.cmpi ne, %rem3A_74, %ne3A_76 : vector<4x8xi32>
    %and3A = arith.andi %ne3A_73, %ne3A_77 : vector<4x8xi1>
    %sub3A = arith.constant 1 : i32
    %sub3A_78 = vector.broadcast %sub3A : i32 to vector<4x8xi32>
    %sub3A_79 = arith.subi %div3A_57, %sub3A_78 : vector<4x8xi32>
    %select_n3A = arith.select %and3A, %sub3A_79, %div3A_57 : vector<4x8xi1>, vector<4x8xi32>
    %eq3A_80 = arith.cmpi eq, %select_n3A, %iota3A : vector<4x8xi32>
    %convert_element_type3A_81 = arith.extui %eq3A_80 : vector<4x8xi1> to vector<4x8xi32>
    %convert_element_type3A_82 = arith.sitofp %convert_element_type3A_81 : vector<4x8xi32> to vector<4x8xf32>
    %dot_general3A_83 = arith.constant dense<0.000000e+00> : vector<4x256xf32>
    %dot_general3A_84 = tpu.matmul %convert_element_type3A_82, %add3A_54, %dot_general3A_83 {dimension_numbers = #tpu.dot_dimension_numbers<[1], [0], [0], [1], [0, 0, 1, 1], [], []>, precision = #tpu.contract_precision<fp32>, transpose_lhs_hint = false} : vector<4x8xf32>, vector<8x256xf32>, vector<4x256xf32> -> vector<4x256xf32>
    %broadcast_in_dim3A_85 = arith.constant 0.000000e+00 : f32
    %broadcast_in_dim3A_86 = vector.broadcast %broadcast_in_dim3A_85 : f32 to vector<4x256xf32>
    %iota3A_87 = tpu.iota {dimensions = array<i32: 0>} : vector<4x256xi32>
    %slice3A = vector.extract_strided_slice %dot_general3A_84 {offsets = [1, 0], sizes = [3, 256], strides = [1, 1]} : vector<4x256xf32> to vector<3x256xf32>
    %slice3A_88 = vector.extract_strided_slice %dot_general3A_84 {offsets = [0, 0], sizes = [1, 256], strides = [1, 1]} : vector<4x256xf32> to vector<1x256xf32>
    %concatenate3A = tpu.concatenate %slice3A, %slice3A_88 in 0 : vector<3x256xf32>, vector<1x256xf32> -> vector<4x256xf32>
    %gt3A = arith.cmpf ogt, %concatenate3A, %dot_general3A_84 : vector<4x256xf32>
    %eq3A_89 = arith.cmpf oeq, %concatenate3A, %dot_general3A_84 : vector<4x256xf32>
    %ge3A = arith.constant 3 : i32
    %ge3A_90 = vector.broadcast %ge3A : i32 to vector<4x256xi32>
    %ge3A_91 = arith.cmpi sge, %iota3A_87, %ge3A_90 : vector<4x256xi32>
    %and3A_92 = arith.andi %eq3A_89, %ge3A_91 : vector<4x256xi1>
    %or3A = arith.ori %gt3A, %and3A_92 : vector<4x256xi1>
    %convert_element_type3A_93 = arith.extui %or3A : vector<4x256xi1> to vector<4x256xi32>
    %convert_element_type3A_94 = arith.sitofp %convert_element_type3A_93 : vector<4x256xi32> to vector<4x256xf32>
    %add3A_95 = arith.addf %broadcast_in_dim3A_86, %convert_element_type3A_94 : vector<4x256xf32>
    %slice3A_96 = vector.extract_strided_slice %dot_general3A_84 {offsets = [2, 0], sizes = [2, 256], strides = [1, 1]} : vector<4x256xf32> to vector<2x256xf32>
    %slice3A_97 = vector.extract_strided_slice %dot_general3A_84 {offsets = [0, 0], sizes = [2, 256], strides = [1, 1]} : vector<4x256xf32> to vector<2x256xf32>
    %concatenate3A_98 = tpu.concatenate %slice3A_96, %slice3A_97 in 0 : vector<2x256xf32>, vector<2x256xf32> -> vector<4x256xf32>
    %gt3A_99 = arith.cmpf ogt, %concatenate3A_98, %dot_general3A_84 : vector<4x256xf32>
    %eq3A_100 = arith.cmpf oeq, %concatenate3A_98, %dot_general3A_84 : vector<4x256xf32>
    %ge3A_101 = arith.constant 2 : i32
    %ge3A_102 = vector.broadcast %ge3A_101 : i32 to vector<4x256xi32>
    %ge3A_103 = arith.cmpi sge, %iota3A_87, %ge3A_102 : vector<4x256xi32>
    %and3A_104 = arith.andi %eq3A_100, %ge3A_103 : vector<4x256xi1>
    %or3A_105 = arith.ori %gt3A_99, %and3A_104 : vector<4x256xi1>
    %convert_element_type3A_106 = arith.extui %or3A_105 : vector<4x256xi1> to vector<4x256xi32>
    %convert_element_type3A_107 = arith.sitofp %convert_element_type3A_106 : vector<4x256xi32> to vector<4x256xf32>
    %add3A_108 = arith.addf %add3A_95, %convert_element_type3A_107 : vector<4x256xf32>
    %slice3A_109 = vector.extract_strided_slice %dot_general3A_84 {offsets = [3, 0], sizes = [1, 256], strides = [1, 1]} : vector<4x256xf32> to vector<1x256xf32>
    %slice3A_110 = vector.extract_strided_slice %dot_general3A_84 {offsets = [0, 0], sizes = [3, 256], strides = [1, 1]} : vector<4x256xf32> to vector<3x256xf32>
    %concatenate3A_111 = tpu.concatenate %slice3A_109, %slice3A_110 in 0 : vector<1x256xf32>, vector<3x256xf32> -> vector<4x256xf32>
    %gt3A_112 = arith.cmpf ogt, %concatenate3A_111, %dot_general3A_84 : vector<4x256xf32>
    %eq3A_113 = arith.cmpf oeq, %concatenate3A_111, %dot_general3A_84 : vector<4x256xf32>
    %ge3A_114 = arith.constant 1 : i32
    %ge3A_115 = vector.broadcast %ge3A_114 : i32 to vector<4x256xi32>
    %ge3A_116 = arith.cmpi sge, %iota3A_87, %ge3A_115 : vector<4x256xi32>
    %and3A_117 = arith.andi %eq3A_113, %ge3A_116 : vector<4x256xi1>
    %or3A_118 = arith.ori %gt3A_112, %and3A_117 : vector<4x256xi1>
    %convert_element_type3A_119 = arith.extui %or3A_118 : vector<4x256xi1> to vector<4x256xi32>
    %convert_element_type3A_120 = arith.sitofp %convert_element_type3A_119 : vector<4x256xi32> to vector<4x256xf32>
    %add3A_121 = arith.addf %add3A_108, %convert_element_type3A_120 : vector<4x256xf32>
    %lt3A = arith.constant 2.000000e+00 : f32
    %lt3A_122 = vector.broadcast %lt3A : f32 to vector<4x256xf32>
    %lt3A_123 = arith.cmpf olt, %add3A_121, %lt3A_122 : vector<4x256xf32>
    %convert_element_type3A_124 = arith.extui %lt3A_123 : vector<4x256xi1> to vector<4x256xi32>
    %convert_element_type3A_125 = arith.sitofp %convert_element_type3A_124 : vector<4x256xi32> to vector<4x256xf32>
    %iota3A_126 = tpu.iota {dimensions = array<i32: 0>} : vector<8x4xi32>
    %iota3A_127 = tpu.iota {dimensions = array<i32: 1>} : vector<8x4xi32>
    %jit3A_128 = arith.constant 2 : i32
    %div3A_129 = vector.broadcast %jit3A_128 : i32 to vector<8x4xi32>
    %div3A_130 = arith.divsi %iota3A_126, %div3A_129 : vector<8x4xi32>
    %sign3A_131 = arith.constant 0 : i32
    %sign3A_132 = vector.broadcast %sign3A_131 : i32 to vector<8x4xi32>
    %sign3A_133 = arith.cmpi sgt, %iota3A_126, %sign3A_132 : vector<8x4xi32>
    %sign3A_134 = arith.extui %sign3A_133 : vector<8x4xi1> to vector<8x4xi32>
    %sign3A_135 = arith.constant 0 : i32
    %sign3A_136 = vector.broadcast %sign3A_135 : i32 to vector<8x4xi32>
    %sign3A_137 = arith.cmpi slt, %iota3A_126, %sign3A_136 : vector<8x4xi32>
    %sign3A_138 = arith.extui %sign3A_137 : vector<8x4xi1> to vector<8x4xi32>
    %sign3A_139 = arith.subi %sign3A_134, %sign3A_138 : vector<8x4xi32>
    %sign3A_140 = arith.constant 0 : i32
    %sign3A_141 = arith.cmpi sgt, %jit3A_128, %sign3A_140 : i32
    %sign3A_142 = arith.extui %sign3A_141 : i1 to i32
    %sign3A_143 = arith.constant 0 : i32
    %sign3A_144 = arith.cmpi slt, %jit3A_128, %sign3A_143 : i32
    %sign3A_145 = arith.extui %sign3A_144 : i1 to i32
    %sign3A_146 = arith.subi %sign3A_142, %sign3A_145 : i32
    %ne3A_147 = vector.broadcast %sign3A_146 : i32 to vector<8x4xi32>
    %ne3A_148 = arith.cmpi ne, %sign3A_139, %ne3A_147 : vector<8x4xi32>
    %rem3A_149 = vector.broadcast %jit3A_128 : i32 to vector<8x4xi32>
    %rem3A_150 = arith.remsi %iota3A_126, %rem3A_149 : vector<8x4xi32>
    %ne3A_151 = arith.constant 0 : i32
    %ne3A_152 = vector.broadcast %ne3A_151 : i32 to vector<8x4xi32>
    %ne3A_153 = arith.cmpi ne, %rem3A_150, %ne3A_152 : vector<8x4xi32>
    %and3A_154 = arith.andi %ne3A_148, %ne3A_153 : vector<8x4xi1>
    %sub3A_155 = arith.constant 1 : i32
    %sub3A_156 = vector.broadcast %sub3A_155 : i32 to vector<8x4xi32>
    %sub3A_157 = arith.subi %div3A_130, %sub3A_156 : vector<8x4xi32>
    %select_n3A_158 = arith.select %and3A_154, %sub3A_157, %div3A_130 : vector<8x4xi1>, vector<8x4xi32>
    %eq3A_159 = arith.cmpi eq, %iota3A_127, %select_n3A_158 : vector<8x4xi32>
    %convert_element_type3A_160 = arith.extui %eq3A_159 : vector<8x4xi1> to vector<8x4xi32>
    %convert_element_type3A_161 = arith.sitofp %convert_element_type3A_160 : vector<8x4xi32> to vector<8x4xf32>
    %dot_general3A_162 = arith.constant dense<0.000000e+00> : vector<8x256xf32>
    %dot_general3A_163 = tpu.matmul %convert_element_type3A_161, %convert_element_type3A_125, %dot_general3A_162 {dimension_numbers = #tpu.dot_dimension_numbers<[1], [0], [0], [1], [0, 0, 1, 1], [], []>, precision = #tpu.contract_precision<fp32>, transpose_lhs_hint = false} : vector<8x4xf32>, vector<4x256xf32>, vector<8x256xf32> -> vector<8x256xf32>
    %gt3A_164 = arith.constant 5.000000e-01 : f32
    %gt3A_165 = vector.broadcast %gt3A_164 : f32 to vector<8x256xf32>
    %gt3A_166 = arith.cmpf ogt, %dot_general3A_163, %gt3A_165 : vector<8x256xf32>
    %jit3A_167 = arith.constant -1.000000e+30 : f32
    %broadcast_in_dim3A_168 = vector.broadcast %jit3A_167 : f32 to vector<8x256xf32>
    %select_n3A_169 = arith.select %gt3A_166, %add3A_54, %broadcast_in_dim3A_168 : vector<8x256xi1>, vector<8x256xf32>
    %broadcast_in_dim3A_170 = arith.constant 0.000000e+00 : f32
    %broadcast_in_dim3A_171 = vector.broadcast %broadcast_in_dim3A_170 : f32 to vector<8x256xf32>
    %iota3A_172 = tpu.iota {dimensions = array<i32: 0>} : vector<8x256xi32>
    %slice3A_173 = vector.extract_strided_slice %select_n3A_169 {offsets = [1, 0], sizes = [7, 256], strides = [1, 1]} : vector<8x256xf32> to vector<7x256xf32>
    %slice3A_174 = vector.extract_strided_slice %select_n3A_169 {offsets = [0, 0], sizes = [1, 256], strides = [1, 1]} : vector<8x256xf32> to vector<1x256xf32>
    %concatenate3A_175 = tpu.concatenate %slice3A_173, %slice3A_174 in 0 : vector<7x256xf32>, vector<1x256xf32> -> vector<8x256xf32>
    %gt3A_176 = arith.cmpf ogt, %concatenate3A_175, %select_n3A_169 : vector<8x256xf32>
    %eq3A_177 = arith.cmpf oeq, %concatenate3A_175, %select_n3A_169 : vector<8x256xf32>
    %ge3A_178 = arith.constant 7 : i32
    %ge3A_179 = vector.broadcast %ge3A_178 : i32 to vector<8x256xi32>
    %ge3A_180 = arith.cmpi sge, %iota3A_172, %ge3A_179 : vector<8x256xi32>
    %and3A_181 = arith.andi %eq3A_177, %ge3A_180 : vector<8x256xi1>
    %or3A_182 = arith.ori %gt3A_176, %and3A_181 : vector<8x256xi1>
    %convert_element_type3A_183 = arith.extui %or3A_182 : vector<8x256xi1> to vector<8x256xi32>
    %convert_element_type3A_184 = arith.sitofp %convert_element_type3A_183 : vector<8x256xi32> to vector<8x256xf32>
    %add3A_185 = arith.addf %broadcast_in_dim3A_171, %convert_element_type3A_184 : vector<8x256xf32>
    %slice3A_186 = vector.extract_strided_slice %select_n3A_169 {offsets = [2, 0], sizes = [6, 256], strides = [1, 1]} : vector<8x256xf32> to vector<6x256xf32>
    %slice3A_187 = vector.extract_strided_slice %select_n3A_169 {offsets = [0, 0], sizes = [2, 256], strides = [1, 1]} : vector<8x256xf32> to vector<2x256xf32>
    %concatenate3A_188 = tpu.concatenate %slice3A_186, %slice3A_187 in 0 : vector<6x256xf32>, vector<2x256xf32> -> vector<8x256xf32>
    %gt3A_189 = arith.cmpf ogt, %concatenate3A_188, %select_n3A_169 : vector<8x256xf32>
    %eq3A_190 = arith.cmpf oeq, %concatenate3A_188, %select_n3A_169 : vector<8x256xf32>
    %ge3A_191 = arith.constant 6 : i32
    %ge3A_192 = vector.broadcast %ge3A_191 : i32 to vector<8x256xi32>
    %ge3A_193 = arith.cmpi sge, %iota3A_172, %ge3A_192 : vector<8x256xi32>
    %and3A_194 = arith.andi %eq3A_190, %ge3A_193 : vector<8x256xi1>
    %or3A_195 = arith.ori %gt3A_189, %and3A_194 : vector<8x256xi1>
    %convert_element_type3A_196 = arith.extui %or3A_195 : vector<8x256xi1> to vector<8x256xi32>
    %convert_element_type3A_197 = arith.sitofp %convert_element_type3A_196 : vector<8x256xi32> to vector<8x256xf32>
    %add3A_198 = arith.addf %add3A_185, %convert_element_type3A_197 : vector<8x256xf32>
    %slice3A_199 = vector.extract_strided_slice %select_n3A_169 {offsets = [3, 0], sizes = [5, 256], strides = [1, 1]} : vector<8x256xf32> to vector<5x256xf32>
    %slice3A_200 = vector.extract_strided_slice %select_n3A_169 {offsets = [0, 0], sizes = [3, 256], strides = [1, 1]} : vector<8x256xf32> to vector<3x256xf32>
    %concatenate3A_201 = tpu.concatenate %slice3A_199, %slice3A_200 in 0 : vector<5x256xf32>, vector<3x256xf32> -> vector<8x256xf32>
    %gt3A_202 = arith.cmpf ogt, %concatenate3A_201, %select_n3A_169 : vector<8x256xf32>
    %eq3A_203 = arith.cmpf oeq, %concatenate3A_201, %select_n3A_169 : vector<8x256xf32>
    %ge3A_204 = arith.constant 5 : i32
    %ge3A_205 = vector.broadcast %ge3A_204 : i32 to vector<8x256xi32>
    %ge3A_206 = arith.cmpi sge, %iota3A_172, %ge3A_205 : vector<8x256xi32>
    %and3A_207 = arith.andi %eq3A_203, %ge3A_206 : vector<8x256xi1>
    %or3A_208 = arith.ori %gt3A_202, %and3A_207 : vector<8x256xi1>
    %convert_element_type3A_209 = arith.extui %or3A_208 : vector<8x256xi1> to vector<8x256xi32>
    %convert_element_type3A_210 = arith.sitofp %convert_element_type3A_209 : vector<8x256xi32> to vector<8x256xf32>
    %add3A_211 = arith.addf %add3A_198, %convert_element_type3A_210 : vector<8x256xf32>
    %slice3A_212 = vector.extract_strided_slice %select_n3A_169 {offsets = [4, 0], sizes = [4, 256], strides = [1, 1]} : vector<8x256xf32> to vector<4x256xf32>
    %slice3A_213 = vector.extract_strided_slice %select_n3A_169 {offsets = [0, 0], sizes = [4, 256], strides = [1, 1]} : vector<8x256xf32> to vector<4x256xf32>
    %concatenate3A_214 = tpu.concatenate %slice3A_212, %slice3A_213 in 0 : vector<4x256xf32>, vector<4x256xf32> -> vector<8x256xf32>
    %gt3A_215 = arith.cmpf ogt, %concatenate3A_214, %select_n3A_169 : vector<8x256xf32>
    %eq3A_216 = arith.cmpf oeq, %concatenate3A_214, %select_n3A_169 : vector<8x256xf32>
    %ge3A_217 = arith.constant 4 : i32
    %ge3A_218 = vector.broadcast %ge3A_217 : i32 to vector<8x256xi32>
    %ge3A_219 = arith.cmpi sge, %iota3A_172, %ge3A_218 : vector<8x256xi32>
    %and3A_220 = arith.andi %eq3A_216, %ge3A_219 : vector<8x256xi1>
    %or3A_221 = arith.ori %gt3A_215, %and3A_220 : vector<8x256xi1>
    %convert_element_type3A_222 = arith.extui %or3A_221 : vector<8x256xi1> to vector<8x256xi32>
    %convert_element_type3A_223 = arith.sitofp %convert_element_type3A_222 : vector<8x256xi32> to vector<8x256xf32>
    %add3A_224 = arith.addf %add3A_211, %convert_element_type3A_223 : vector<8x256xf32>
    %slice3A_225 = vector.extract_strided_slice %select_n3A_169 {offsets = [5, 0], sizes = [3, 256], strides = [1, 1]} : vector<8x256xf32> to vector<3x256xf32>
    %slice3A_226 = vector.extract_strided_slice %select_n3A_169 {offsets = [0, 0], sizes = [5, 256], strides = [1, 1]} : vector<8x256xf32> to vector<5x256xf32>
    %concatenate3A_227 = tpu.concatenate %slice3A_225, %slice3A_226 in 0 : vector<3x256xf32>, vector<5x256xf32> -> vector<8x256xf32>
    %gt3A_228 = arith.cmpf ogt, %concatenate3A_227, %select_n3A_169 : vector<8x256xf32>
    %eq3A_229 = arith.cmpf oeq, %concatenate3A_227, %select_n3A_169 : vector<8x256xf32>
    %ge3A_230 = arith.constant 3 : i32
    %ge3A_231 = vector.broadcast %ge3A_230 : i32 to vector<8x256xi32>
    %ge3A_232 = arith.cmpi sge, %iota3A_172, %ge3A_231 : vector<8x256xi32>
    %and3A_233 = arith.andi %eq3A_229, %ge3A_232 : vector<8x256xi1>
    %or3A_234 = arith.ori %gt3A_228, %and3A_233 : vector<8x256xi1>
    %convert_element_type3A_235 = arith.extui %or3A_234 : vector<8x256xi1> to vector<8x256xi32>
    %convert_element_type3A_236 = arith.sitofp %convert_element_type3A_235 : vector<8x256xi32> to vector<8x256xf32>
    %add3A_237 = arith.addf %add3A_224, %convert_element_type3A_236 : vector<8x256xf32>
    %slice3A_238 = vector.extract_strided_slice %select_n3A_169 {offsets = [6, 0], sizes = [2, 256], strides = [1, 1]} : vector<8x256xf32> to vector<2x256xf32>
    %slice3A_239 = vector.extract_strided_slice %select_n3A_169 {offsets = [0, 0], sizes = [6, 256], strides = [1, 1]} : vector<8x256xf32> to vector<6x256xf32>
    %concatenate3A_240 = tpu.concatenate %slice3A_238, %slice3A_239 in 0 : vector<2x256xf32>, vector<6x256xf32> -> vector<8x256xf32>
    %gt3A_241 = arith.cmpf ogt, %concatenate3A_240, %select_n3A_169 : vector<8x256xf32>
    %eq3A_242 = arith.cmpf oeq, %concatenate3A_240, %select_n3A_169 : vector<8x256xf32>
    %ge3A_243 = arith.constant 2 : i32
    %ge3A_244 = vector.broadcast %ge3A_243 : i32 to vector<8x256xi32>
    %ge3A_245 = arith.cmpi sge, %iota3A_172, %ge3A_244 : vector<8x256xi32>
    %and3A_246 = arith.andi %eq3A_242, %ge3A_245 : vector<8x256xi1>
    %or3A_247 = arith.ori %gt3A_241, %and3A_246 : vector<8x256xi1>
    %convert_element_type3A_248 = arith.extui %or3A_247 : vector<8x256xi1> to vector<8x256xi32>
    %convert_element_type3A_249 = arith.sitofp %convert_element_type3A_248 : vector<8x256xi32> to vector<8x256xf32>
    %add3A_250 = arith.addf %add3A_237, %convert_element_type3A_249 : vector<8x256xf32>
    %slice3A_251 = vector.extract_strided_slice %select_n3A_169 {offsets = [7, 0], sizes = [1, 256], strides = [1, 1]} : vector<8x256xf32> to vector<1x256xf32>
    %slice3A_252 = vector.extract_strided_slice %select_n3A_169 {offsets = [0, 0], sizes = [7, 256], strides = [1, 1]} : vector<8x256xf32> to vector<7x256xf32>
    %concatenate3A_253 = tpu.concatenate %slice3A_251, %slice3A_252 in 0 : vector<1x256xf32>, vector<7x256xf32> -> vector<8x256xf32>
    %gt3A_254 = arith.cmpf ogt, %concatenate3A_253, %select_n3A_169 : vector<8x256xf32>
    %eq3A_255 = arith.cmpf oeq, %concatenate3A_253, %select_n3A_169 : vector<8x256xf32>
    %ge3A_256 = arith.constant 1 : i32
    %ge3A_257 = vector.broadcast %ge3A_256 : i32 to vector<8x256xi32>
    %ge3A_258 = arith.cmpi sge, %iota3A_172, %ge3A_257 : vector<8x256xi32>
    %and3A_259 = arith.andi %eq3A_255, %ge3A_258 : vector<8x256xi1>
    %or3A_260 = arith.ori %gt3A_254, %and3A_259 : vector<8x256xi1>
    %convert_element_type3A_261 = arith.extui %or3A_260 : vector<8x256xi1> to vector<8x256xi32>
    %convert_element_type3A_262 = arith.sitofp %convert_element_type3A_261 : vector<8x256xi32> to vector<8x256xf32>
    %add3A_263 = arith.addf %add3A_250, %convert_element_type3A_262 : vector<8x256xf32>
    %lt3A_264 = arith.constant 2.000000e+00 : f32
    %lt3A_265 = vector.broadcast %lt3A_264 : f32 to vector<8x256xf32>
    %lt3A_266 = arith.cmpf olt, %add3A_263, %lt3A_265 : vector<8x256xf32>
    %convert_element_type3A_267 = arith.extui %lt3A_266 : vector<8x256xi1> to vector<8x256xi32>
    %convert_element_type3A_268 = arith.sitofp %convert_element_type3A_267 : vector<8x256xi32> to vector<8x256xf32>
    %mul3A_269 = arith.mulf %logistic3A_49, %convert_element_type3A_268 : vector<8x256xf32>
    %reduce_sum3A_270 = arith.constant dense<0.000000e+00> : vector<256xf32>
    %reduce_sum3A_271 = vector.multi_reduction <add>, %mul3A_269, %reduce_sum3A_270 [0] : vector<8x256xf32> to vector<256xf32>
    %broadcast_in_dim3A_272 = vector.shape_cast %reduce_sum3A_271 : vector<256xf32> to vector<1x256xf32>
    %add3A_273 = arith.constant 9.99999968E-21 : f32
    %add3A_274 = vector.broadcast %add3A_273 : f32 to vector<1x256xf32>
    %add3A_275 = arith.addf %broadcast_in_dim3A_272, %add3A_274 : vector<1x256xf32>
    %div3A_276 = vector.broadcast %add3A_275 : vector<1x256xf32> to vector<8x256xf32>
    %div3A_277 = arith.divf %mul3A_269, %div3A_276 : vector<8x256xf32>
    %swap3A_278 = arith.constant 0 : index
    %swap3A_279 = arith.constant 0 : index
    %swap3A_280 = vector.load %arg10[%swap3A_278, %swap3A_279] : memref<8x256xf32, #tpu.memory_space<vmem>>, vector<8x256xf32>
    tpu.vector_store %arg10[%swap3A_278, %swap3A_279], %div3A_277 {strides = array<i32>} : memref<8x256xf32, #tpu.memory_space<vmem>>, vector<8x256xf32>,
    %iota3A_281 = tpu.iota {dimensions = array<i32: 0>} : vector<256x256xi32>
    %iota3A_282 = tpu.iota {dimensions = array<i32: 1>} : vector<256x256xi32>
    %lt3A_283 = arith.cmpi slt, %iota3A_281, %iota3A_282 : vector<256x256xi32>
    %convert_element_type3A_284 = arith.extui %lt3A_283 : vector<256x256xi1> to vector<256x256xi32>
    %convert_element_type3A_285 = arith.sitofp %convert_element_type3A_284 : vector<256x256xi32> to vector<256x256xf32>
    %dot_general3A_286 = arith.constant dense<0.000000e+00> : vector<8x256xf32>
    %dot_general3A_287 = tpu.matmul %convert_element_type3A_268, %convert_element_type3A_285, %dot_general3A_286 {dimension_numbers = #tpu.dot_dimension_numbers<[1], [0], [0], [1], [0, 0, 1, 1], [], []>, precision = #tpu.contract_precision<fp32>, transpose_lhs_hint = false} : vector<8x256xf32>, vector<256x256xf32>, vector<8x256xf32> -> vector<8x256xf32>
    %get3A_288 = arith.constant 0 : index
    %get3A_289 = arith.constant 0 : index
    %get3A_290 = vector.load %arg13[%get3A_288, %get3A_289] : memref<8x1xf32, #tpu.memory_space<vmem>>, vector<8x1xf32>
    %add3A_291 = vector.broadcast %get3A_290 : vector<8x1xf32> to vector<8x256xf32>
    %add3A_292 = arith.addf %dot_general3A_287, %add3A_291 : vector<8x256xf32>
    %swap3A_293 = arith.constant 0 : index
    %swap3A_294 = arith.constant 0 : index
    %swap3A_295 = vector.load %arg11[%swap3A_293, %swap3A_294] : memref<8x256xf32, #tpu.memory_space<vmem>>, vector<8x256xf32>
    tpu.vector_store %arg11[%swap3A_293, %swap3A_294], %add3A_292 {strides = array<i32>} : memref<8x256xf32, #tpu.memory_space<vmem>>, vector<8x256xf32>,
    %get3A_296 = arith.constant 0 : index
    %get3A_297 = arith.constant 0 : index
    %get3A_298 = vector.load %arg13[%get3A_296, %get3A_297] : memref<8x1xf32, #tpu.memory_space<vmem>>, vector<8x1xf32>
    %reduce_sum3A_299 = arith.constant dense<0.000000e+00> : vector<8xf32>
    %reduce_sum3A_300 = vector.multi_reduction <add>, %convert_element_type3A_268, %reduce_sum3A_299 [1] : vector<8x256xf32> to vector<8xf32>
    %broadcast_in_dim3A_301 = vector.shape_cast %reduce_sum3A_300 : vector<8xf32> to vector<8x1xf32>
    %add3A_302 = arith.addf %get3A_298, %broadcast_in_dim3A_301 : vector<8x1xf32>
    %swap3A_303 = arith.constant 0 : index
    %swap3A_304 = arith.constant 0 : index
    %swap3A_305 = vector.load %arg13[%swap3A_303, %swap3A_304] : memref<8x1xf32, #tpu.memory_space<vmem>>, vector<8x1xf32>
    tpu.vector_store %arg13[%swap3A_303, %swap3A_304], %add3A_302 {strides = array<i32>} : memref<8x1xf32, #tpu.memory_space<vmem>>, vector<8x1xf32>,
    %add3A_306 = arith.constant 2.550000e+02 : f32
    %add3A_307 = vector.broadcast %add3A_306 : f32 to vector<8x1xf32>
    %add3A_308 = arith.addf %add3A_302, %add3A_307 : vector<8x1xf32>
    %mul3A_309 = arith.constant 3.906250e-03 : f32
    %mul3A_310 = vector.broadcast %mul3A_309 : f32 to vector<8x1xf32>
    %mul3A_311 = arith.mulf %add3A_308, %mul3A_310 : vector<8x1xf32>
    %floor3A = math.floor %mul3A_311 : vector<8x1xf32>
    %mul3A_312 = arith.constant 2.560000e+02 : f32
    %mul3A_313 = vector.broadcast %mul3A_312 : f32 to vector<8x1xf32>
    %mul3A_314 = arith.mulf %floor3A, %mul3A_313 : vector<8x1xf32>
    %iota3A_315 = tpu.iota {dimensions = array<i32: 0>} : vector<8x8xi32>
    %iota3A_316 = tpu.iota {dimensions = array<i32: 1>} : vector<8x8xi32>
    %lt3A_317 = arith.cmpi slt, %iota3A_316, %iota3A_315 : vector<8x8xi32>
    %convert_element_type3A_318 = arith.extui %lt3A_317 : vector<8x8xi1> to vector<8x8xi32>
    %convert_element_type3A_319 = arith.sitofp %convert_element_type3A_318 : vector<8x8xi32> to vector<8x8xf32>
    %dot_general3A_320 = arith.constant dense<0.000000e+00> : vector<8x1xf32>
    %dot_general3A_321 = tpu.matmul %convert_element_type3A_319, %mul3A_314, %dot_general3A_320 {dimension_numbers = #tpu.dot_dimension_numbers<[1], [0], [0], [1], [0, 0, 1, 1], [], []>, precision = #tpu.contract_precision<fp32>, transpose_lhs_hint = false} : vector<8x8xf32>, vector<8x1xf32>, vector<8x1xf32> -> vector<8x1xf32>
    %swap3A_322 = arith.constant 0 : index
    %swap3A_323 = arith.constant 0 : index
    %swap3A_324 = vector.load %arg12[%swap3A_322, %swap3A_323] : memref<8x1xf32, #tpu.memory_space<vmem>>, vector<8x1xf32>
    tpu.vector_store %arg12[%swap3A_322, %swap3A_323], %dot_general3A_321 {strides = array<i32>} : memref<8x1xf32, #tpu.memory_space<vmem>>, vector<8x1xf32>,
    return
  }
  func.func @transform_0(%arg0: i32) -> (i32, i32) {
    %c0_i32 = arith.constant 0 : i32
    %c0_i32_0 = arith.constant 0 : i32
    return %arg0, %c0_i32 : i32, i32
  }
  func.func @transform_1(%arg0: i32) -> (i32, i32) {
    %c0_i32 = arith.constant 0 : i32
    %c0_i32_0 = arith.constant 0 : i32
    return %arg0, %c0_i32 : i32, i32
  }
  func.func @transform_2(%arg0: i32) -> (i32, i32) {
    %c0_i32 = arith.constant 0 : i32
    %c0_i32_0 = arith.constant 0 : i32
    return %arg0, %c0_i32 : i32, i32
  }
  func.func @transform_3(%arg0: i32) -> (i32, i32) {
    %c0_i32 = arith.constant 0 : i32
    %c0_i32_0 = arith.constant 0 : i32
    %c0_i32_1 = arith.constant 0 : i32
    return %c0_i32, %c0_i32_0 : i32, i32
  }
  func.func @transform_4(%arg0: i32) -> (i32, i32) {
    %c0_i32 = arith.constant 0 : i32
    %c0_i32_0 = arith.constant 0 : i32
    %c0_i32_1 = arith.constant 0 : i32
    return %c0_i32, %c0_i32_0 : i32, i32
  }
  func.func @transform_5(%arg0: i32) -> (i32, i32) {
    %c0_i32 = arith.constant 0 : i32
    %c0_i32_0 = arith.constant 0 : i32
    %c0_i32_1 = arith.constant 0 : i32
    return %c0_i32, %c0_i32_0 : i32, i32
  }
  func.func @transform_6(%arg0: i32) -> (i32, i32) {
    %c0_i32 = arith.constant 0 : i32
    %c0_i32_0 = arith.constant 0 : i32
    %c0_i32_1 = arith.constant 0 : i32
    return %c0_i32, %c0_i32_0 : i32, i32
  }
  func.func @transform_7(%arg0: i32) -> (i32, i32) {
    %c0_i32 = arith.constant 0 : i32
    %c0_i32_0 = arith.constant 0 : i32
    return %arg0, %c0_i32 : i32, i32
  }
  func.func @transform_8(%arg0: i32) -> (i32, i32) {
    %c0_i32 = arith.constant 0 : i32
    %c0_i32_0 = arith.constant 0 : i32
    return %arg0, %c0_i32 : i32, i32
  }
  func.func @transform_9(%arg0: i32) -> (i32, i32) {
    %c0_i32 = arith.constant 0 : i32
    %c0_i32_0 = arith.constant 0 : i32
    return %c0_i32, %arg0 : i32, i32
  }
  func.func @transform_10(%arg0: i32) -> (i32, i32) {
    %c0_i32 = arith.constant 0 : i32
    %c0_i32_0 = arith.constant 0 : i32
    return %c0_i32, %arg0 : i32, i32
  }
  func.func @transform_11(%arg0: i32) -> (i32, i32) {
    %c0_i32 = arith.constant 0 : i32
    %c0_i32_0 = arith.constant 0 : i32
    %c0_i32_1 = arith.constant 0 : i32
    return %c0_i32, %c0_i32_0 : i32, i32
  }
}

module attributes {stable_mosaic.version = 14 : i64} {
  func.func @_k3b_body(%arg0: i32, %arg1: memref<8x256xf32, #tpu.memory_space<vmem>>, %arg2: memref<8x256xf32, #tpu.memory_space<vmem>>, %arg3: memref<8x1xf32, #tpu.memory_space<vmem>>, %arg4: memref<1x256xi32, #tpu.memory_space<vmem>>, %arg5: memref<1x256xi32, #tpu.memory_space<vmem>>, %arg6: memref<1x256xf32, #tpu.memory_space<vmem>>, %arg7: memref<1x256xf32, #tpu.memory_space<vmem>>, %arg8: memref<1x24xi32, #tpu.memory_space<vmem>>) attributes {dimension_semantics = [#tpu.dimension_semantics<arbitrary>], iteration_bounds = array<i64: 8>, scalar_prefetch = 0 : i64, scratch_operands = 0 : i64, tpu.core_type = #tpu.core_type<tc>, window_params = [{transform_indices = @transform_0, window_bounds = array<i64: 8, 256>}, {transform_indices = @transform_1, window_bounds = array<i64: 8, 256>}, {pipeline_mode = #tpu.pipeline_mode<synchronous>, transform_indices = @transform_2, window_bounds = array<i64: 8, 1>}, {transform_indices = @transform_3, window_bounds = array<i64: 1, 256>}, {transform_indices = @transform_4, window_bounds = array<i64: 1, 256>}, {transform_indices = @transform_5, window_bounds = array<i64: 1, 256>}, {transform_indices = @transform_6, window_bounds = array<i64: 1, 256>}, {pipeline_mode = #tpu.pipeline_mode<synchronous>, transform_indices = @transform_7, window_bounds = array<i64: 1, 24>}]} {
    %get3A = arith.constant 0 : index
    %get3A_0 = arith.constant 0 : index
    %get3A_1 = vector.load %arg2[%get3A, %get3A_0] : memref<8x256xf32, #tpu.memory_space<vmem>>, vector<8x256xf32>
    %gt3A = arith.constant 0.000000e+00 : f32
    %gt3A_2 = vector.broadcast %gt3A : f32 to vector<8x256xf32>
    %gt3A_3 = arith.cmpf ogt, %get3A_1, %gt3A_2 : vector<8x256xf32>
    %convert_element_type3A = arith.extui %gt3A_3 : vector<8x256xi1> to vector<8x256xi32>
    %convert_element_type3A_4 = arith.sitofp %convert_element_type3A : vector<8x256xi32> to vector<8x256xf32>
    %iota3A = tpu.iota {dimensions = array<i32: 0>} : vector<8x8xi32>
    %iota3A_5 = tpu.iota {dimensions = array<i32: 1>} : vector<8x8xi32>
    %lt3A = arith.cmpi slt, %iota3A_5, %iota3A : vector<8x8xi32>
    %convert_element_type3A_6 = arith.extui %lt3A : vector<8x8xi1> to vector<8x8xi32>
    %convert_element_type3A_7 = arith.sitofp %convert_element_type3A_6 : vector<8x8xi32> to vector<8x8xf32>
    %dot_general3A = arith.constant dense<0.000000e+00> : vector<8x256xf32>
    %dot_general3A_8 = tpu.matmul %convert_element_type3A_7, %convert_element_type3A_4, %dot_general3A {dimension_numbers = #tpu.dot_dimension_numbers<[1], [0], [0], [1], [0, 0, 1, 1], [], []>, precision = #tpu.contract_precision<fp32>, transpose_lhs_hint = false} : vector<8x8xf32>, vector<8x256xf32>, vector<8x256xf32> -> vector<8x256xf32>
    %get3A_9 = arith.constant 0 : index
    %get3A_10 = arith.constant 0 : index
    %get3A_11 = vector.load %arg3[%get3A_9, %get3A_10] : memref<8x1xf32, #tpu.memory_space<vmem>>, vector<8x1xf32>
    %get3A_12 = arith.constant 0 : index
    %get3A_13 = arith.constant 0 : index
    %get3A_14 = vector.load %arg1[%get3A_12, %get3A_13] : memref<8x256xf32, #tpu.memory_space<vmem>>, vector<8x256xf32>
    %add3A = vector.broadcast %get3A_11 : vector<8x1xf32> to vector<8x256xf32>
    %add3A_15 = arith.addf %add3A, %get3A_14 : vector<8x256xf32>
    %eq3A = arith.constant 0.000000e+00 : f32
    %eq3A_16 = vector.broadcast %eq3A : f32 to vector<8x256xf32>
    %eq3A_17 = arith.cmpf oeq, %dot_general3A_8, %eq3A_16 : vector<8x256xf32>
    %convert_element_type3A_18 = arith.extui %eq3A_17 : vector<8x256xi1> to vector<8x256xi32>
    %convert_element_type3A_19 = arith.sitofp %convert_element_type3A_18 : vector<8x256xi32> to vector<8x256xf32>
    %mul3A = arith.mulf %convert_element_type3A_4, %convert_element_type3A_19 : vector<8x256xf32>
    %eq3A_20 = arith.constant 1.000000e+00 : f32
    %eq3A_21 = vector.broadcast %eq3A_20 : f32 to vector<8x256xf32>
    %eq3A_22 = arith.cmpf oeq, %dot_general3A_8, %eq3A_21 : vector<8x256xf32>
    %convert_element_type3A_23 = arith.extui %eq3A_22 : vector<8x256xi1> to vector<8x256xi32>
    %convert_element_type3A_24 = arith.sitofp %convert_element_type3A_23 : vector<8x256xi32> to vector<8x256xf32>
    %mul3A_25 = arith.mulf %convert_element_type3A_4, %convert_element_type3A_24 : vector<8x256xf32>
    %mul3A_26 = arith.mulf %add3A_15, %mul3A : vector<8x256xf32>
    %reduce_sum3A = arith.constant dense<0.000000e+00> : vector<256xf32>
    %reduce_sum3A_27 = vector.multi_reduction <add>, %mul3A_26, %reduce_sum3A [0] : vector<8x256xf32> to vector<256xf32>
    %broadcast_in_dim3A = vector.shape_cast %reduce_sum3A_27 : vector<256xf32> to vector<1x256xf32>
    %convert_element_type3A_28 = arith.fptosi %broadcast_in_dim3A : vector<1x256xf32> to vector<1x256xi32>
    %swap3A = arith.constant 0 : index
    %swap3A_29 = arith.constant 0 : index
    %swap3A_30 = vector.load %arg4[%swap3A, %swap3A_29] : memref<1x256xi32, #tpu.memory_space<vmem>>, vector<1x256xi32>
    tpu.vector_store %arg4[%swap3A, %swap3A_29], %convert_element_type3A_28 {strides = array<i32>} : memref<1x256xi32, #tpu.memory_space<vmem>>, vector<1x256xi32>,
    %mul3A_31 = arith.mulf %add3A_15, %mul3A_25 : vector<8x256xf32>
    %reduce_sum3A_32 = arith.constant dense<0.000000e+00> : vector<256xf32>
    %reduce_sum3A_33 = vector.multi_reduction <add>, %mul3A_31, %reduce_sum3A_32 [0] : vector<8x256xf32> to vector<256xf32>
    %broadcast_in_dim3A_34 = vector.shape_cast %reduce_sum3A_33 : vector<256xf32> to vector<1x256xf32>
    %convert_element_type3A_35 = arith.fptosi %broadcast_in_dim3A_34 : vector<1x256xf32> to vector<1x256xi32>
    %swap3A_36 = arith.constant 0 : index
    %swap3A_37 = arith.constant 0 : index
    %swap3A_38 = vector.load %arg5[%swap3A_36, %swap3A_37] : memref<1x256xi32, #tpu.memory_space<vmem>>, vector<1x256xi32>
    tpu.vector_store %arg5[%swap3A_36, %swap3A_37], %convert_element_type3A_35 {strides = array<i32>} : memref<1x256xi32, #tpu.memory_space<vmem>>, vector<1x256xi32>,
    %mul3A_39 = arith.mulf %get3A_1, %mul3A : vector<8x256xf32>
    %reduce_sum3A_40 = arith.constant dense<0.000000e+00> : vector<256xf32>
    %reduce_sum3A_41 = vector.multi_reduction <add>, %mul3A_39, %reduce_sum3A_40 [0] : vector<8x256xf32> to vector<256xf32>
    %broadcast_in_dim3A_42 = vector.shape_cast %reduce_sum3A_41 : vector<256xf32> to vector<1x256xf32>
    %swap3A_43 = arith.constant 0 : index
    %swap3A_44 = arith.constant 0 : index
    %swap3A_45 = vector.load %arg6[%swap3A_43, %swap3A_44] : memref<1x256xf32, #tpu.memory_space<vmem>>, vector<1x256xf32>
    tpu.vector_store %arg6[%swap3A_43, %swap3A_44], %broadcast_in_dim3A_42 {strides = array<i32>} : memref<1x256xf32, #tpu.memory_space<vmem>>, vector<1x256xf32>,
    %mul3A_46 = arith.mulf %get3A_1, %mul3A_25 : vector<8x256xf32>
    %reduce_sum3A_47 = arith.constant dense<0.000000e+00> : vector<256xf32>
    %reduce_sum3A_48 = vector.multi_reduction <add>, %mul3A_46, %reduce_sum3A_47 [0] : vector<8x256xf32> to vector<256xf32>
    %broadcast_in_dim3A_49 = vector.shape_cast %reduce_sum3A_48 : vector<256xf32> to vector<1x256xf32>
    %swap3A_50 = arith.constant 0 : index
    %swap3A_51 = arith.constant 0 : index
    %swap3A_52 = vector.load %arg7[%swap3A_50, %swap3A_51] : memref<1x256xf32, #tpu.memory_space<vmem>>, vector<1x256xf32>
    tpu.vector_store %arg7[%swap3A_50, %swap3A_51], %broadcast_in_dim3A_49 {strides = array<i32>} : memref<1x256xf32, #tpu.memory_space<vmem>>, vector<1x256xf32>,
    %iota3A_53 = tpu.iota {dimensions = array<i32: 1>} : vector<1x24xi32>
    %mul3A_54 = arith.constant 256 : i32
    %mul3A_55 = vector.broadcast %mul3A_54 : i32 to vector<1x24xi32>
    %mul3A_56 = arith.muli %iota3A_53, %mul3A_55 : vector<1x24xi32>
    %broadcast_in_dim3A_57 = arith.constant 0 : i32
    %broadcast_in_dim3A_58 = vector.broadcast %broadcast_in_dim3A_57 : i32 to vector<1x24xi32>
    %slice3A = vector.extract_strided_slice %get3A_11 {offsets = [1, 0], sizes = [1, 1], strides = [1, 1]} : vector<8x1xf32> to vector<1x1xf32>
    %convert_element_type3A_59 = arith.fptosi %slice3A : vector<1x1xf32> to vector<1x1xi32>
    %ge3A = vector.broadcast %convert_element_type3A_59 : vector<1x1xi32> to vector<1x24xi32>
    %ge3A_60 = arith.cmpi sge, %mul3A_56, %ge3A : vector<1x24xi32>
    %convert_element_type3A_61 = arith.extui %ge3A_60 : vector<1x24xi1> to vector<1x24xi32>
    %add3A_62 = arith.addi %broadcast_in_dim3A_58, %convert_element_type3A_61 : vector<1x24xi32>
    %slice3A_63 = vector.extract_strided_slice %get3A_11 {offsets = [2, 0], sizes = [1, 1], strides = [1, 1]} : vector<8x1xf32> to vector<1x1xf32>
    %convert_element_type3A_64 = arith.fptosi %slice3A_63 : vector<1x1xf32> to vector<1x1xi32>
    %ge3A_65 = vector.broadcast %convert_element_type3A_64 : vector<1x1xi32> to vector<1x24xi32>
    %ge3A_66 = arith.cmpi sge, %mul3A_56, %ge3A_65 : vector<1x24xi32>
    %convert_element_type3A_67 = arith.extui %ge3A_66 : vector<1x24xi1> to vector<1x24xi32>
    %add3A_68 = arith.addi %add3A_62, %convert_element_type3A_67 : vector<1x24xi32>
    %slice3A_69 = vector.extract_strided_slice %get3A_11 {offsets = [3, 0], sizes = [1, 1], strides = [1, 1]} : vector<8x1xf32> to vector<1x1xf32>
    %convert_element_type3A_70 = arith.fptosi %slice3A_69 : vector<1x1xf32> to vector<1x1xi32>
    %ge3A_71 = vector.broadcast %convert_element_type3A_70 : vector<1x1xi32> to vector<1x24xi32>
    %ge3A_72 = arith.cmpi sge, %mul3A_56, %ge3A_71 : vector<1x24xi32>
    %convert_element_type3A_73 = arith.extui %ge3A_72 : vector<1x24xi1> to vector<1x24xi32>
    %add3A_74 = arith.addi %add3A_68, %convert_element_type3A_73 : vector<1x24xi32>
    %slice3A_75 = vector.extract_strided_slice %get3A_11 {offsets = [4, 0], sizes = [1, 1], strides = [1, 1]} : vector<8x1xf32> to vector<1x1xf32>
    %convert_element_type3A_76 = arith.fptosi %slice3A_75 : vector<1x1xf32> to vector<1x1xi32>
    %ge3A_77 = vector.broadcast %convert_element_type3A_76 : vector<1x1xi32> to vector<1x24xi32>
    %ge3A_78 = arith.cmpi sge, %mul3A_56, %ge3A_77 : vector<1x24xi32>
    %convert_element_type3A_79 = arith.extui %ge3A_78 : vector<1x24xi1> to vector<1x24xi32>
    %add3A_80 = arith.addi %add3A_74, %convert_element_type3A_79 : vector<1x24xi32>
    %slice3A_81 = vector.extract_strided_slice %get3A_11 {offsets = [5, 0], sizes = [1, 1], strides = [1, 1]} : vector<8x1xf32> to vector<1x1xf32>
    %convert_element_type3A_82 = arith.fptosi %slice3A_81 : vector<1x1xf32> to vector<1x1xi32>
    %ge3A_83 = vector.broadcast %convert_element_type3A_82 : vector<1x1xi32> to vector<1x24xi32>
    %ge3A_84 = arith.cmpi sge, %mul3A_56, %ge3A_83 : vector<1x24xi32>
    %convert_element_type3A_85 = arith.extui %ge3A_84 : vector<1x24xi1> to vector<1x24xi32>
    %add3A_86 = arith.addi %add3A_80, %convert_element_type3A_85 : vector<1x24xi32>
    %slice3A_87 = vector.extract_strided_slice %get3A_11 {offsets = [6, 0], sizes = [1, 1], strides = [1, 1]} : vector<8x1xf32> to vector<1x1xf32>
    %convert_element_type3A_88 = arith.fptosi %slice3A_87 : vector<1x1xf32> to vector<1x1xi32>
    %ge3A_89 = vector.broadcast %convert_element_type3A_88 : vector<1x1xi32> to vector<1x24xi32>
    %ge3A_90 = arith.cmpi sge, %mul3A_56, %ge3A_89 : vector<1x24xi32>
    %convert_element_type3A_91 = arith.extui %ge3A_90 : vector<1x24xi1> to vector<1x24xi32>
    %add3A_92 = arith.addi %add3A_86, %convert_element_type3A_91 : vector<1x24xi32>
    %slice3A_93 = vector.extract_strided_slice %get3A_11 {offsets = [7, 0], sizes = [1, 1], strides = [1, 1]} : vector<8x1xf32> to vector<1x1xf32>
    %convert_element_type3A_94 = arith.fptosi %slice3A_93 : vector<1x1xf32> to vector<1x1xi32>
    %ge3A_95 = vector.broadcast %convert_element_type3A_94 : vector<1x1xi32> to vector<1x24xi32>
    %ge3A_96 = arith.cmpi sge, %mul3A_56, %ge3A_95 : vector<1x24xi32>
    %convert_element_type3A_97 = arith.extui %ge3A_96 : vector<1x24xi1> to vector<1x24xi32>
    %add3A_98 = arith.addi %add3A_92, %convert_element_type3A_97 : vector<1x24xi32>
    %swap3A_99 = arith.constant 0 : index
    %swap3A_100 = arith.constant 0 : index
    %swap3A_101 = vector.load %arg8[%swap3A_99, %swap3A_100] : memref<1x24xi32, #tpu.memory_space<vmem>>, vector<1x24xi32>
    tpu.vector_store %arg8[%swap3A_99, %swap3A_100], %add3A_98 {strides = array<i32>} : memref<1x24xi32, #tpu.memory_space<vmem>>, vector<1x24xi32>,
    return
  }
  func.func @transform_0(%arg0: i32) -> (i32, i32) {
    %c0_i32 = arith.constant 0 : i32
    %c0_i32_0 = arith.constant 0 : i32
    return %c0_i32, %arg0 : i32, i32
  }
  func.func @transform_1(%arg0: i32) -> (i32, i32) {
    %c0_i32 = arith.constant 0 : i32
    %c0_i32_0 = arith.constant 0 : i32
    return %c0_i32, %arg0 : i32, i32
  }
  func.func @transform_2(%arg0: i32) -> (i32, i32) {
    %c0_i32 = arith.constant 0 : i32
    %c0_i32_0 = arith.constant 0 : i32
    %c0_i32_1 = arith.constant 0 : i32
    return %c0_i32, %c0_i32_0 : i32, i32
  }
  func.func @transform_3(%arg0: i32) -> (i32, i32) {
    %c0_i32 = arith.constant 0 : i32
    %c0_i32_0 = arith.constant 0 : i32
    return %c0_i32, %arg0 : i32, i32
  }
  func.func @transform_4(%arg0: i32) -> (i32, i32) {
    %c0_i32 = arith.constant 0 : i32
    %c0_i32_0 = arith.constant 0 : i32
    return %c0_i32, %arg0 : i32, i32
  }
  func.func @transform_5(%arg0: i32) -> (i32, i32) {
    %c0_i32 = arith.constant 0 : i32
    %c0_i32_0 = arith.constant 0 : i32
    return %c0_i32, %arg0 : i32, i32
  }
  func.func @transform_6(%arg0: i32) -> (i32, i32) {
    %c0_i32 = arith.constant 0 : i32
    %c0_i32_0 = arith.constant 0 : i32
    return %c0_i32, %arg0 : i32, i32
  }
  func.func @transform_7(%arg0: i32) -> (i32, i32) {
    %c0_i32 = arith.constant 0 : i32
    %c0_i32_0 = arith.constant 0 : i32
    %c0_i32_1 = arith.constant 0 : i32
    return %c0_i32, %c0_i32_0 : i32, i32
  }
}

module attributes {stable_mosaic.version = 14 : i64} {
  func.func @_k4_body(%arg0: i32, %arg1: memref<24xi32, #tpu.memory_space<smem>>, %arg2: memref<256x1024xf32, #tpu.memory_space<vmem>>, %arg3: memref<1x512x1024xf32, #tpu.memory_space<vmem>>, %arg4: memref<1x512x1024xf32, #tpu.memory_space<vmem>>, %arg5: memref<1x1024x512xf32, #tpu.memory_space<vmem>>, %arg6: memref<256x1024xf32, #tpu.memory_space<vmem>>) attributes {dimension_semantics = [#tpu.dimension_semantics<arbitrary>], iteration_bounds = array<i64: 24>, scalar_prefetch = 1 : i64, scratch_operands = 0 : i64, tpu.core_type = #tpu.core_type<tc>, window_params = [{transform_indices = @transform_0, window_bounds = array<i64: 256, 1024>}, {transform_indices = @transform_1, window_bounds = array<i64: 1, 512, 1024>}, {transform_indices = @transform_2, window_bounds = array<i64: 1, 512, 1024>}, {transform_indices = @transform_3, window_bounds = array<i64: 1, 1024, 512>}, {transform_indices = @transform_4, window_bounds = array<i64: 256, 1024>}]} {
    %get3A = arith.constant 0 : index
    %get3A_0 = arith.constant 0 : index
    %get3A_1 = vector.load %arg2[%get3A, %get3A_0] : memref<256x1024xf32, #tpu.memory_space<vmem>>, vector<256x1024xf32>
    %convert_element_type3A = arith.truncf %get3A_1 : vector<256x1024xf32> to vector<256x1024xbf16>
    %get3A_2 = arith.constant 0 : index
    %get3A_3 = arith.constant 0 : index
    %get3A_4 = arith.constant 0 : index
    %get3A_5 = vector.load %arg3[%get3A_2, %get3A_3, %get3A_4] : memref<1x512x1024xf32, #tpu.memory_space<vmem>>, vector<1x512x1024xf32>
    %get3A_6 = vector.shape_cast %get3A_5 : vector<1x512x1024xf32> to vector<512x1024xf32>
    %convert_element_type3A_7 = arith.truncf %get3A_6 : vector<512x1024xf32> to vector<512x1024xbf16>
    %get3A_8 = arith.constant 0 : index
    %get3A_9 = arith.constant 0 : index
    %get3A_10 = arith.constant 0 : index
    %get3A_11 = vector.load %arg4[%get3A_8, %get3A_9, %get3A_10] : memref<1x512x1024xf32, #tpu.memory_space<vmem>>, vector<1x512x1024xf32>
    %get3A_12 = vector.shape_cast %get3A_11 : vector<1x512x1024xf32> to vector<512x1024xf32>
    %convert_element_type3A_13 = arith.truncf %get3A_12 : vector<512x1024xf32> to vector<512x1024xbf16>
    %get3A_14 = arith.constant 0 : index
    %get3A_15 = arith.constant 0 : index
    %get3A_16 = arith.constant 0 : index
    %get3A_17 = vector.load %arg5[%get3A_14, %get3A_15, %get3A_16] : memref<1x1024x512xf32, #tpu.memory_space<vmem>>, vector<1x1024x512xf32>
    %get3A_18 = vector.shape_cast %get3A_17 : vector<1x1024x512xf32> to vector<1024x512xf32>
    %convert_element_type3A_19 = arith.truncf %get3A_18 : vector<1024x512xf32> to vector<1024x512xbf16>
    %dot_general3A = arith.constant dense<0.000000e+00> : vector<256x512xf32>
    %dot_general3A_20 = tpu.matmul %convert_element_type3A, %convert_element_type3A_7, %dot_general3A {dimension_numbers = #tpu.dot_dimension_numbers<[1], [1], [0], [0], [0, 0, 1, 0], [], []>, transpose_lhs_hint = false} : vector<256x1024xbf16>, vector<512x1024xbf16>, vector<256x512xf32> -> vector<256x512xf32>
    %dot_general3A_21 = arith.constant dense<0.000000e+00> : vector<256x512xf32>
    %dot_general3A_22 = tpu.matmul %convert_element_type3A, %convert_element_type3A_13, %dot_general3A_21 {dimension_numbers = #tpu.dot_dimension_numbers<[1], [1], [0], [0], [0, 0, 1, 0], [], []>, transpose_lhs_hint = false} : vector<256x1024xbf16>, vector<512x1024xbf16>, vector<256x512xf32> -> vector<256x512xf32>
    %logistic3A = arith.negf %dot_general3A_20 : vector<256x512xf32>
    %logistic3A_23 = math.exp %logistic3A : vector<256x512xf32>
    %logistic3A_24 = arith.constant 1.000000e+00 : f32
    %logistic3A_25 = vector.broadcast %logistic3A_24 : f32 to vector<256x512xf32>
    %logistic3A_26 = arith.addf %logistic3A_25, %logistic3A_23 : vector<256x512xf32>
    %logistic3A_27 = arith.divf %logistic3A_25, %logistic3A_26 : vector<256x512xf32>
    %mul3A = arith.mulf %dot_general3A_20, %logistic3A_27 : vector<256x512xf32>
    %mul3A_28 = arith.mulf %mul3A, %dot_general3A_22 : vector<256x512xf32>
    %convert_element_type3A_29 = arith.truncf %mul3A_28 : vector<256x512xf32> to vector<256x512xbf16>
    %dot_general3A_30 = arith.constant dense<0.000000e+00> : vector<256x1024xf32>
    %dot_general3A_31 = tpu.matmul %convert_element_type3A_29, %convert_element_type3A_19, %dot_general3A_30 {dimension_numbers = #tpu.dot_dimension_numbers<[1], [1], [0], [0], [0, 0, 1, 0], [], []>, transpose_lhs_hint = false} : vector<256x512xbf16>, vector<1024x512xbf16>, vector<256x1024xf32> -> vector<256x1024xf32>
    %swap3A = arith.constant 0 : index
    %swap3A_32 = arith.constant 0 : index
    %swap3A_33 = vector.load %arg6[%swap3A, %swap3A_32] : memref<256x1024xf32, #tpu.memory_space<vmem>>, vector<256x1024xf32>
    tpu.vector_store %arg6[%swap3A, %swap3A_32], %dot_general3A_31 {strides = array<i32>} : memref<256x1024xf32, #tpu.memory_space<vmem>>, vector<256x1024xf32>,
    return
  }
  func.func @transform_0(%arg0: i32, %arg1: memref<24xi32, #tpu.memory_space<smem>>) -> (i32, i32) {
    %c0_i32 = arith.constant 0 : i32
    %c0_i32_0 = arith.constant 0 : i32
    return %arg0, %c0_i32 : i32, i32
  }
  func.func @transform_1(%arg0: i32, %arg1: memref<24xi32, #tpu.memory_space<smem>>) -> (i32, i32, i32) {
    %get3A = arith.index_cast %arg0 : i32 to index
    %get3A_0 = memref.load %arg1[%get3A] : memref<24xi32, #tpu.memory_space<smem>>
    %c0_i32 = arith.constant 0 : i32
    %c0_i32_1 = arith.constant 0 : i32
    %c0_i32_2 = arith.constant 0 : i32
    return %get3A_0, %c0_i32, %c0_i32_1 : i32, i32, i32
  }
  func.func @transform_2(%arg0: i32, %arg1: memref<24xi32, #tpu.memory_space<smem>>) -> (i32, i32, i32) {
    %get3A = arith.index_cast %arg0 : i32 to index
    %get3A_0 = memref.load %arg1[%get3A] : memref<24xi32, #tpu.memory_space<smem>>
    %c0_i32 = arith.constant 0 : i32
    %c0_i32_1 = arith.constant 0 : i32
    %c0_i32_2 = arith.constant 0 : i32
    return %get3A_0, %c0_i32, %c0_i32_1 : i32, i32, i32
  }
  func.func @transform_3(%arg0: i32, %arg1: memref<24xi32, #tpu.memory_space<smem>>) -> (i32, i32, i32) {
    %get3A = arith.index_cast %arg0 : i32 to index
    %get3A_0 = memref.load %arg1[%get3A] : memref<24xi32, #tpu.memory_space<smem>>
    %c0_i32 = arith.constant 0 : i32
    %c0_i32_1 = arith.constant 0 : i32
    %c0_i32_2 = arith.constant 0 : i32
    return %get3A_0, %c0_i32, %c0_i32_1 : i32, i32, i32
  }
  func.func @transform_4(%arg0: i32, %arg1: memref<24xi32, #tpu.memory_space<smem>>) -> (i32, i32) {
    %c0_i32 = arith.constant 0 : i32
    %c0_i32_0 = arith.constant 0 : i32
    return %arg0, %c0_i32 : i32, i32
  }
}

module attributes {stable_mosaic.version = 14 : i64} {
  func.func @_k5_body(%arg0: i32, %arg1: memref<256x1024xf32, #tpu.memory_space<vmem>>, %arg2: memref<256x1024xf32, #tpu.memory_space<vmem>>, %arg3: memref<256x1024xf32, #tpu.memory_space<vmem>>, %arg4: memref<256x1024xf32, #tpu.memory_space<vmem>>, %arg5: memref<256x1xf32, #tpu.memory_space<vmem>>, %arg6: memref<256x1xf32, #tpu.memory_space<vmem>>, %arg7: memref<512x1024xbf16, #tpu.memory_space<vmem>>, %arg8: memref<512x1024xbf16, #tpu.memory_space<vmem>>, %arg9: memref<1024x512xbf16, #tpu.memory_space<vmem>>, %arg10: memref<256x1024xf32, #tpu.memory_space<vmem>>) attributes {dimension_semantics = [#tpu.dimension_semantics<arbitrary>], iteration_bounds = array<i64: 8>, scalar_prefetch = 0 : i64, scratch_operands = 0 : i64, tpu.core_type = #tpu.core_type<tc>, window_params = [{transform_indices = @transform_0, window_bounds = array<i64: 256, 1024>}, {transform_indices = @transform_1, window_bounds = array<i64: 256, 1024>}, {transform_indices = @transform_2, window_bounds = array<i64: 256, 1024>}, {transform_indices = @transform_3, window_bounds = array<i64: 256, 1024>}, {transform_indices = @transform_4, window_bounds = array<i64: 256, 1>}, {transform_indices = @transform_5, window_bounds = array<i64: 256, 1>}, {pipeline_mode = #tpu.pipeline_mode<synchronous>, transform_indices = @transform_6, window_bounds = array<i64: 512, 1024>}, {pipeline_mode = #tpu.pipeline_mode<synchronous>, transform_indices = @transform_7, window_bounds = array<i64: 512, 1024>}, {pipeline_mode = #tpu.pipeline_mode<synchronous>, transform_indices = @transform_8, window_bounds = array<i64: 1024, 512>}, {transform_indices = @transform_9, window_bounds = array<i64: 256, 1024>}]} {
    %get3A = arith.constant 0 : index
    %get3A_0 = arith.constant 0 : index
    %get3A_1 = vector.load %arg2[%get3A, %get3A_0] : memref<256x1024xf32, #tpu.memory_space<vmem>>, vector<256x1024xf32>
    %convert_element_type3A = arith.truncf %get3A_1 : vector<256x1024xf32> to vector<256x1024xbf16>
    %get3A_2 = arith.constant 0 : index
    %get3A_3 = arith.constant 0 : index
    %get3A_4 = vector.load %arg7[%get3A_2, %get3A_3] : memref<512x1024xbf16, #tpu.memory_space<vmem>>, vector<512x1024xbf16>
    %dot_general3A = arith.constant dense<0.000000e+00> : vector<256x512xf32>
    %dot_general3A_5 = tpu.matmul %convert_element_type3A, %get3A_4, %dot_general3A {dimension_numbers = #tpu.dot_dimension_numbers<[1], [1], [0], [0], [0, 0, 1, 0], [], []>, transpose_lhs_hint = false} : vector<256x1024xbf16>, vector<512x1024xbf16>, vector<256x512xf32> -> vector<256x512xf32>
    %get3A_6 = arith.constant 0 : index
    %get3A_7 = arith.constant 0 : index
    %get3A_8 = vector.load %arg8[%get3A_6, %get3A_7] : memref<512x1024xbf16, #tpu.memory_space<vmem>>, vector<512x1024xbf16>
    %dot_general3A_9 = arith.constant dense<0.000000e+00> : vector<256x512xf32>
    %dot_general3A_10 = tpu.matmul %convert_element_type3A, %get3A_8, %dot_general3A_9 {dimension_numbers = #tpu.dot_dimension_numbers<[1], [1], [0], [0], [0, 0, 1, 0], [], []>, transpose_lhs_hint = false} : vector<256x1024xbf16>, vector<512x1024xbf16>, vector<256x512xf32> -> vector<256x512xf32>
    %logistic3A = arith.negf %dot_general3A_5 : vector<256x512xf32>
    %logistic3A_11 = math.exp %logistic3A : vector<256x512xf32>
    %logistic3A_12 = arith.constant 1.000000e+00 : f32
    %logistic3A_13 = vector.broadcast %logistic3A_12 : f32 to vector<256x512xf32>
    %logistic3A_14 = arith.addf %logistic3A_13, %logistic3A_11 : vector<256x512xf32>
    %logistic3A_15 = arith.divf %logistic3A_13, %logistic3A_14 : vector<256x512xf32>
    %mul3A = arith.mulf %dot_general3A_5, %logistic3A_15 : vector<256x512xf32>
    %mul3A_16 = arith.mulf %mul3A, %dot_general3A_10 : vector<256x512xf32>
    %convert_element_type3A_17 = arith.truncf %mul3A_16 : vector<256x512xf32> to vector<256x512xbf16>
    %get3A_18 = arith.constant 0 : index
    %get3A_19 = arith.constant 0 : index
    %get3A_20 = vector.load %arg9[%get3A_18, %get3A_19] : memref<1024x512xbf16, #tpu.memory_space<vmem>>, vector<1024x512xbf16>
    %dot_general3A_21 = arith.constant dense<0.000000e+00> : vector<256x1024xf32>
    %dot_general3A_22 = tpu.matmul %convert_element_type3A_17, %get3A_20, %dot_general3A_21 {dimension_numbers = #tpu.dot_dimension_numbers<[1], [1], [0], [0], [0, 0, 1, 0], [], []>, transpose_lhs_hint = false} : vector<256x512xbf16>, vector<1024x512xbf16>, vector<256x1024xf32> -> vector<256x1024xf32>
    %get3A_23 = arith.constant 0 : index
    %get3A_24 = arith.constant 0 : index
    %get3A_25 = vector.load %arg1[%get3A_23, %get3A_24] : memref<256x1024xf32, #tpu.memory_space<vmem>>, vector<256x1024xf32>
    %add3A = arith.addf %get3A_25, %dot_general3A_22 : vector<256x1024xf32>
    %get3A_26 = arith.constant 0 : index
    %get3A_27 = arith.constant 0 : index
    %get3A_28 = vector.load %arg3[%get3A_26, %get3A_27] : memref<256x1024xf32, #tpu.memory_space<vmem>>, vector<256x1024xf32>
    %get3A_29 = arith.constant 0 : index
    %get3A_30 = arith.constant 0 : index
    %get3A_31 = vector.load %arg5[%get3A_29, %get3A_30] : memref<256x1xf32, #tpu.memory_space<vmem>>, vector<256x1xf32>
    %mul3A_32 = vector.broadcast %get3A_31 : vector<256x1xf32> to vector<256x1024xf32>
    %mul3A_33 = arith.mulf %get3A_28, %mul3A_32 : vector<256x1024xf32>
    %add3A_34 = arith.addf %add3A, %mul3A_33 : vector<256x1024xf32>
    %get3A_35 = arith.constant 0 : index
    %get3A_36 = arith.constant 0 : index
    %get3A_37 = vector.load %arg4[%get3A_35, %get3A_36] : memref<256x1024xf32, #tpu.memory_space<vmem>>, vector<256x1024xf32>
    %get3A_38 = arith.constant 0 : index
    %get3A_39 = arith.constant 0 : index
    %get3A_40 = vector.load %arg6[%get3A_38, %get3A_39] : memref<256x1xf32, #tpu.memory_space<vmem>>, vector<256x1xf32>
    %mul3A_41 = vector.broadcast %get3A_40 : vector<256x1xf32> to vector<256x1024xf32>
    %mul3A_42 = arith.mulf %get3A_37, %mul3A_41 : vector<256x1024xf32>
    %add3A_43 = arith.addf %add3A_34, %mul3A_42 : vector<256x1024xf32>
    %swap3A = arith.constant 0 : index
    %swap3A_44 = arith.constant 0 : index
    %swap3A_45 = vector.load %arg10[%swap3A, %swap3A_44] : memref<256x1024xf32, #tpu.memory_space<vmem>>, vector<256x1024xf32>
    tpu.vector_store %arg10[%swap3A, %swap3A_44], %add3A_43 {strides = array<i32>} : memref<256x1024xf32, #tpu.memory_space<vmem>>, vector<256x1024xf32>,
    return
  }
  func.func @transform_0(%arg0: i32) -> (i32, i32) {
    %c0_i32 = arith.constant 0 : i32
    %c0_i32_0 = arith.constant 0 : i32
    return %arg0, %c0_i32 : i32, i32
  }
  func.func @transform_1(%arg0: i32) -> (i32, i32) {
    %c0_i32 = arith.constant 0 : i32
    %c0_i32_0 = arith.constant 0 : i32
    return %arg0, %c0_i32 : i32, i32
  }
  func.func @transform_2(%arg0: i32) -> (i32, i32) {
    %c0_i32 = arith.constant 0 : i32
    %c0_i32_0 = arith.constant 0 : i32
    return %arg0, %c0_i32 : i32, i32
  }
  func.func @transform_3(%arg0: i32) -> (i32, i32) {
    %c0_i32 = arith.constant 0 : i32
    %c0_i32_0 = arith.constant 0 : i32
    return %arg0, %c0_i32 : i32, i32
  }
  func.func @transform_4(%arg0: i32) -> (i32, i32) {
    %c0_i32 = arith.constant 0 : i32
    %c0_i32_0 = arith.constant 0 : i32
    return %arg0, %c0_i32 : i32, i32
  }
  func.func @transform_5(%arg0: i32) -> (i32, i32) {
    %c0_i32 = arith.constant 0 : i32
    %c0_i32_0 = arith.constant 0 : i32
    return %arg0, %c0_i32 : i32, i32
  }
  func.func @transform_6(%arg0: i32) -> (i32, i32) {
    %c0_i32 = arith.constant 0 : i32
    %c0_i32_0 = arith.constant 0 : i32
    %c0_i32_1 = arith.constant 0 : i32
    return %c0_i32, %c0_i32_0 : i32, i32
  }
  func.func @transform_7(%arg0: i32) -> (i32, i32) {
    %c0_i32 = arith.constant 0 : i32
    %c0_i32_0 = arith.constant 0 : i32
    %c0_i32_1 = arith.constant 0 : i32
    return %c0_i32, %c0_i32_0 : i32, i32
  }
  func.func @transform_8(%arg0: i32) -> (i32, i32) {
    %c0_i32 = arith.constant 0 : i32
    %c0_i32_0 = arith.constant 0 : i32
    %c0_i32_1 = arith.constant 0 : i32
    return %c0_i32, %c0_i32_0 : i32, i32
  }
  func.func @transform_9(%arg0: i32) -> (i32, i32) {
    %c0_i32 = arith.constant 0 : i32
    %c0_i32_0 = arith.constant 0 : i32
    return %arg0, %c0_i32 : i32, i32
  }
}

</mosaic_0001>

<sc_bundles>
// kernel: _run.10.cloned.1.call-start
scs
__scs_entry_jumppad:
0x0: {  	(pc) =	sbr.rel $0x88, $3  }
0x1: {  	(tag) =	ssettag $0x0;
	lr =	simm.s32 $0x1  }
0x2: {  	[smem:$0x3F91] =	sst lr;
	_ =	strace $0xD0000000  }
0x3: {  	_ = 	snop  }
0x4: {  	_ = 	snop  }
0x5: {  	_ = 	snop  }
0x6: {  	_ = 	snop  }
0x7: {  	_ = 	snop  }
__scs_overlays_trampoline_lowered:
0x8: {  	[smem:$0x3FA0] =	sst s0  }
0x9: {  	[smem:$0x3FA1] =	sst s1  }
0xa: {  	[smem:$0x3FA2] =	sst s2  }
0xb: {  	[smem:$0x3FA3] =	sst s3  }
0xc: {  	[smem:$0x3FA4] =	sst s4  }
0xd: {  	[smem:$0x3FA5] =	sst s5  }
0xe: {  	[smem:$0x3FA6] =	sst s6  }
0xf: {  	[smem:$0x3FA7] =	sst s7  }
0x10: {  	[smem:$0x3FA8] =	sst s8  }
0x11: {  	[smem:$0x3FA9] =	sst s9;
	s0 =	simm.s32 @!p0 $0x0  }
0x12: {  	s1 =	sld [smem:$0x3F8F];
	s0 =	simm.s32 @p0 $0x1  }
0x13: {  	[smem:$0x3FAA] =	sst s0;
	s0 =	simm.s32 @!p1 $0x0  }
0x14: {  	s2 =	sld [smem:$0x3F8E];
	s0 =	simm.s32 @p1 $0x1  }
0x15: {  	[smem:$0x3FAB] =	sst s0;
	s0 =	simm.s32 @!p2 $0x0  }
0x16: {  	s3 =	sld [smem:$0x3FDB];
	s0 =	simm.s32 @p2 $0x1  }
0x17: {  	s4 =	simm.s32 $0x1BF5;
	[smem:$0x3FAD] =	sst s0  }
0x18: {  	s0 =	sld [smem:$0x3F90];
	_ =	swait.ge [sflag:s4], $0x0  }
0x19: {  	s7 =	sld [smem:$0x3F91]  }
0x1a: {  	s8 =	sadd.s32 $0xFFFFE003, lr  }
0x1b: {  	s9 =	sadd.s32 $0xFFFFFEF7, lr;
	s5 =	simm.s32 $0xFFFFFFFF;
	p2 =	slt.u32 s8, $0xFFFFF086  }
0x1c: {  	p1 =	slt.u32 s9, $0xF7A;
	s5 =	simm.s32 @!p2 $0x0  }
0x1d: {  	s5 =	simm.s32 @p1 $0x1;
	p0 =	seq.s32 s7, s2  }
0x1e: {  	s7 =	smul.u32 @!p0 $0xF7A, s2;
	p2 =	seq.s32 @!p0 s5, $0x0  }
0x1f: {  	s9 =	smul.u32 $0xF7A, s1;
	s8 =	simm.s32 @!p0 $0x1BF5;
	p2 =	por !p2, p0  }
0x20: {  	[sflag:s8] =	ssyncset.s32 @!p0 $0xFFFFF086;
	s6 =	sadd.s32 @!p0 s3, s7;
	s7 =	simm.s32 @!p0 $0x108  }
0x21: {  	s3 =	sadd.s32 s3, s9;
	s6 =	sadd.s32 @!p0 $0x88, s6;
	s7 =	simm.s32 @p2 $0x1082  }
0x22: {  	[simem:s7], [sflag:s8] =	dma.local @!p0 [hbm:s6], $0xF7A  }
0x23: {  	s9 =	sor.u32 $0xD0000000, s2;
	s6 =	simm.s32 $0x108;
	_ =	swait.ge @!p0 [sflag:s8], $0x0  }
0x24: {  	s3 =	sadd.s32 $0x88, s3;
	s6 =	simm.s32 @!p1 $0x1082;
	[sflag:s4] =	ssyncset.s32 $0xFFFFF086  }
0x25: {  	[simem:s6], [sflag:s4] =	dma.local [hbm:s3], $0xF7A  }
0x26: {  	[smem:$0x3F91] =	sst s1;
	(tag) =	ssettag s2;
	_ =	strace s9  }
0x27: {  	s1 =	sld [smem:$0x3FA1]  }
0x28: {  	s2 =	sld [smem:$0x3FA2]  }
0x29: {  	s4 =	sld [smem:$0x3FA4]  }
0x2a: {  	p0 =	seq.s32 s5, $0x0;
	s5 =	sld [smem:$0x3FA5]  }
0x2b: {  	s6 =	sld [smem:$0x3FA6]  }
0x2c: {  	s7 =	sld [smem:$0x3FA7]  }
0x2d: {  	s3 =	simm.s32 $0x108;
	s8 =	sld [smem:$0x3FA8]  }
0x2e: {  	s3 =	simm.s32 @!p0 $0x1082;
	s9 =	sld [smem:$0x3FA9]  }
0x2f: {  	lr =	sadd.s32 s0, s3;
	s0 =	sld [smem:$0x3FA0]  }
0x30: {  	s3 =	sld [smem:$0x3FA3]  }
0x31: {  	[smem:$0x3FAC] =	sst s10  }
0x32: {  	s10 =	sld [smem:$0x3FAA];
	_ =	sdelay $0x3  }
0x33: {  	p0 =	seq.s32 s10, $0x1;
	s10 =	sld [smem:$0x3FAC];
	_ =	sdelay $0x3  }
0x34: {  	[smem:$0x3FAC] =	sst s10  }
0x35: {  	s10 =	sld [smem:$0x3FAB];
	_ =	sdelay $0x3  }
0x36: {  	p1 =	seq.s32 s10, $0x1;
	s10 =	sld [smem:$0x3FAC];
	_ =	sdelay $0x3  }
0x37: {  	[smem:$0x3FAC] =	sst s10  }
0x38: {  	s10 =	sld [smem:$0x3FAD]  }
0x39: {  	_ = 	snop;
	(pc) =	sbr.ind lr, $3  }
0x3a: {  	_ = 	snop  }
0x3b: {  	_ = 	snop  }
0x3c: {  	p2 =	seq.s32 s10, $0x1;
	s10 =	sld [smem:$0x3FAC]  }
0x3d: {  	_ =	shalt  }
0x3e: {  	_ =	shalt  }
0x3f: {  	_ =	shalt  }
0x40: {  	_ =	shalt  }
0x41: {  	_ =	shalt  }
0x42: {  	_ =	shalt  }
0x43: {  	_ =	shalt  }
0x44: {  	_ =	shalt  }
0x45: {  	_ =	shalt  }
0x46: {  	_ =	shalt  }
0x47: {  	_ =	shalt  }
0x48: {  	_ =	shalt  }
0x49: {  	_ =	shalt  }
0x4a: {  	_ =	shalt  }
0x4b: {  	_ =	shalt  }
0x4c: {  	_ =	shalt  }
0x4d: {  	_ =	shalt  }
0x4e: {  	_ =	shalt  }
0x4f: {  	_ =	shalt  }
0x50: {  	_ =	shalt  }
0x51: {  	_ =	shalt  }
0x52: {  	_ =	shalt  }
0x53: {  	_ =	shalt  }
0x54: {  	_ =	shalt  }
0x55: {  	_ =	shalt  }
0x56: {  	_ =	shalt  }
0x57: {  	_ =	shalt  }
0x58: {  	_ =	shalt  }
0x59: {  	_ =	shalt  }
0x5a: {  	_ =	shalt  }
0x5b: {  	_ =	shalt  }
0x5c: {  	_ =	shalt  }
0x5d: {  	_ =	shalt  }
0x5e: {  	_ =	shalt  }
0x5f: {  	_ =	shalt  }
0x60: {  	_ =	shalt  }
0x61: {  	_ =	shalt  }
0x62: {  	_ =	shalt  }
0x63: {  	_ =	shalt  }
0x64: {  	_ =	shalt  }
0x65: {  	_ =	shalt  }
0x66: {  	_ =	shalt  }
0x67: {  	_ =	shalt  }
0x68: {  	_ =	shalt  }
0x69: {  	_ =	shalt  }
0x6a: {  	_ =	shalt  }
0x6b: {  	_ =	shalt  }
0x6c: {  	_ =	shalt  }
0x6d: {  	_ =	shalt  }
0x6e: {  	_ =	shalt  }
0x6f: {  	_ =	shalt  }
0x70: {  	_ =	shalt  }
0x71: {  	_ =	shalt  }
0x72: {  	_ =	shalt  }
0x73: {  	_ =	shalt  }
0x74: {  	_ =	shalt  }
0x75: {  	_ =	shalt  }
0x76: {  	_ =	shalt  }
0x77: {  	_ =	shalt  }
0x78: {  	_ =	shalt  }
0x79: {  	_ =	shalt  }
0x7a: {  	_ =	shalt  }
0x7b: {  	_ =	shalt  }
0x7c: {  	_ =	shalt  }
0x7d: {  	_ =	shalt  }
0x7e: {  	_ =	shalt  }
0x7f: {  	_ =	shalt  }
0x80: {  	_ =	shalt  }
0x81: {  	_ =	shalt  }
0x82: {  	_ =	shalt  }
0x83: {  	_ =	shalt  }
0x84: {  	_ =	shalt  }
0x85: {  	_ =	shalt  }
0x86: {  	_ =	shalt  }
0x87: {  	_ =	shalt  }
.Lfunc_end0:
.L_simem_size_0:
called_computation_lowered:
.L_overlay_start_0:
0x88: {  	s2 =	sld [smem:$0x3FD9]  }
0x89: {  	s3 =	sld [smem:$0x3FFE];
	_ =	sdelay $0x1  }
0x8a: {  	s1 =	srdreg.scid  }
0x8b: {  	s0 =	sand.u32 $0x1, s1  }
0x8c: {  	s17 =	sshll.u32 s0, $0xA;
	s2 =	sadd.s32 s3, s2  }
0x8d: {  	s2 =	sadd.s32 s2, s17  }
0x8e: {  	[smem:$0x3FB8] =	sst s2  }
0x8f: {  	_ = 	snop  }
0x90: {  	s2 =	sld [smem:$0x3FD0];
	(tm) =	ssettm $0x1  }
0x91: {  	s18 =	sld [smem:$0x3FFB];
	_ =	sdelay $0x3  }
0x92: {  	_ =	strace s18  }
0x93: {  	s3 =	sld [smem:$0x3FFC];
	_ =	sdelay $0x3  }
0x94: {  	_ =	strace s3  }
0x95: {  	s3 =	sld [smem:$0x3FFD];
	_ =	sdelay $0x3  }
0x96: {  	_ =	strace s3  }
0x97: {  	_ =	strace $0x8FFFFFFF  }
0x98: {  	s19 =	sld [smem:$0x3FDB];
	_ =	sdelay $0x1  }
0x99: {  	s4 =	simm.s32 $_scs_section_size  }
0x9a: {  	s5 =	simm.s32 $_size__tile_overlayer_lowered;
	s6 =	simm.s32 $_tile_overlayer_lowered  }
0x9b: {  	s22 =	simm.s32 $0x1BFF;
	s21 =	sshll.u32 s6, $0x1;
	s3 =	sadd.s32 s4, s19  }
0x9c: {  	s7 =	simm.s32 $0x0;
	s20 =	sshll.u32 s5, $0x1;
	s5 =	sadd.s32 s21, s3  }
0x9d: {  	[timem:s7], [sflag:s22] =	dma.local [hbm:s5], s20  }
0x9e: {  	_ =	swait.ge [sflag:s22], s20  }
0x9f: {  	s4 =	ssub.s32 $0x0, s20;
	[sflag:s22] =	ssyncset.done $0x0  }
0xa0: {  	[sflag:s22] =	ssyncadd.s32 s4;
	_ =	sdelay $0x1  }
0xa1: {  	s23 =	simm.s32 $0x1B8B  }
0xa2: {  	_ =	swait.ge [sflag:s23], $0x1  }
0xa3: {  	[sflag:s23] =	ssyncset.done $0x0  }
0xa4: {  	s25 =	simm.s32 $0x1B8E;
	s24 =	sld [smem:$0x3FFE];
	[sflag:s23] =	ssyncadd.s32 $0xFFFFFFFF  }
0xa5: {  	s26 =	simm.s32 $execute0_lowered;
	[smem:$0x3FD2] =	sst s25  }
0xa6: {  	s5 =	sshll.u32 s26, $0x1;
	_ =	strace $0x80000046;
	[dreg:$0x1] =	wrdreg $0xFFFFFFFF  }
0xa7: {  	s28 =	simm.s32 $_size_execute0_lowered;
	s3 =	sadd.s32 s3, s5;
	[dreg:$0x0] =	wrdreg $0x0  }
0xa8: {  	s5 =	sshll.u32 s28, $0x1;
	[dreg:$0x2] =	wrdreg s3  }
0xa9: {  	[dreg:$0x3] =	wrdreg s5  }
0xaa: {  	[dreg:$0x4] =	wrdreg $0xC0  }
0xab: {  	_ =	task [dreg:s7], $0x5FFFF  }
0xac: {  	[dreg:$0x1] =	wrdreg $0xFFFFFFFF  }
0xad: {  	[dreg:$0x0] =	wrdreg $0x60  }
0xae: {  	[dreg:$0x2] =	wrdreg s2  }
0xaf: {  	[dreg:$0x3] =	wrdreg s24  }
0xb0: {  	[dreg:$0x4] =	wrdreg $0x9  }
0xb1: {  	_ =	task.clear_ibuf [dreg:s7], $0x5FFFF;
	_ =	strace $0x90000046  }
0xb2: {  	s29 =	simm.s32 $0x9;
	_ =	strace $0x80000048  }
0xb3: {  	_ =	swait.ge [sflag:s29], $0x1  }
0xb4: {  	[sflag:s29] =	ssyncadd.s32 $0xFFFFFFFF  }
0xb5: {  	_ =	strace $0x90000048  }
0xb6: {  	_ =	sfence  }
0xb7: {  	s30 =	sld [smem:$0x0];
	_ =	sdelay $0x2  }
0xb8: {  	s31 =	sshll.u32 s1, $0xD;
	s1 =	sshrl.u32 s1, $0x2  }
0xb9: {  	s3 =	sand.u32 $0x4000, s31;
	s1 =	sadd.s32 s1, s30  }
0xba: {  	s0 =	sor.u32 s3, s0;
	s1 =	sshll.u32 s1, $0x11  }
0xbb: {  	s0 =	sor.u32 s1, s0  }
0xbc: {  	s0 =	sadd.s32 $0x8F2B, s0  }
0xbd: {  	[sflag:s0] =	ssyncadd.remote.s32 $0x1  }
0xbe: {  	_ =	sfence.sel $0xFFFF  }
0xbf: {  	[dreg:$0x0] =	wrdreg $0xFFFFFFFF;
	(pc) =	sbr.abs _section_cstart, $3  }
0xc0: {  	[dreg:$0x1] =	wrdreg $0xFFFFFFFF  }
0xc1: {  	_ =	task.clear_ibuf [dreg:s7], $0x2FFFF;
	_ =	strace $0x9FFFFFFF  }
0xc2: {  	(tm) =	ssettm $0x7FFFFFFF  }
0xc3: {  	_ =	shalt  }
tec
execute0_lowered:
.L_overlay_start_1:
0x0: {  	(tag) =	ssettag $0x1  }
0x1: {  	s0 =	srdreg.scid  }
0x2: {  	s1 =	rddreg [dreg:$0x0];
	s2 =	stileid.u32  }
0x3: {  	s6 =	rddreg [dreg:$0x1];
	s25 =	simm.s32 $0x10000;
	s26 =	simm.s32 $0x10080  }
0x4: {  	s8 =	simm.s32 $0x3;
	s20 =	simm.s32 $0x1800;
	s21 =	simm.s32 $0x2000  }
0x5: {  	s22 =	simm.s32 $0x2800;
	s28 =	simm.s32 $0x5000;
	s29 =	simm.s32 $0x5800  }
0x6: {  	s30 =	simm.s32 $0x6000;
	s31 =	simm.s32 $0x6800;
	s9 =	simm.s32 $0x8000  }
0x7: {  	s10 =	simm.s32 $0x8800;
	s11 =	simm.s32 $0x9000;
	s12 =	simm.s32 $0x9800  }
0x8: {  	s13 =	simm.s32 $0xA000;
	s14 =	simm.s32 $0xA800;
	s15 =	simm.s32 $0xB000  }
0x9: {  	s16 =	simm.s32 $0xB800;
	s17 =	simm.s32 $0xC000;
	s0 =	sand.u32 $0x1, s0  }
0xa: {  	s3 =	sshll.u32 s2, $0x7;
	s2 =	simm.s32 $0x0;
	s4 =	sshll.u32 s0, $0x6  }
0xb: {  	[smem:$0x7FF] =	sst s2;
	s0 =	ssub.s32 $0x2, s0;
	s3 =	sor.u32 s4, s3  }
0xc: {  	_ =	strace $0x80000047;
	s5 =	sshrl.u32 s0, $0x1;
	[dreg:$0x6] =	wrdreg s25  }
0xd: {  	[dreg:$0x7] =	wrdreg s26;
	s25 =	simm.s32 $0x4000;
	s26 =	simm.s32 $0x4800  }
0xe: {  	s4 =	sshrl.u32 s3, $0x3;
	s3 =	sshll.u32 s3, $0x7;
	s0 =	ssub.s32 s0, s5  }
0xf: {  	s5 =	sadd.s32 $0x5200, s6;
	s4 =	sadd.s32 s4, s6;
	s1 =	sadd.s32 s1, s3  }
0x10: {  	s3 =	sadd.s32 $0x5000, s6;
	s7 =	smax.u32 s0, $0x1;
	[dreg:$0x3] =	wrdreg s1  }
0x11: {  	v2 =	vlaneseq.u32;
	s23 =	sadd.s32 $0x4C00, s4;
	s24 =	sadd.s32 $0x4E00, s4;
	s4 =	sadd.s32 $0x5100, s6  }
0x12: {  	vm0 =	vmmov $0xffff;
	v1 =	vshrl.u32 v2, $0x3;
	s6 =	sadd.s32 $0x5300, s6;
	s1 =	simm.s32 $0x7000;
	[dreg:$0x4] =	wrdreg s23  }
0x13: {  	v0 =	vand.u32 $0x7, v2;
	v2 =	vor.u32 $0x8, v2;
	v1 =	vmul.u32 $0x8, v1;
	[dreg:$0x5] =	wrdreg s24;
	s23 =	simm.s32 $0x3000;
	s24 =	simm.s32 $0x3800  }
.LBB2_1:
0x14: {  	s18 =	rddreg [dreg:$0x3]  }
0x15: {  	[tilespmem:s2], [sflag:$0x3] =	stream.linear.gather [hbm4b:s18+s2], $0x10000, $0x38;
	[tilespmem:$0x10100] =	vst v63  }
0x16: {  	_ =	swait.ge [sflag:s8], $0x10000  }
0x17: {  	s0 =	rddreg [dreg:$0x4];
	[sflag:s8] =	ssyncset.done $0x0  }
0x18: {  	s19 =	rddreg [dreg:$0x6];
	[sflag:s8] =	ssyncadd.s32 $0xFFFF0000  }
0x19: {  	[tilespmem:s19], [sflag:$0x3] =	stream.linear.gather [hbm4b:s0+s2], $0x40, $0x38;
	[tilespmem:$0x10100] =	vst v63  }
0x1a: {  	_ =	swait.ge [sflag:s8], $0x40  }
0x1b: {  	s19 =	rddreg [dreg:$0x5];
	[sflag:s8] =	ssyncset.done $0x0  }
0x1c: {  	s0 =	rddreg [dreg:$0x7];
	[sflag:s8] =	ssyncadd.s32 $0xFFFFFFC0  }
0x1d: {  	[tilespmem:s0], [sflag:$0x3] =	stream.linear.gather [hbm4b:s19+s2], $0x40, $0x38;
	[tilespmem:$0x10100] =	vst v63  }
0x1e: {  	_ =	swait.ge [sflag:s8], $0x40  }
0x1f: {  	[sflag:s8] =	ssyncset.done $0x0  }
0x20: {  	[sflag:s8] =	ssyncadd.s32 $0xFFFFFFC0  }
0x21: {  	v3 =	vld [tilespmem:$0x10000];
	_ =	sdelay $0x4  }
0x22: {  	v4 =	vshll.u32 v3, $0x3  }
0x23: {  	v3 =	vand.u32 $0x7, v3;
	v4 =	vand.u32 $0xFFFFFFC0, v4  }
0x24: {  	v3 =	vor.u32 v3, v4  }
0x25: {  	v4 =	vperm.xlane v3, v0;
	_ =	sdelay $0x1  }
0x26: {  	v4 =	vadd.s32 v1, v4;
	_ =	sdelay $0x4  }
0x27: {  	[hbm4b:s3+s2] =	stream.indirect_vreg.scatter [tilespmem:s2], [sflag:$0x1], $0x80, v4, vm0, $0xb8;
	[tilespmem:$0x10100] =	vst v63  }
0x28: {  	s18 =	simm.s32 $0x800;
	v3 =	vperm.xlane v3, v2  }
0x29: {  	[hbm4b:s4+s2] =	stream.indirect_vreg.scatter [tilespmem:s18], [sflag:$0x1], $0x80, v4, vm0, $0xb8;
	[tilespmem:$0x10100] =	vst v63  }
0x2a: {  	s19 =	simm.s32 $0x1000;
	v3 =	vadd.s32 v1, v3  }
0x2b: {  	[hbm4b:s5+s2] =	stream.indirect_vreg.scatter [tilespmem:s19], [sflag:$0x1], $0x80, v4, vm0, $0xb8;
	[tilespmem:$0x10100] =	vst v63  }
0x2c: {  	_ = 	snop  }
0x2d: {  	[hbm4b:s6+s2] =	stream.indirect_vreg.scatter [tilespmem:s20], [sflag:$0x1], $0x80, v4, vm0, $0xb8;
	[tilespmem:$0x10100] =	vst v63  }
0x2e: {  	_ = 	snop  }
0x2f: {  	[hbm4b:s3+s2] =	stream.indirect_vreg.scatter [tilespmem:s21], [sflag:$0x1], $0x80, v3, vm0, $0xb8;
	[tilespmem:$0x10100] =	vst v63  }
0x30: {  	_ = 	snop  }
0x31: {  	[hbm4b:s4+s2] =	stream.indirect_vreg.scatter [tilespmem:s22], [sflag:$0x1], $0x80, v3, vm0, $0xb8;
	[tilespmem:$0x10100] =	vst v63  }
0x32: {  	_ = 	snop  }
0x33: {  	[hbm4b:s5+s2] =	stream.indirect_vreg.scatter [tilespmem:s23], [sflag:$0x1], $0x80, v3, vm0, $0xb8;
	[tilespmem:$0x10100] =	vst v63  }
0x34: {  	_ = 	snop  }
0x35: {  	[hbm4b:s6+s2] =	stream.indirect_vreg.scatter [tilespmem:s24], [sflag:$0x1], $0x80, v3, vm0, $0xb8;
	[tilespmem:$0x10100] =	vst v63  }
0x36: {  	v3 =	vld [tilespmem:$0x10010];
	_ =	sdelay $0x4  }
0x37: {  	v57 =	vshll.u32 v3, $0x3  }
0x38: {  	v3 =	vand.u32 $0x7, v3;
	v4 =	vand.u32 $0xFFFFFFC0, v57  }
0x39: {  	v3 =	vor.u32 v3, v4  }
0x3a: {  	v4 =	vperm.xlane v3, v0;
	_ =	sdelay $0x1  }
0x3b: {  	v4 =	vadd.s32 v1, v4;
	_ =	sdelay $0x4  }
0x3c: {  	[hbm4b:s3+s2] =	stream.indirect_vreg.scatter [tilespmem:s25], [sflag:$0x1], $0x80, v4, vm0, $0xb8;
	[tilespmem:$0x10100] =	vst v63  }
0x3d: {  	v3 =	vperm.xlane v3, v2  }
0x3e: {  	[hbm4b:s4+s2] =	stream.indirect_vreg.scatter [tilespmem:s26], [sflag:$0x1], $0x80, v4, vm0, $0xb8;
	[tilespmem:$0x10100] =	vst v63  }
0x3f: {  	v3 =	vadd.s32 v1, v3  }
0x40: {  	[hbm4b:s5+s2] =	stream.indirect_vreg.scatter [tilespmem:s28], [sflag:$0x1], $0x80, v4, vm0, $0xb8;
	[tilespmem:$0x10100] =	vst v63  }
0x41: {  	_ = 	snop  }
0x42: {  	[hbm4b:s6+s2] =	stream.indirect_vreg.scatter [tilespmem:s29], [sflag:$0x1], $0x80, v4, vm0, $0xb8;
	[tilespmem:$0x10100] =	vst v63  }
0x43: {  	_ = 	snop  }
0x44: {  	[hbm4b:s3+s2] =	stream.indirect_vreg.scatter [tilespmem:s30], [sflag:$0x1], $0x80, v3, vm0, $0xb8;
	[tilespmem:$0x10100] =	vst v63  }
0x45: {  	_ = 	snop  }
0x46: {  	[hbm4b:s4+s2] =	stream.indirect_vreg.scatter [tilespmem:s31], [sflag:$0x1], $0x80, v3, vm0, $0xb8;
	[tilespmem:$0x10100] =	vst v63  }
0x47: {  	_ = 	snop  }
0x48: {  	[hbm4b:s5+s2] =	stream.indirect_vreg.scatter [tilespmem:s1], [sflag:$0x1], $0x80, v3, vm0, $0xb8;
	[tilespmem:$0x10100] =	vst v63  }
0x49: {  	s0 =	simm.s32 $0x7800  }
0x4a: {  	[hbm4b:s6+s2] =	stream.indirect_vreg.scatter [tilespmem:s0], [sflag:$0x1], $0x80, v3, vm0, $0xb8;
	[tilespmem:$0x10100] =	vst v63  }
0x4b: {  	v3 =	vld [tilespmem:$0x10020];
	_ =	sdelay $0x4  }
0x4c: {  	v58 =	vshll.u32 v3, $0x3  }
0x4d: {  	v3 =	vand.u32 $0x7, v3;
	v4 =	vand.u32 $0xFFFFFFC0, v58  }
0x4e: {  	v3 =	vor.u32 v3, v4  }
0x4f: {  	v4 =	vperm.xlane v3, v0;
	_ =	sdelay $0x1  }
0x50: {  	v4 =	vadd.s32 v1, v4;
	_ =	sdelay $0x4  }
0x51: {  	[hbm4b:s3+s2] =	stream.indirect_vreg.scatter [tilespmem:s9], [sflag:$0x1], $0x80, v4, vm0, $0xb8;
	[tilespmem:$0x10100] =	vst v63  }
0x52: {  	v3 =	vperm.xlane v3, v2  }
0x53: {  	[hbm4b:s4+s2] =	stream.indirect_vreg.scatter [tilespmem:s10], [sflag:$0x1], $0x80, v4, vm0, $0xb8;
	[tilespmem:$0x10100] =	vst v63  }
0x54: {  	v3 =	vadd.s32 v1, v3  }
0x55: {  	[hbm4b:s5+s2] =	stream.indirect_vreg.scatter [tilespmem:s11], [sflag:$0x1], $0x80, v4, vm0, $0xb8;
	[tilespmem:$0x10100] =	vst v63  }
0x56: {  	_ = 	snop  }
0x57: {  	[hbm4b:s6+s2] =	stream.indirect_vreg.scatter [tilespmem:s12], [sflag:$0x1], $0x80, v4, vm0, $0xb8;
	[tilespmem:$0x10100] =	vst v63  }
0x58: {  	_ = 	snop  }
0x59: {  	[hbm4b:s3+s2] =	stream.indirect_vreg.scatter [tilespmem:s13], [sflag:$0x1], $0x80, v3, vm0, $0xb8;
	[tilespmem:$0x10100] =	vst v63  }
0x5a: {  	_ = 	snop  }
0x5b: {  	[hbm4b:s4+s2] =	stream.indirect_vreg.scatter [tilespmem:s14], [sflag:$0x1], $0x80, v3, vm0, $0xb8;
	[tilespmem:$0x10100] =	vst v63  }
0x5c: {  	_ = 	snop  }
0x5d: {  	[hbm4b:s5+s2] =	stream.indirect_vreg.scatter [tilespmem:s15], [sflag:$0x1], $0x80, v3, vm0, $0xb8;
	[tilespmem:$0x10100] =	vst v63  }
0x5e: {  	_ = 	snop  }
0x5f: {  	[hbm4b:s6+s2] =	stream.indirect_vreg.scatter [tilespmem:s16], [sflag:$0x1], $0x80, v3, vm0, $0xb8;
	[tilespmem:$0x10100] =	vst v63  }
0x60: {  	v3 =	vld [tilespmem:$0x10030];
	_ =	sdelay $0x4  }
0x61: {  	v59 =	vshll.u32 v3, $0x3  }
0x62: {  	v3 =	vand.u32 $0x7, v3;
	v4 =	vand.u32 $0xFFFFFFC0, v59  }
0x63: {  	v3 =	vor.u32 v3, v4  }
0x64: {  	v4 =	vperm.xlane v3, v0;
	_ =	sdelay $0x1  }
0x65: {  	v4 =	vadd.s32 v1, v4;
	_ =	sdelay $0x4  }
0x66: {  	[hbm4b:s3+s2] =	stream.indirect_vreg.scatter [tilespmem:s17], [sflag:$0x1], $0x80, v4, vm0, $0xb8;
	[tilespmem:$0x10100] =	vst v63  }
0x67: {  	s0 =	simm.s32 $0xC800;
	v3 =	vperm.xlane v3, v2  }
0x68: {  	[hbm4b:s4+s2] =	stream.indirect_vreg.scatter [tilespmem:s0], [sflag:$0x1], $0x80, v4, vm0, $0xb8;
	[tilespmem:$0x10100] =	vst v63  }
0x69: {  	v3 =	vadd.s32 v1, v3;
	s0 =	simm.s32 $0xD000  }
0x6a: {  	[hbm4b:s5+s2] =	stream.indirect_vreg.scatter [tilespmem:s0], [sflag:$0x1], $0x80, v4, vm0, $0xb8;
	[tilespmem:$0x10100] =	vst v63  }
0x6b: {  	s0 =	simm.s32 $0xD800  }
0x6c: {  	[hbm4b:s6+s2] =	stream.indirect_vreg.scatter [tilespmem:s0], [sflag:$0x1], $0x80, v4, vm0, $0xb8;
	[tilespmem:$0x10100] =	vst v63  }
0x6d: {  	s0 =	simm.s32 $0xE000  }
0x6e: {  	[hbm4b:s3+s2] =	stream.indirect_vreg.scatter [tilespmem:s0], [sflag:$0x1], $0x80, v3, vm0, $0xb8;
	[tilespmem:$0x10100] =	vst v63  }
0x6f: {  	s0 =	simm.s32 $0xE800  }
0x70: {  	[hbm4b:s4+s2] =	stream.indirect_vreg.scatter [tilespmem:s0], [sflag:$0x1], $0x80, v3, vm0, $0xb8;
	[tilespmem:$0x10100] =	vst v63  }
0x71: {  	s0 =	simm.s32 $0xF000  }
0x72: {  	[hbm4b:s5+s2] =	stream.indirect_vreg.scatter [tilespmem:s0], [sflag:$0x1], $0x80, v3, vm0, $0xb8;
	[tilespmem:$0x10100] =	vst v63  }
0x73: {  	s0 =	simm.s32 $0xF800  }
0x74: {  	[hbm4b:s6+s2] =	stream.indirect_vreg.scatter [tilespmem:s0], [sflag:$0x1], $0x80, v3, vm0, $0xb8;
	[tilespmem:$0x10100] =	vst v63  }
0x75: {  	v3 =	vld [tilespmem:$0x10080];
	_ =	sdelay $0x4  }
0x76: {  	v60 =	vshll.u32 v3, $0x3  }
0x77: {  	v3 =	vand.u32 $0x7, v3;
	v4 =	vand.u32 $0xFFFFFFC0, v60  }
0x78: {  	v3 =	vor.u32 v3, v4  }
0x79: {  	v4 =	vperm.xlane v3, v0;
	_ =	sdelay $0x1  }
0x7a: {  	v4 =	vadd.s32 v1, v4;
	_ =	sdelay $0x4  }
0x7b: {  	[hbm4b:s3+s2] =	stream.indirect_vreg.scatter [tilespmem:s2], [sflag:$0x2], $0x80, v4, vm0, $0xb8;
	[tilespmem:$0x10100] =	vst v63  }
0x7c: {  	v3 =	vperm.xlane v3, v2  }
0x7d: {  	[hbm4b:s4+s2] =	stream.indirect_vreg.scatter [tilespmem:s18], [sflag:$0x2], $0x80, v4, vm0, $0xb8;
	[tilespmem:$0x10100] =	vst v63  }
0x7e: {  	v3 =	vadd.s32 v1, v3  }
0x7f: {  	[hbm4b:s5+s2] =	stream.indirect_vreg.scatter [tilespmem:s19], [sflag:$0x2], $0x80, v4, vm0, $0xb8;
	[tilespmem:$0x10100] =	vst v63  }
0x80: {  	_ = 	snop  }
0x81: {  	[hbm4b:s6+s2] =	stream.indirect_vreg.scatter [tilespmem:s20], [sflag:$0x2], $0x80, v4, vm0, $0xb8;
	[tilespmem:$0x10100] =	vst v63  }
0x82: {  	_ = 	snop  }
0x83: {  	[hbm4b:s3+s2] =	stream.indirect_vreg.scatter [tilespmem:s21], [sflag:$0x2], $0x80, v3, vm0, $0xb8;
	[tilespmem:$0x10100] =	vst v63  }
0x84: {  	_ = 	snop  }
0x85: {  	[hbm4b:s4+s2] =	stream.indirect_vreg.scatter [tilespmem:s22], [sflag:$0x2], $0x80, v3, vm0, $0xb8;
	[tilespmem:$0x10100] =	vst v63  }
0x86: {  	_ = 	snop  }
0x87: {  	[hbm4b:s5+s2] =	stream.indirect_vreg.scatter [tilespmem:s23], [sflag:$0x2], $0x80, v3, vm0, $0xb8;
	[tilespmem:$0x10100] =	vst v63  }
0x88: {  	_ = 	snop  }
0x89: {  	[hbm4b:s6+s2] =	stream.indirect_vreg.scatter [tilespmem:s24], [sflag:$0x2], $0x80, v3, vm0, $0xb8;
	[tilespmem:$0x10100] =	vst v63  }
0x8a: {  	v3 =	vld [tilespmem:$0x10090];
	_ =	sdelay $0x4  }
0x8b: {  	v61 =	vshll.u32 v3, $0x3  }
0x8c: {  	v3 =	vand.u32 $0x7, v3;
	v4 =	vand.u32 $0xFFFFFFC0, v61  }
0x8d: {  	v3 =	vor.u32 v3, v4  }
0x8e: {  	v4 =	vperm.xlane v3, v0;
	_ =	sdelay $0x1  }
0x8f: {  	v4 =	vadd.s32 v1, v4;
	_ =	sdelay $0x4  }
0x90: {  	[hbm4b:s3+s2] =	stream.indirect_vreg.scatter [tilespmem:s25], [sflag:$0x2], $0x80, v4, vm0, $0xb8;
	[tilespmem:$0x10100] =	vst v63  }
0x91: {  	v3 =	vperm.xlane v3, v2  }
0x92: {  	[hbm4b:s4+s2] =	stream.indirect_vreg.scatter [tilespmem:s26], [sflag:$0x2], $0x80, v4, vm0, $0xb8;
	[tilespmem:$0x10100] =	vst v63  }
0x93: {  	v3 =	vadd.s32 v1, v3  }
0x94: {  	[hbm4b:s5+s2] =	stream.indirect_vreg.scatter [tilespmem:s28], [sflag:$0x2], $0x80, v4, vm0, $0xb8;
	[tilespmem:$0x10100] =	vst v63  }
0x95: {  	_ = 	snop  }
0x96: {  	[hbm4b:s6+s2] =	stream.indirect_vreg.scatter [tilespmem:s29], [sflag:$0x2], $0x80, v4, vm0, $0xb8;
	[tilespmem:$0x10100] =	vst v63  }
0x97: {  	_ = 	snop  }
0x98: {  	[hbm4b:s3+s2] =	stream.indirect_vreg.scatter [tilespmem:s30], [sflag:$0x2], $0x80, v3, vm0, $0xb8;
	[tilespmem:$0x10100] =	vst v63  }
0x99: {  	_ = 	snop  }
0x9a: {  	[hbm4b:s4+s2] =	stream.indirect_vreg.scatter [tilespmem:s31], [sflag:$0x2], $0x80, v3, vm0, $0xb8;
	[tilespmem:$0x10100] =	vst v63  }
0x9b: {  	_ = 	snop  }
0x9c: {  	[hbm4b:s5+s2] =	stream.indirect_vreg.scatter [tilespmem:s1], [sflag:$0x2], $0x80, v3, vm0, $0xb8;
	[tilespmem:$0x10100] =	vst v63  }
0x9d: {  	s18 =	simm.s32 $0x7800  }
0x9e: {  	[hbm4b:s6+s2] =	stream.indirect_vreg.scatter [tilespmem:s18], [sflag:$0x2], $0x80, v3, vm0, $0xb8;
	[tilespmem:$0x10100] =	vst v63  }
0x9f: {  	v3 =	vld [tilespmem:$0x100A0];
	_ =	sdelay $0x4  }
0xa0: {  	v62 =	vshll.u32 v3, $0x3  }
0xa1: {  	v3 =	vand.u32 $0x7, v3;
	v4 =	vand.u32 $0xFFFFFFC0, v62  }
0xa2: {  	v3 =	vor.u32 v3, v4  }
0xa3: {  	v4 =	vperm.xlane v3, v0;
	_ =	sdelay $0x1  }
0xa4: {  	v4 =	vadd.s32 v1, v4;
	_ =	sdelay $0x4  }
0xa5: {  	[hbm4b:s3+s2] =	stream.indirect_vreg.scatter [tilespmem:s9], [sflag:$0x2], $0x80, v4, vm0, $0xb8;
	[tilespmem:$0x10100] =	vst v63  }
0xa6: {  	v3 =	vperm.xlane v3, v2  }
0xa7: {  	[hbm4b:s4+s2] =	stream.indirect_vreg.scatter [tilespmem:s10], [sflag:$0x2], $0x80, v4, vm0, $0xb8;
	[tilespmem:$0x10100] =	vst v63  }
0xa8: {  	v3 =	vadd.s32 v1, v3  }
0xa9: {  	[hbm4b:s5+s2] =	stream.indirect_vreg.scatter [tilespmem:s11], [sflag:$0x2], $0x80, v4, vm0, $0xb8;
	[tilespmem:$0x10100] =	vst v63  }
0xaa: {  	_ = 	snop  }
0xab: {  	[hbm4b:s6+s2] =	stream.indirect_vreg.scatter [tilespmem:s12], [sflag:$0x2], $0x80, v4, vm0, $0xb8;
	[tilespmem:$0x10100] =	vst v63  }
0xac: {  	_ = 	snop  }
0xad: {  	[hbm4b:s3+s2] =	stream.indirect_vreg.scatter [tilespmem:s13], [sflag:$0x2], $0x80, v3, vm0, $0xb8;
	[tilespmem:$0x10100] =	vst v63  }
0xae: {  	_ = 	snop  }
0xaf: {  	[hbm4b:s4+s2] =	stream.indirect_vreg.scatter [tilespmem:s14], [sflag:$0x2], $0x80, v3, vm0, $0xb8;
	[tilespmem:$0x10100] =	vst v63  }
0xb0: {  	_ = 	snop  }
0xb1: {  	[hbm4b:s5+s2] =	stream.indirect_vreg.scatter [tilespmem:s15], [sflag:$0x2], $0x80, v3, vm0, $0xb8;
	[tilespmem:$0x10100] =	vst v63  }
0xb2: {  	_ = 	snop  }
0xb3: {  	[hbm4b:s6+s2] =	stream.indirect_vreg.scatter [tilespmem:s16], [sflag:$0x2], $0x80, v3, vm0, $0xb8;
	[tilespmem:$0x10100] =	vst v63  }
0xb4: {  	v3 =	vld [tilespmem:$0x100B0];
	_ =	sdelay $0x4  }
0xb5: {  	v63 =	vshll.u32 v3, $0x3  }
0xb6: {  	v3 =	vand.u32 $0x7, v3;
	v4 =	vand.u32 $0xFFFFFFC0, v63  }
0xb7: {  	v3 =	vor.u32 v3, v4  }
0xb8: {  	v4 =	vperm.xlane v3, v0;
	_ =	sdelay $0x1  }
0xb9: {  	v4 =	vadd.s32 v1, v4;
	_ =	sdelay $0x4  }
0xba: {  	[hbm4b:s3+s2] =	stream.indirect_vreg.scatter [tilespmem:s17], [sflag:$0x2], $0x80, v4, vm0, $0xb8;
	[tilespmem:$0x10100] =	vst v63  }
0xbb: {  	s19 =	simm.s32 $0xC800;
	v3 =	vperm.xlane v3, v2  }
0xbc: {  	[hbm4b:s4+s2] =	stream.indirect_vreg.scatter [tilespmem:s19], [sflag:$0x2], $0x80, v4, vm0, $0xb8;
	[tilespmem:$0x10100] =	vst v63  }
0xbd: {  	s18 =	simm.s32 $0xD000;
	v3 =	vadd.s32 v1, v3  }
0xbe: {  	[hbm4b:s5+s2] =	stream.indirect_vreg.scatter [tilespmem:s18], [sflag:$0x2], $0x80, v4, vm0, $0xb8;
	[tilespmem:$0x10100] =	vst v63  }
0xbf: {  	s19 =	simm.s32 $0xD800  }
0xc0: {  	[hbm4b:s6+s2] =	stream.indirect_vreg.scatter [tilespmem:s19], [sflag:$0x2], $0x80, v4, vm0, $0xb8;
	[tilespmem:$0x10100] =	vst v63  }
0xc1: {  	s18 =	simm.s32 $0xE000  }
0xc2: {  	[hbm4b:s3+s2] =	stream.indirect_vreg.scatter [tilespmem:s18], [sflag:$0x2], $0x80, v3, vm0, $0xb8;
	[tilespmem:$0x10100] =	vst v63  }
0xc3: {  	s19 =	simm.s32 $0xE800  }
0xc4: {  	[hbm4b:s4+s2] =	stream.indirect_vreg.scatter [tilespmem:s19], [sflag:$0x2], $0x80, v3, vm0, $0xb8;
	[tilespmem:$0x10100] =	vst v63  }
0xc5: {  	s18 =	simm.s32 $0xF000  }
0xc6: {  	[hbm4b:s5+s2] =	stream.indirect_vreg.scatter [tilespmem:s18], [sflag:$0x2], $0x80, v3, vm0, $0xb8;
	[tilespmem:$0x10100] =	vst v63  }
0xc7: {  	s19 =	simm.s32 $0xF800;
	s18 =	simm.s32 $0x1  }
0xc8: {  	[hbm4b:s6+s2] =	stream.indirect_vreg.scatter [tilespmem:s19], [sflag:$0x2], $0x80, v3, vm0, $0xb8;
	[tilespmem:$0x10100] =	vst v63  }
0xc9: {  	p0 =	sne.s32 s7, $0x1;
	_ =	swait.ge [sflag:s18], $0x10000  }
.Ltmp0:
0xca: {  	[sflag:s18] =	ssyncset.done $0x0;
	(pc) =	sbr.rel @p0 .LBB2_1-.Ltmp0, $4  }
0xcb: {  	s19 =	simm.s32 $0x2;
	[sflag:s18] =	ssyncadd.s32 $0xFFFF0000  }
0xcc: {  	_ =	swait.ge [sflag:s19], $0x10000  }
0xcd: {  	[sflag:s19] =	ssyncset.done $0x0  }
0xce: {  	s7 =	sadd.s32 $0xFFFFFFFF, s7;
	[sflag:s19] =	ssyncadd.s32 $0xFFFF0000  }
0xcf: {  	_ =	sfence.sel $0x180000  }
0xd0: {  	[bflag:$0x0] =	sbarrier.arrive $0xFFFF  }
0xd1: {  	_ =	strace $0x90000047  }
0xd2: {  	s0 =	stileid.u32;
	[bflag:$0x2] =	sbarrier.arrive $0xFFFF  }
0xd3: {  	p0 =	sne.s32 s0, $0x0;
	s0 =	rddreg [dreg:$0x2]  }
0xd4: {  	s0 =	sadd.s32 @!p0 $0x100000, s0  }
0xd5: {  	[sflag:s0] =	ssyncadd.tile.s32 @!p0 $0x1;
	_ =	shalt  }
.Lfunc_end2:
_tile_overlayer_lowered:
.L_overlay_start_2:
0xd6: {  	(tag) =	ssettag $0x2  }
0xd7: {  	s0 =	rddreg [dreg:$0x0];
	s2 =	stileid.u32  }
0xd8: {  	s1 =	rddreg [dreg:$0x1];
	p0 =	sne.s32 s2, $0x0  }
0xd9: {  	s3 =	rddreg [dreg:$0x2];
	[bflag:$0x3] =	sbarrier.arrive $0xFFFF;
	s2 =	simm.s32 @!p0 $0x1C03  }
0xda: {  	[timem:s3], [sflag:s2] =	dma.local @!p0 [hbm:s0], s1  }
0xdb: {  	s0 =	simm.s32 @!p0 $0x3  }
0xdc: {  	_ =	swait.ge @!p0 [sflag:s0], s1  }
0xdd: {  	s1 =	ssub.s32 @!p0 $0x0, s1;
	[sflag:s0] =	ssyncset.done @!p0 $0x0  }
0xde: {  	[sflag:s0] =	ssyncadd.s32 @!p0 s1  }
0xdf: {  	[bflag:$0x3] =	sbarrier.arrive $0xFFFF  }
0xe0: {  	_ =	shalt  }

// kernel: _run.13.cloned.1.call-start
scs
__scs_entry_jumppad:
0x0: {  	(pc) =	sbr.rel $0x88, $3  }
0x1: {  	(tag) =	ssettag $0x0;
	lr =	simm.s32 $0x1  }
0x2: {  	[smem:$0x3F91] =	sst lr;
	_ =	strace $0xD0000000  }
0x3: {  	_ = 	snop  }
0x4: {  	_ = 	snop  }
0x5: {  	_ = 	snop  }
0x6: {  	_ = 	snop  }
0x7: {  	_ = 	snop  }
__scs_overlays_trampoline_lowered:
0x8: {  	[smem:$0x3FA0] =	sst s0  }
0x9: {  	[smem:$0x3FA1] =	sst s1  }
0xa: {  	[smem:$0x3FA2] =	sst s2  }
0xb: {  	[smem:$0x3FA3] =	sst s3  }
0xc: {  	[smem:$0x3FA4] =	sst s4  }
0xd: {  	[smem:$0x3FA5] =	sst s5  }
0xe: {  	[smem:$0x3FA6] =	sst s6  }
0xf: {  	[smem:$0x3FA7] =	sst s7  }
0x10: {  	[smem:$0x3FA8] =	sst s8  }
0x11: {  	[smem:$0x3FA9] =	sst s9;
	s0 =	simm.s32 @!p0 $0x0  }
0x12: {  	s1 =	sld [smem:$0x3F8F];
	s0 =	simm.s32 @p0 $0x1  }
0x13: {  	[smem:$0x3FAA] =	sst s0;
	s0 =	simm.s32 @!p1 $0x0  }
0x14: {  	s2 =	sld [smem:$0x3F8E];
	s0 =	simm.s32 @p1 $0x1  }
0x15: {  	[smem:$0x3FAB] =	sst s0;
	s0 =	simm.s32 @!p2 $0x0  }
0x16: {  	s3 =	sld [smem:$0x3FDB];
	s0 =	simm.s32 @p2 $0x1  }
0x17: {  	s4 =	simm.s32 $0x1BF5;
	[smem:$0x3FAD] =	sst s0  }
0x18: {  	s0 =	sld [smem:$0x3F90];
	_ =	swait.ge [sflag:s4], $0x0  }
0x19: {  	s7 =	sld [smem:$0x3F91]  }
0x1a: {  	s8 =	sadd.s32 $0xFFFFE003, lr  }
0x1b: {  	s9 =	sadd.s32 $0xFFFFFEF7, lr;
	s5 =	simm.s32 $0xFFFFFFFF;
	p2 =	slt.u32 s8, $0xFFFFF086  }
0x1c: {  	p1 =	slt.u32 s9, $0xF7A;
	s5 =	simm.s32 @!p2 $0x0  }
0x1d: {  	s5 =	simm.s32 @p1 $0x1;
	p0 =	seq.s32 s7, s2  }
0x1e: {  	s7 =	smul.u32 @!p0 $0xF7A, s2;
	p2 =	seq.s32 @!p0 s5, $0x0  }
0x1f: {  	s9 =	smul.u32 $0xF7A, s1;
	s8 =	simm.s32 @!p0 $0x1BF5;
	p2 =	por !p2, p0  }
0x20: {  	[sflag:s8] =	ssyncset.s32 @!p0 $0xFFFFF086;
	s6 =	sadd.s32 @!p0 s3, s7;
	s7 =	simm.s32 @!p0 $0x108  }
0x21: {  	s3 =	sadd.s32 s3, s9;
	s6 =	sadd.s32 @!p0 $0x88, s6;
	s7 =	simm.s32 @p2 $0x1082  }
0x22: {  	[simem:s7], [sflag:s8] =	dma.local @!p0 [hbm:s6], $0xF7A  }
0x23: {  	s9 =	sor.u32 $0xD0000000, s2;
	s6 =	simm.s32 $0x108;
	_ =	swait.ge @!p0 [sflag:s8], $0x0  }
0x24: {  	s3 =	sadd.s32 $0x88, s3;
	s6 =	simm.s32 @!p1 $0x1082;
	[sflag:s4] =	ssyncset.s32 $0xFFFFF086  }
0x25: {  	[simem:s6], [sflag:s4] =	dma.local [hbm:s3], $0xF7A  }
0x26: {  	[smem:$0x3F91] =	sst s1;
	(tag) =	ssettag s2;
	_ =	strace s9  }
0x27: {  	s1 =	sld [smem:$0x3FA1]  }
0x28: {  	s2 =	sld [smem:$0x3FA2]  }
0x29: {  	s4 =	sld [smem:$0x3FA4]  }
0x2a: {  	p0 =	seq.s32 s5, $0x0;
	s5 =	sld [smem:$0x3FA5]  }
0x2b: {  	s6 =	sld [smem:$0x3FA6]  }
0x2c: {  	s7 =	sld [smem:$0x3FA7]  }
0x2d: {  	s3 =	simm.s32 $0x108;
	s8 =	sld [smem:$0x3FA8]  }
0x2e: {  	s3 =	simm.s32 @!p0 $0x1082;
	s9 =	sld [smem:$0x3FA9]  }
0x2f: {  	lr =	sadd.s32 s0, s3;
	s0 =	sld [smem:$0x3FA0]  }
0x30: {  	s3 =	sld [smem:$0x3FA3]  }
0x31: {  	[smem:$0x3FAC] =	sst s10  }
0x32: {  	s10 =	sld [smem:$0x3FAA];
	_ =	sdelay $0x3  }
0x33: {  	p0 =	seq.s32 s10, $0x1;
	s10 =	sld [smem:$0x3FAC];
	_ =	sdelay $0x3  }
0x34: {  	[smem:$0x3FAC] =	sst s10  }
0x35: {  	s10 =	sld [smem:$0x3FAB];
	_ =	sdelay $0x3  }
0x36: {  	p1 =	seq.s32 s10, $0x1;
	s10 =	sld [smem:$0x3FAC];
	_ =	sdelay $0x3  }
0x37: {  	[smem:$0x3FAC] =	sst s10  }
0x38: {  	s10 =	sld [smem:$0x3FAD]  }
0x39: {  	_ = 	snop;
	(pc) =	sbr.ind lr, $3  }
0x3a: {  	_ = 	snop  }
0x3b: {  	_ = 	snop  }
0x3c: {  	p2 =	seq.s32 s10, $0x1;
	s10 =	sld [smem:$0x3FAC]  }
0x3d: {  	_ =	shalt  }
0x3e: {  	_ =	shalt  }
0x3f: {  	_ =	shalt  }
0x40: {  	_ =	shalt  }
0x41: {  	_ =	shalt  }
0x42: {  	_ =	shalt  }
0x43: {  	_ =	shalt  }
0x44: {  	_ =	shalt  }
0x45: {  	_ =	shalt  }
0x46: {  	_ =	shalt  }
0x47: {  	_ =	shalt  }
0x48: {  	_ =	shalt  }
0x49: {  	_ =	shalt  }
0x4a: {  	_ =	shalt  }
0x4b: {  	_ =	shalt  }
0x4c: {  	_ =	shalt  }
0x4d: {  	_ =	shalt  }
0x4e: {  	_ =	shalt  }
0x4f: {  	_ =	shalt  }
0x50: {  	_ =	shalt  }
0x51: {  	_ =	shalt  }
0x52: {  	_ =	shalt  }
0x53: {  	_ =	shalt  }
0x54: {  	_ =	shalt  }
0x55: {  	_ =	shalt  }
0x56: {  	_ =	shalt  }
0x57: {  	_ =	shalt  }
0x58: {  	_ =	shalt  }
0x59: {  	_ =	shalt  }
0x5a: {  	_ =	shalt  }
0x5b: {  	_ =	shalt  }
0x5c: {  	_ =	shalt  }
0x5d: {  	_ =	shalt  }
0x5e: {  	_ =	shalt  }
0x5f: {  	_ =	shalt  }
0x60: {  	_ =	shalt  }
0x61: {  	_ =	shalt  }
0x62: {  	_ =	shalt  }
0x63: {  	_ =	shalt  }
0x64: {  	_ =	shalt  }
0x65: {  	_ =	shalt  }
0x66: {  	_ =	shalt  }
0x67: {  	_ =	shalt  }
0x68: {  	_ =	shalt  }
0x69: {  	_ =	shalt  }
0x6a: {  	_ =	shalt  }
0x6b: {  	_ =	shalt  }
0x6c: {  	_ =	shalt  }
0x6d: {  	_ =	shalt  }
0x6e: {  	_ =	shalt  }
0x6f: {  	_ =	shalt  }
0x70: {  	_ =	shalt  }
0x71: {  	_ =	shalt  }
0x72: {  	_ =	shalt  }
0x73: {  	_ =	shalt  }
0x74: {  	_ =	shalt  }
0x75: {  	_ =	shalt  }
0x76: {  	_ =	shalt  }
0x77: {  	_ =	shalt  }
0x78: {  	_ =	shalt  }
0x79: {  	_ =	shalt  }
0x7a: {  	_ =	shalt  }
0x7b: {  	_ =	shalt  }
0x7c: {  	_ =	shalt  }
0x7d: {  	_ =	shalt  }
0x7e: {  	_ =	shalt  }
0x7f: {  	_ =	shalt  }
0x80: {  	_ =	shalt  }
0x81: {  	_ =	shalt  }
0x82: {  	_ =	shalt  }
0x83: {  	_ =	shalt  }
0x84: {  	_ =	shalt  }
0x85: {  	_ =	shalt  }
0x86: {  	_ =	shalt  }
0x87: {  	_ =	shalt  }
.Lfunc_end0:
.L_simem_size_0:
called_computation.1_lowered:
.L_overlay_start_0:
0x88: {  	s2 =	sld [smem:$0x3FD9]  }
0x89: {  	s3 =	sld [smem:$0x3FFE];
	_ =	sdelay $0x1  }
0x8a: {  	s1 =	srdreg.scid  }
0x8b: {  	s0 =	sand.u32 $0x1, s1  }
0x8c: {  	s16 =	sshll.u32 s0, $0xA;
	s2 =	sadd.s32 s3, s2  }
0x8d: {  	s2 =	sadd.s32 s2, s16  }
0x8e: {  	[smem:$0x3FB8] =	sst s2  }
0x8f: {  	_ = 	snop  }
0x90: {  	(tm) =	ssettm $0x1  }
0x91: {  	s17 =	sld [smem:$0x3FFB];
	_ =	sdelay $0x3  }
0x92: {  	_ =	strace s17  }
0x93: {  	s2 =	sld [smem:$0x3FFC];
	_ =	sdelay $0x3  }
0x94: {  	_ =	strace s2  }
0x95: {  	s2 =	sld [smem:$0x3FFD];
	_ =	sdelay $0x3  }
0x96: {  	_ =	strace s2  }
0x97: {  	_ =	strace $0x8FFFFFFF  }
0x98: {  	s18 =	sld [smem:$0x3FDB];
	_ =	sdelay $0x1  }
0x99: {  	s19 =	simm.s32 $_scs_section_size  }
0x9a: {  	s4 =	simm.s32 $_size__tile_overlayer_lowered;
	s5 =	simm.s32 $_tile_overlayer_lowered  }
0x9b: {  	s22 =	simm.s32 $0x1BFF;
	s21 =	sshll.u32 s5, $0x1;
	s2 =	sadd.s32 s19, s18  }
0x9c: {  	s6 =	simm.s32 $0x0;
	s20 =	sshll.u32 s4, $0x1;
	s4 =	sadd.s32 s21, s2  }
0x9d: {  	[timem:s6], [sflag:s22] =	dma.local [hbm:s4], s20  }
0x9e: {  	_ =	swait.ge [sflag:s22], s20  }
0x9f: {  	s3 =	ssub.s32 $0x0, s20;
	[sflag:s22] =	ssyncset.done $0x0  }
0xa0: {  	[sflag:s22] =	ssyncadd.s32 s3;
	_ =	sdelay $0x1  }
0xa1: {  	s23 =	simm.s32 $0x1B8B  }
0xa2: {  	_ =	swait.ge [sflag:s23], $0x1  }
0xa3: {  	[sflag:s23] =	ssyncset.done $0x0  }
0xa4: {  	s25 =	simm.s32 $0x1B8E;
	s24 =	sld [smem:$0x3FFE];
	[sflag:s23] =	ssyncadd.s32 $0xFFFFFFFF  }
0xa5: {  	s26 =	simm.s32 $execute0_lowered;
	[smem:$0x3FD2] =	sst s25  }
0xa6: {  	s4 =	sshll.u32 s26, $0x1;
	_ =	strace $0x80000049;
	[dreg:$0x1] =	wrdreg $0xFFFFFFFF  }
0xa7: {  	s28 =	simm.s32 $_size_execute0_lowered;
	s2 =	sadd.s32 s2, s4;
	[dreg:$0x0] =	wrdreg $0x0  }
0xa8: {  	s4 =	sshll.u32 s28, $0x1;
	[dreg:$0x2] =	wrdreg s2  }
0xa9: {  	[dreg:$0x3] =	wrdreg s4  }
0xaa: {  	[dreg:$0x4] =	wrdreg $0xC0  }
0xab: {  	_ =	task [dreg:s6], $0x5FFFF  }
0xac: {  	[dreg:$0x1] =	wrdreg $0xFFFFFFFF  }
0xad: {  	[dreg:$0x0] =	wrdreg $0x60  }
0xae: {  	[dreg:$0x2] =	wrdreg s24  }
0xaf: {  	[dreg:$0x3] =	wrdreg $0x9  }
0xb0: {  	_ =	task.clear_ibuf [dreg:s6], $0x4FFFF;
	_ =	strace $0x90000049  }
0xb1: {  	s29 =	simm.s32 $0x9;
	_ =	strace $0x8000004B  }
0xb2: {  	_ =	swait.ge [sflag:s29], $0x1  }
0xb3: {  	[sflag:s29] =	ssyncadd.s32 $0xFFFFFFFF  }
0xb4: {  	_ =	strace $0x9000004B  }
0xb5: {  	_ =	sfence  }
0xb6: {  	s30 =	sld [smem:$0x0];
	_ =	sdelay $0x2  }
0xb7: {  	s31 =	sshll.u32 s1, $0xD;
	s1 =	sshrl.u32 s1, $0x2  }
0xb8: {  	s3 =	sand.u32 $0x4000, s31;
	s1 =	sadd.s32 s1, s30  }
0xb9: {  	s0 =	sor.u32 s3, s0;
	s1 =	sshll.u32 s1, $0x11  }
0xba: {  	s0 =	sor.u32 s1, s0  }
0xbb: {  	s0 =	sadd.s32 $0x8F2B, s0  }
0xbc: {  	[sflag:s0] =	ssyncadd.remote.s32 $0x1  }
0xbd: {  	_ =	sfence.sel $0xFFFF  }
0xbe: {  	[dreg:$0x0] =	wrdreg $0xFFFFFFFF;
	(pc) =	sbr.abs _section_cstart, $3  }
0xbf: {  	[dreg:$0x1] =	wrdreg $0xFFFFFFFF  }
0xc0: {  	_ =	task.clear_ibuf [dreg:s6], $0x2FFFF;
	_ =	strace $0x9FFFFFFF  }
0xc1: {  	(tm) =	ssettm $0x7FFFFFFF  }
tec
execute0_lowered:
.L_overlay_start_1:
0x0: {  	(tag) =	ssettag $0x1  }
0x1: {  	s0 =	srdreg.scid;
	s2 =	stileid.u32  }
0x2: {  	s1 =	rddreg [dreg:$0x0];
	s25 =	simm.s32 $0x10000;
	s26 =	simm.s32 $0x10080  }
0x3: {  	s16 =	simm.s32 $0x1;
	s19 =	simm.s32 $0x1000;
	s20 =	simm.s32 $0x1800  }
0x4: {  	s21 =	simm.s32 $0x2000;
	s22 =	simm.s32 $0x2800;
	s28 =	simm.s32 $0x5000  }
0x5: {  	s29 =	simm.s32 $0x5800;
	s30 =	simm.s32 $0x6000;
	s31 =	simm.s32 $0x6800  }
0x6: {  	s9 =	simm.s32 $0x8000;
	s10 =	simm.s32 $0x8800;
	s11 =	simm.s32 $0x9000  }
0x7: {  	s12 =	simm.s32 $0x9800;
	s13 =	simm.s32 $0xA000;
	s14 =	simm.s32 $0xA800  }
0x8: {  	s0 =	sand.u32 $0x1, s0;
	s3 =	sshll.u32 s2, $0x7;
	s2 =	simm.s32 $0x0  }
0x9: {  	s15 =	simm.s32 $0xB000;
	s4 =	sshll.u32 s0, $0x6;
	[smem:$0x7FF] =	sst s2  }
0xa: {  	s0 =	ssub.s32 $0x2, s0;
	s4 =	sor.u32 s4, s3;
	_ =	strace $0x8000004A  }
0xb: {  	s3 =	sadd.s32 $0xC5000, s1;
	s7 =	sshrl.u32 s0, $0x1;
	[dreg:$0x6] =	wrdreg s25  }
0xc: {  	[dreg:$0x7] =	wrdreg s26;
	s25 =	simm.s32 $0x4000;
	s5 =	sshrl.u32 s4, $0x3  }
0xd: {  	s26 =	simm.s32 $0x4800;
	s4 =	sshll.u32 s4, $0x7;
	s5 =	sadd.s32 s5, s1  }
0xe: {  	s0 =	ssub.s32 s0, s7;
	s8 =	sadd.s32 s4, s1;
	s6 =	sadd.s32 $0x4C00, s5  }
0xf: {  	s4 =	sadd.s32 $0xC5100, s1;
	s5 =	sadd.s32 $0x4E00, s5;
	[dreg:$0x2] =	wrdreg s6  }
0x10: {  	s7 =	smax.u32 s0, $0x1;
	s23 =	sadd.s32 $0x5000, s8;
	[dreg:$0x3] =	wrdreg s5  }
0x11: {  	v2 =	vlaneseq.u32;
	s24 =	sadd.s32 $0x45000, s8;
	s8 =	simm.s32 $0x2;
	[dreg:$0x4] =	wrdreg s23  }
0x12: {  	vm0 =	vmmov $0xffff;
	v1 =	vshrl.u32 v2, $0x3;
	s5 =	sadd.s32 $0xC5200, s1;
	s6 =	sadd.s32 $0xC5300, s1;
	[dreg:$0x5] =	wrdreg s24  }
0x13: {  	v0 =	vand.u32 $0x7, v2;
	v2 =	vor.u32 $0x8, v2;
	v1 =	vmul.u32 $0x8, v1;
	s23 =	simm.s32 $0x3000;
	s24 =	simm.s32 $0x3800;
	s1 =	simm.s32 $0x7000  }
.LBB2_1:
0x14: {  	s17 =	rddreg [dreg:$0x2]  }
0x15: {  	s18 =	rddreg [dreg:$0x6]  }
0x16: {  	[tilespmem:s18], [sflag:$0x2] =	stream.linear.gather [hbm4b:s17+s2], $0x40, $0x38;
	[tilespmem:$0x10100] =	vst v63  }
0x17: {  	_ =	swait.ge [sflag:s8], $0x40  }
0x18: {  	s18 =	rddreg [dreg:$0x3];
	[sflag:s8] =	ssyncset.done $0x0  }
0x19: {  	s0 =	rddreg [dreg:$0x7];
	[sflag:s8] =	ssyncadd.s32 $0xFFFFFFC0  }
0x1a: {  	[tilespmem:s0], [sflag:$0x2] =	stream.linear.gather [hbm4b:s18+s2], $0x40, $0x38;
	[tilespmem:$0x10100] =	vst v63  }
0x1b: {  	_ =	swait.ge [sflag:s8], $0x40  }
0x1c: {  	[sflag:s8] =	ssyncset.done $0x0  }
0x1d: {  	[sflag:s8] =	ssyncadd.s32 $0xFFFFFFC0  }
0x1e: {  	v3 =	vld [tilespmem:$0x10000];
	_ =	sdelay $0x4  }
0x1f: {  	v4 =	vshll.u32 v3, $0x3  }
0x20: {  	v3 =	vand.u32 $0x7, v3;
	v4 =	vand.u32 $0xFFFFFFC0, v4  }
0x21: {  	v3 =	vor.u32 v3, v4  }
0x22: {  	v4 =	vperm.xlane v3, v0;
	_ =	sdelay $0x1  }
0x23: {  	v4 =	vadd.s32 v1, v4;
	_ =	sdelay $0x4  }
0x24: {  	[tilespmem:s2], [sflag:$0x1] =	stream.indirect_vreg.gather [hbm4b:s3+s2], $0x80, v4, vm0, $0xb8;
	[tilespmem:$0x10100] =	vst v63  }
0x25: {  	s18 =	simm.s32 $0x800;
	v3 =	vperm.xlane v3, v2  }
0x26: {  	[tilespmem:s18], [sflag:$0x1] =	stream.indirect_vreg.gather [hbm4b:s4+s2], $0x80, v4, vm0, $0xb8;
	[tilespmem:$0x10100] =	vst v63  }
0x27: {  	v3 =	vadd.s32 v1, v3  }
0x28: {  	[tilespmem:s19], [sflag:$0x1] =	stream.indirect_vreg.gather [hbm4b:s5+s2], $0x80, v4, vm0, $0xb8;
	[tilespmem:$0x10100] =	vst v63  }
0x29: {  	_ = 	snop  }
0x2a: {  	[tilespmem:s20], [sflag:$0x1] =	stream.indirect_vreg.gather [hbm4b:s6+s2], $0x80, v4, vm0, $0xb8;
	[tilespmem:$0x10100] =	vst v63  }
0x2b: {  	_ = 	snop  }
0x2c: {  	[tilespmem:s21], [sflag:$0x1] =	stream.indirect_vreg.gather [hbm4b:s3+s2], $0x80, v3, vm0, $0xb8;
	[tilespmem:$0x10100] =	vst v63  }
0x2d: {  	_ = 	snop  }
0x2e: {  	[tilespmem:s22], [sflag:$0x1] =	stream.indirect_vreg.gather [hbm4b:s4+s2], $0x80, v3, vm0, $0xb8;
	[tilespmem:$0x10100] =	vst v63  }
0x2f: {  	_ = 	snop  }
0x30: {  	[tilespmem:s23], [sflag:$0x1] =	stream.indirect_vreg.gather [hbm4b:s5+s2], $0x80, v3, vm0, $0xb8;
	[tilespmem:$0x10100] =	vst v63  }
0x31: {  	_ = 	snop  }
0x32: {  	[tilespmem:s24], [sflag:$0x1] =	stream.indirect_vreg.gather [hbm4b:s6+s2], $0x80, v3, vm0, $0xb8;
	[tilespmem:$0x10100] =	vst v63  }
0x33: {  	v3 =	vld [tilespmem:$0x10010];
	_ =	sdelay $0x4  }
0x34: {  	v57 =	vshll.u32 v3, $0x3  }
0x35: {  	v3 =	vand.u32 $0x7, v3;
	v4 =	vand.u32 $0xFFFFFFC0, v57  }
0x36: {  	v3 =	vor.u32 v3, v4  }
0x37: {  	v4 =	vperm.xlane v3, v0;
	_ =	sdelay $0x1  }
0x38: {  	v4 =	vadd.s32 v1, v4;
	_ =	sdelay $0x4  }
0x39: {  	[tilespmem:s25], [sflag:$0x1] =	stream.indirect_vreg.gather [hbm4b:s3+s2], $0x80, v4, vm0, $0xb8;
	[tilespmem:$0x10100] =	vst v63  }
0x3a: {  	v3 =	vperm.xlane v3, v2  }
0x3b: {  	[tilespmem:s26], [sflag:$0x1] =	stream.indirect_vreg.gather [hbm4b:s4+s2], $0x80, v4, vm0, $0xb8;
	[tilespmem:$0x10100] =	vst v63  }
0x3c: {  	v3 =	vadd.s32 v1, v3  }
0x3d: {  	[tilespmem:s28], [sflag:$0x1] =	stream.indirect_vreg.gather [hbm4b:s5+s2], $0x80, v4, vm0, $0xb8;
	[tilespmem:$0x10100] =	vst v63  }
0x3e: {  	_ = 	snop  }
0x3f: {  	[tilespmem:s29], [sflag:$0x1] =	stream.indirect_vreg.gather [hbm4b:s6+s2], $0x80, v4, vm0, $0xb8;
	[tilespmem:$0x10100] =	vst v63  }
0x40: {  	_ = 	snop  }
0x41: {  	[tilespmem:s30], [sflag:$0x1] =	stream.indirect_vreg.gather [hbm4b:s3+s2], $0x80, v3, vm0, $0xb8;
	[tilespmem:$0x10100] =	vst v63  }
0x42: {  	_ = 	snop  }
0x43: {  	[tilespmem:s31], [sflag:$0x1] =	stream.indirect_vreg.gather [hbm4b:s4+s2], $0x80, v3, vm0, $0xb8;
	[tilespmem:$0x10100] =	vst v63  }
0x44: {  	_ = 	snop  }
0x45: {  	[tilespmem:s1], [sflag:$0x1] =	stream.indirect_vreg.gather [hbm4b:s5+s2], $0x80, v3, vm0, $0xb8;
	[tilespmem:$0x10100] =	vst v63  }
0x46: {  	s0 =	simm.s32 $0x7800  }
0x47: {  	[tilespmem:s0], [sflag:$0x1] =	stream.indirect_vreg.gather [hbm4b:s6+s2], $0x80, v3, vm0, $0xb8;
	[tilespmem:$0x10100] =	vst v63  }
0x48: {  	v3 =	vld [tilespmem:$0x10020];
	_ =	sdelay $0x4  }
0x49: {  	v58 =	vshll.u32 v3, $0x3  }
0x4a: {  	v3 =	vand.u32 $0x7, v3;
	v4 =	vand.u32 $0xFFFFFFC0, v58  }
0x4b: {  	v3 =	vor.u32 v3, v4  }
0x4c: {  	v4 =	vperm.xlane v3, v0;
	_ =	sdelay $0x1  }
0x4d: {  	v4 =	vadd.s32 v1, v4;
	_ =	sdelay $0x4  }
0x4e: {  	[tilespmem:s9], [sflag:$0x1] =	stream.indirect_vreg.gather [hbm4b:s3+s2], $0x80, v4, vm0, $0xb8;
	[tilespmem:$0x10100] =	vst v63  }
0x4f: {  	v3 =	vperm.xlane v3, v2  }
0x50: {  	[tilespmem:s10], [sflag:$0x1] =	stream.indirect_vreg.gather [hbm4b:s4+s2], $0x80, v4, vm0, $0xb8;
	[tilespmem:$0x10100] =	vst v63  }
0x51: {  	v3 =	vadd.s32 v1, v3  }
0x52: {  	[tilespmem:s11], [sflag:$0x1] =	stream.indirect_vreg.gather [hbm4b:s5+s2], $0x80, v4, vm0, $0xb8;
	[tilespmem:$0x10100] =	vst v63  }
0x53: {  	_ = 	snop  }
0x54: {  	[tilespmem:s12], [sflag:$0x1] =	stream.indirect_vreg.gather [hbm4b:s6+s2], $0x80, v4, vm0, $0xb8;
	[tilespmem:$0x10100] =	vst v63  }
0x55: {  	_ = 	snop  }
0x56: {  	[tilespmem:s13], [sflag:$0x1] =	stream.indirect_vreg.gather [hbm4b:s3+s2], $0x80, v3, vm0, $0xb8;
	[tilespmem:$0x10100] =	vst v63  }
0x57: {  	_ = 	snop  }
0x58: {  	[tilespmem:s14], [sflag:$0x1] =	stream.indirect_vreg.gather [hbm4b:s4+s2], $0x80, v3, vm0, $0xb8;
	[tilespmem:$0x10100] =	vst v63  }
0x59: {  	_ = 	snop  }
0x5a: {  	[tilespmem:s15], [sflag:$0x1] =	stream.indirect_vreg.gather [hbm4b:s5+s2], $0x80, v3, vm0, $0xb8;
	[tilespmem:$0x10100] =	vst v63  }
0x5b: {  	s17 =	simm.s32 $0xB800  }
0x5c: {  	[tilespmem:s17], [sflag:$0x1] =	stream.indirect_vreg.gather [hbm4b:s6+s2], $0x80, v3, vm0, $0xb8;
	[tilespmem:$0x10100] =	vst v63  }
0x5d: {  	v3 =	vld [tilespmem:$0x10030];
	_ =	sdelay $0x4  }
0x5e: {  	v59 =	vshll.u32 v3, $0x3  }
0x5f: {  	v3 =	vand.u32 $0x7, v3;
	v4 =	vand.u32 $0xFFFFFFC0, v59  }
0x60: {  	v3 =	vor.u32 v3, v4  }
0x61: {  	v4 =	vperm.xlane v3, v0;
	_ =	sdelay $0x1  }
0x62: {  	v4 =	vadd.s32 v1, v4;
	_ =	sdelay $0x3  }
0x63: {  	s17 =	simm.s32 $0xC000  }
0x64: {  	[tilespmem:s17], [sflag:$0x1] =	stream.indirect_vreg.gather [hbm4b:s3+s2], $0x80, v4, vm0, $0xb8;
	[tilespmem:$0x10100] =	vst v63  }
0x65: {  	v3 =	vperm.xlane v3, v2;
	s17 =	simm.s32 $0xC800  }
0x66: {  	[tilespmem:s17], [sflag:$0x1] =	stream.indirect_vreg.gather [hbm4b:s4+s2], $0x80, v4, vm0, $0xb8;
	[tilespmem:$0x10100] =	vst v63  }
0x67: {  	v3 =	vadd.s32 v1, v3;
	s17 =	simm.s32 $0xD000  }
0x68: {  	[tilespmem:s17], [sflag:$0x1] =	stream.indirect_vreg.gather [hbm4b:s5+s2], $0x80, v4, vm0, $0xb8;
	[tilespmem:$0x10100] =	vst v63  }
0x69: {  	s17 =	simm.s32 $0xD800  }
0x6a: {  	[tilespmem:s17], [sflag:$0x1] =	stream.indirect_vreg.gather [hbm4b:s6+s2], $0x80, v4, vm0, $0xb8;
	[tilespmem:$0x10100] =	vst v63  }
0x6b: {  	s17 =	simm.s32 $0xE000  }
0x6c: {  	[tilespmem:s17], [sflag:$0x1] =	stream.indirect_vreg.gather [hbm4b:s3+s2], $0x80, v3, vm0, $0xb8;
	[tilespmem:$0x10100] =	vst v63  }
0x6d: {  	s17 =	simm.s32 $0xE800  }
0x6e: {  	[tilespmem:s17], [sflag:$0x1] =	stream.indirect_vreg.gather [hbm4b:s4+s2], $0x80, v3, vm0, $0xb8;
	[tilespmem:$0x10100] =	vst v63  }
0x6f: {  	s17 =	simm.s32 $0xF000  }
0x70: {  	[tilespmem:s17], [sflag:$0x1] =	stream.indirect_vreg.gather [hbm4b:s5+s2], $0x80, v3, vm0, $0xb8;
	[tilespmem:$0x10100] =	vst v63  }
0x71: {  	s17 =	simm.s32 $0xF800  }
0x72: {  	[tilespmem:s17], [sflag:$0x1] =	stream.indirect_vreg.gather [hbm4b:s6+s2], $0x80, v3, vm0, $0xb8;
	[tilespmem:$0x10100] =	vst v63  }
0x73: {  	_ =	swait.ge [sflag:s16], $0x10000  }
0x74: {  	[sflag:s16] =	ssyncset.done $0x0  }
0x75: {  	s17 =	rddreg [dreg:$0x4];
	[sflag:s16] =	ssyncadd.s32 $0xFFFF0000  }
0x76: {  	[hbm4b:s17+s2] =	stream.linear.scatter [tilespmem:s2], [sflag:$0x2], $0x10000, $0x38;
	[tilespmem:$0x10100] =	vst v63  }
0x77: {  	_ =	swait.ge [sflag:s8], $0x10000  }
0x78: {  	[sflag:s8] =	ssyncset.done $0x0  }
0x79: {  	[sflag:s8] =	ssyncadd.s32 $0xFFFF0000  }
0x7a: {  	v3 =	vld [tilespmem:$0x10080];
	_ =	sdelay $0x4  }
0x7b: {  	v60 =	vshll.u32 v3, $0x3  }
0x7c: {  	v3 =	vand.u32 $0x7, v3;
	v4 =	vand.u32 $0xFFFFFFC0, v60  }
0x7d: {  	v3 =	vor.u32 v3, v4  }
0x7e: {  	v4 =	vperm.xlane v3, v0;
	_ =	sdelay $0x1  }
0x7f: {  	v4 =	vadd.s32 v1, v4;
	_ =	sdelay $0x4  }
0x80: {  	[tilespmem:s2], [sflag:$0x1] =	stream.indirect_vreg.gather [hbm4b:s3+s2], $0x80, v4, vm0, $0xb8;
	[tilespmem:$0x10100] =	vst v63  }
0x81: {  	v3 =	vperm.xlane v3, v2  }
0x82: {  	[tilespmem:s18], [sflag:$0x1] =	stream.indirect_vreg.gather [hbm4b:s4+s2], $0x80, v4, vm0, $0xb8;
	[tilespmem:$0x10100] =	vst v63  }
0x83: {  	v3 =	vadd.s32 v1, v3  }
0x84: {  	[tilespmem:s19], [sflag:$0x1] =	stream.indirect_vreg.gather [hbm4b:s5+s2], $0x80, v4, vm0, $0xb8;
	[tilespmem:$0x10100] =	vst v63  }
0x85: {  	_ = 	snop  }
0x86: {  	[tilespmem:s20], [sflag:$0x1] =	stream.indirect_vreg.gather [hbm4b:s6+s2], $0x80, v4, vm0, $0xb8;
	[tilespmem:$0x10100] =	vst v63  }
0x87: {  	_ = 	snop  }
0x88: {  	[tilespmem:s21], [sflag:$0x1] =	stream.indirect_vreg.gather [hbm4b:s3+s2], $0x80, v3, vm0, $0xb8;
	[tilespmem:$0x10100] =	vst v63  }
0x89: {  	_ = 	snop  }
0x8a: {  	[tilespmem:s22], [sflag:$0x1] =	stream.indirect_vreg.gather [hbm4b:s4+s2], $0x80, v3, vm0, $0xb8;
	[tilespmem:$0x10100] =	vst v63  }
0x8b: {  	_ = 	snop  }
0x8c: {  	[tilespmem:s23], [sflag:$0x1] =	stream.indirect_vreg.gather [hbm4b:s5+s2], $0x80, v3, vm0, $0xb8;
	[tilespmem:$0x10100] =	vst v63  }
0x8d: {  	_ = 	snop  }
0x8e: {  	[tilespmem:s24], [sflag:$0x1] =	stream.indirect_vreg.gather [hbm4b:s6+s2], $0x80, v3, vm0, $0xb8;
	[tilespmem:$0x10100] =	vst v63  }
0x8f: {  	v3 =	vld [tilespmem:$0x10090];
	_ =	sdelay $0x4  }
0x90: {  	v61 =	vshll.u32 v3, $0x3  }
0x91: {  	v3 =	vand.u32 $0x7, v3;
	v4 =	vand.u32 $0xFFFFFFC0, v61  }
0x92: {  	v3 =	vor.u32 v3, v4  }
0x93: {  	v4 =	vperm.xlane v3, v0;
	_ =	sdelay $0x1  }
0x94: {  	v4 =	vadd.s32 v1, v4;
	_ =	sdelay $0x4  }
0x95: {  	[tilespmem:s25], [sflag:$0x1] =	stream.indirect_vreg.gather [hbm4b:s3+s2], $0x80, v4, vm0, $0xb8;
	[tilespmem:$0x10100] =	vst v63  }
0x96: {  	v3 =	vperm.xlane v3, v2  }
0x97: {  	[tilespmem:s26], [sflag:$0x1] =	stream.indirect_vreg.gather [hbm4b:s4+s2], $0x80, v4, vm0, $0xb8;
	[tilespmem:$0x10100] =	vst v63  }
0x98: {  	v3 =	vadd.s32 v1, v3  }
0x99: {  	[tilespmem:s28], [sflag:$0x1] =	stream.indirect_vreg.gather [hbm4b:s5+s2], $0x80, v4, vm0, $0xb8;
	[tilespmem:$0x10100] =	vst v63  }
0x9a: {  	_ = 	snop  }
0x9b: {  	[tilespmem:s29], [sflag:$0x1] =	stream.indirect_vreg.gather [hbm4b:s6+s2], $0x80, v4, vm0, $0xb8;
	[tilespmem:$0x10100] =	vst v63  }
0x9c: {  	_ = 	snop  }
0x9d: {  	[tilespmem:s30], [sflag:$0x1] =	stream.indirect_vreg.gather [hbm4b:s3+s2], $0x80, v3, vm0, $0xb8;
	[tilespmem:$0x10100] =	vst v63  }
0x9e: {  	_ = 	snop  }
0x9f: {  	[tilespmem:s31], [sflag:$0x1] =	stream.indirect_vreg.gather [hbm4b:s4+s2], $0x80, v3, vm0, $0xb8;
	[tilespmem:$0x10100] =	vst v63  }
0xa0: {  	_ = 	snop  }
0xa1: {  	[tilespmem:s1], [sflag:$0x1] =	stream.indirect_vreg.gather [hbm4b:s5+s2], $0x80, v3, vm0, $0xb8;
	[tilespmem:$0x10100] =	vst v63  }
0xa2: {  	_ = 	snop  }
0xa3: {  	[tilespmem:s0], [sflag:$0x1] =	stream.indirect_vreg.gather [hbm4b:s6+s2], $0x80, v3, vm0, $0xb8;
	[tilespmem:$0x10100] =	vst v63  }
0xa4: {  	v3 =	vld [tilespmem:$0x100A0];
	_ =	sdelay $0x4  }
0xa5: {  	v62 =	vshll.u32 v3, $0x3  }
0xa6: {  	v3 =	vand.u32 $0x7, v3;
	v4 =	vand.u32 $0xFFFFFFC0, v62  }
0xa7: {  	v3 =	vor.u32 v3, v4  }
0xa8: {  	v4 =	vperm.xlane v3, v0;
	_ =	sdelay $0x1  }
0xa9: {  	v4 =	vadd.s32 v1, v4;
	_ =	sdelay $0x4  }
0xaa: {  	[tilespmem:s9], [sflag:$0x1] =	stream.indirect_vreg.gather [hbm4b:s3+s2], $0x80, v4, vm0, $0xb8;
	[tilespmem:$0x10100] =	vst v63  }
0xab: {  	v3 =	vperm.xlane v3, v2  }
0xac: {  	[tilespmem:s10], [sflag:$0x1] =	stream.indirect_vreg.gather [hbm4b:s4+s2], $0x80, v4, vm0, $0xb8;
	[tilespmem:$0x10100] =	vst v63  }
0xad: {  	v3 =	vadd.s32 v1, v3  }
0xae: {  	[tilespmem:s11], [sflag:$0x1] =	stream.indirect_vreg.gather [hbm4b:s5+s2], $0x80, v4, vm0, $0xb8;
	[tilespmem:$0x10100] =	vst v63  }
0xaf: {  	_ = 	snop  }
0xb0: {  	[tilespmem:s12], [sflag:$0x1] =	stream.indirect_vreg.gather [hbm4b:s6+s2], $0x80, v4, vm0, $0xb8;
	[tilespmem:$0x10100] =	vst v63  }
0xb1: {  	_ = 	snop  }
0xb2: {  	[tilespmem:s13], [sflag:$0x1] =	stream.indirect_vreg.gather [hbm4b:s3+s2], $0x80, v3, vm0, $0xb8;
	[tilespmem:$0x10100] =	vst v63  }
0xb3: {  	_ = 	snop  }
0xb4: {  	[tilespmem:s14], [sflag:$0x1] =	stream.indirect_vreg.gather [hbm4b:s4+s2], $0x80, v3, vm0, $0xb8;
	[tilespmem:$0x10100] =	vst v63  }
0xb5: {  	_ = 	snop  }
0xb6: {  	[tilespmem:s15], [sflag:$0x1] =	stream.indirect_vreg.gather [hbm4b:s5+s2], $0x80, v3, vm0, $0xb8;
	[tilespmem:$0x10100] =	vst v63  }
0xb7: {  	s17 =	simm.s32 $0xB800  }
0xb8: {  	[tilespmem:s17], [sflag:$0x1] =	stream.indirect_vreg.gather [hbm4b:s6+s2], $0x80, v3, vm0, $0xb8;
	[tilespmem:$0x10100] =	vst v63  }
0xb9: {  	v3 =	vld [tilespmem:$0x100B0];
	_ =	sdelay $0x4  }
0xba: {  	v63 =	vshll.u32 v3, $0x3  }
0xbb: {  	v3 =	vand.u32 $0x7, v3;
	v4 =	vand.u32 $0xFFFFFFC0, v63  }
0xbc: {  	v3 =	vor.u32 v3, v4  }
0xbd: {  	v4 =	vperm.xlane v3, v0;
	_ =	sdelay $0x1  }
0xbe: {  	v4 =	vadd.s32 v1, v4;
	_ =	sdelay $0x3  }
0xbf: {  	s18 =	simm.s32 $0xC000  }
0xc0: {  	[tilespmem:s18], [sflag:$0x1] =	stream.indirect_vreg.gather [hbm4b:s3+s2], $0x80, v4, vm0, $0xb8;
	[tilespmem:$0x10100] =	vst v63  }
0xc1: {  	s17 =	simm.s32 $0xC800;
	v3 =	vperm.xlane v3, v2  }
0xc2: {  	[tilespmem:s17], [sflag:$0x1] =	stream.indirect_vreg.gather [hbm4b:s4+s2], $0x80, v4, vm0, $0xb8;
	[tilespmem:$0x10100] =	vst v63  }
0xc3: {  	v3 =	vadd.s32 v1, v3;
	s18 =	simm.s32 $0xD000  }
0xc4: {  	[tilespmem:s18], [sflag:$0x1] =	stream.indirect_vreg.gather [hbm4b:s5+s2], $0x80, v4, vm0, $0xb8;
	[tilespmem:$0x10100] =	vst v63  }
0xc5: {  	s17 =	simm.s32 $0xD800  }
0xc6: {  	[tilespmem:s17], [sflag:$0x1] =	stream.indirect_vreg.gather [hbm4b:s6+s2], $0x80, v4, vm0, $0xb8;
	[tilespmem:$0x10100] =	vst v63  }
0xc7: {  	s18 =	simm.s32 $0xE000  }
0xc8: {  	[tilespmem:s18], [sflag:$0x1] =	stream.indirect_vreg.gather [hbm4b:s3+s2], $0x80, v3, vm0, $0xb8;
	[tilespmem:$0x10100] =	vst v63  }
0xc9: {  	s17 =	simm.s32 $0xE800  }
0xca: {  	[tilespmem:s17], [sflag:$0x1] =	stream.indirect_vreg.gather [hbm4b:s4+s2], $0x80, v3, vm0, $0xb8;
	[tilespmem:$0x10100] =	vst v63  }
0xcb: {  	s18 =	simm.s32 $0xF000  }
0xcc: {  	[tilespmem:s18], [sflag:$0x1] =	stream.indirect_vreg.gather [hbm4b:s5+s2], $0x80, v3, vm0, $0xb8;
	[tilespmem:$0x10100] =	vst v63  }
0xcd: {  	s17 =	simm.s32 $0xF800  }
0xce: {  	[tilespmem:s17], [sflag:$0x1] =	stream.indirect_vreg.gather [hbm4b:s6+s2], $0x80, v3, vm0, $0xb8;
	[tilespmem:$0x10100] =	vst v63  }
0xcf: {  	_ =	swait.ge [sflag:s16], $0x10000  }
0xd0: {  	p0 =	sne.s32 s7, $0x1;
	[sflag:s16] =	ssyncset.done $0x0  }
.Ltmp0:
0xd1: {  	s18 =	rddreg [dreg:$0x5];
	[sflag:s16] =	ssyncadd.s32 $0xFFFF0000;
	(pc) =	sbr.rel @p0 .LBB2_1-.Ltmp0, $4  }
0xd2: {  	[hbm4b:s18+s2] =	stream.linear.scatter [tilespmem:s2], [sflag:$0x2], $0x10000, $0x38;
	[tilespmem:$0x10100] =	vst v63  }
0xd3: {  	_ =	swait.ge [sflag:s8], $0x10000  }
0xd4: {  	[sflag:s8] =	ssyncset.done $0x0  }
0xd5: {  	s7 =	sadd.s32 $0xFFFFFFFF, s7;
	[sflag:s8] =	ssyncadd.s32 $0xFFFF0000  }
0xd6: {  	_ =	sfence.sel $0x180000  }
0xd7: {  	[bflag:$0x0] =	sbarrier.arrive $0xFFFF  }
0xd8: {  	_ =	strace $0x9000004A  }
0xd9: {  	s0 =	stileid.u32;
	[bflag:$0x2] =	sbarrier.arrive $0xFFFF  }
0xda: {  	p0 =	sne.s32 s0, $0x0;
	s0 =	rddreg [dreg:$0x1]  }
0xdb: {  	s0 =	sadd.s32 @!p0 $0x100000, s0  }
0xdc: {  	[sflag:s0] =	ssyncadd.tile.s32 @!p0 $0x1;
	_ =	shalt  }
.Lfunc_end2:
_tile_overlayer_lowered:
.L_overlay_start_2:
0xdd: {  	(tag) =	ssettag $0x2  }
0xde: {  	s0 =	rddreg [dreg:$0x0];
	s2 =	stileid.u32  }
0xdf: {  	s1 =	rddreg [dreg:$0x1];
	p0 =	sne.s32 s2, $0x0  }
0xe0: {  	s3 =	rddreg [dreg:$0x2];
	[bflag:$0x3] =	sbarrier.arrive $0xFFFF;
	s2 =	simm.s32 @!p0 $0x1C02  }
0xe1: {  	[timem:s3], [sflag:s2] =	dma.local @!p0 [hbm:s0], s1  }
0xe2: {  	s0 =	simm.s32 @!p0 $0x2  }
0xe3: {  	_ =	swait.ge @!p0 [sflag:s0], s1  }
0xe4: {  	s1 =	ssub.s32 @!p0 $0x0, s1;
	[sflag:s0] =	ssyncset.done @!p0 $0x0  }
0xe5: {  	[sflag:s0] =	ssyncadd.s32 @!p0 s1  }
0xe6: {  	[bflag:$0x3] =	sbarrier.arrive $0xFFFF  }
0xe7: {  	_ =	shalt  }

</sc_bundles>
